<compile_context>
chip_gen: v7x
topology: tpu7x:2x2x1
jax: 0.10.2.dev20260603
libtpu: 0.0.44.dev20260713+nightly
codegen_flags: <defaults>
</compile_context>

<pallas_src>
import functools

import jax
import jax.numpy as jnp
from jax import lax
from jax.experimental import pallas as pl
from jax.experimental.pallas import tpu as pltpu
from jax.experimental.pallas import tpu_sc as plsc

N_NODES = 10000
N_EDGES = 320000
D_FEAT = 128
DIM_H = 32

NC = 2
NS = 16
NW = NC * NS

CHUNK = 128
EROWS = N_EDGES // CHUNK
CH_PER_TILE = 78
NB = 13
RPS = N_NODES // NS
PACK = 4
PROWS = N_NODES // PACK
EPT = CH_PER_TILE * CHUNK
NTAIL = (N_EDGES - NW * EPT) // CHUNK
def _mm_body(x_ref, w_ref, o_ref):
    o_ref[...] = jnp.dot(x_ref[...], w_ref[...],
                         preferred_element_type=jnp.float32)


def _matmul_z(x, w1):
    return pl.pallas_call(
        _mm_body,
        grid=(5,),
        in_specs=[
            pl.BlockSpec((N_NODES // 5, D_FEAT), lambda i: (i, 0)),
            pl.BlockSpec((D_FEAT, DIM_H), lambda i: (0, 0)),
        ],
        out_specs=pl.BlockSpec((N_NODES // 5, DIM_H), lambda i: (i, 0)),
        out_shape=jax.ShapeDtypeStruct((N_NODES, DIM_H), jnp.float32),
    )(x, w1)


def _seg_body(z_hbm, edges_hbm, out_hbm,
              acc_sh, z_sh, src_v, dst_v, tsrc_v, tdst_v, rows_v, trow_v,
              gsem, ssem):
    c = lax.axis_index("c")
    s = lax.axis_index("s")
    w = s * NC + c
    r0 = s * RPS
    @pl.when(c == 0)
    def _():
        pltpu.sync_copy(z_hbm.at[pl.ds(r0, RPS)], acc_sh.at[pl.ds(r0, RPS)])

    pltpu.sync_copy(z_hbm.at[pl.ds(r0, RPS)], z_sh.at[pl.ds(r0, RPS)])

    @pl.when(c != 0)
    def _():
        zv = jnp.zeros((16,), jnp.float32)

        def zstore(i, carry):
            rows_v[0, i // 2, pl.ds((i % 2) * 16, 16)] = zv
            return carry

        lax.fori_loop(0, 2 * CHUNK, zstore, 0)
        for q in range(RPS // CHUNK):
            pltpu.sync_copy(rows_v.at[0],
                            acc_sh.at[pl.ds(r0 + q * CHUNK, CHUNK)])
        rem = RPS % CHUNK
        pltpu.sync_copy(rows_v.at[0, pl.ds(0, rem)],
                        acc_sh.at[pl.ds(r0 + (RPS // CHUNK) * CHUNK, rem)])
    pltpu.sync_copy(edges_hbm.at[0, pl.ds(w * EPT, EPT)], src_v)
    pltpu.sync_copy(edges_hbm.at[1, pl.ds(w * EPT, EPT)], dst_v)

    @pl.when(w < NTAIL)
    def _():
        pltpu.sync_copy(edges_hbm.at[0, pl.ds(NW * EPT + w * CHUNK, CHUNK)],
                        tsrc_v)
        pltpu.sync_copy(edges_hbm.at[1, pl.ds(NW * EPT + w * CHUNK, CHUNK)],
                        tdst_v)

    plsc.subcore_barrier()

    @pl.when(w < NTAIL)
    def _():
        pltpu.async_copy(z_sh.at[tsrc_v], trow_v, gsem).wait()
        pltpu.sync_copy(trow_v, acc_sh.at[tdst_v], add=True)

    def idx(v, i):
        return v.at[pl.ds(i * CHUNK, CHUNK)]

    def wait_gather(b):
        pltpu.make_async_copy(z_sh.at[idx(src_v, 0)], rows_v.at[b],
                              gsem).wait()

    def wait_scatter(b):
        pltpu.make_async_copy(rows_v.at[b], acc_sh.at[idx(dst_v, 0)],
                              ssem).wait()

    for b in range(NB):
        pltpu.async_copy(z_sh.at[idx(src_v, b)], rows_v.at[b], gsem)

    def epoch(e, carry):
        i0 = e * NB
        for b in range(NB):
            wait_gather(b)
            pltpu.async_copy(rows_v.at[b], acc_sh.at[idx(dst_v, i0 + b)],
                             ssem, add=True)
        for b in range(NB):
            wait_scatter(b)
            pltpu.async_copy(z_sh.at[idx(src_v, i0 + NB + b)], rows_v.at[b],
                             gsem)
        return carry

    lax.fori_loop(0, CH_PER_TILE // NB - 1, epoch, 0)
    i0 = CH_PER_TILE - NB
    for b in range(NB):
        wait_gather(b)
        pltpu.async_copy(rows_v.at[b], acc_sh.at[idx(dst_v, i0 + b)],
                         ssem, add=True)
    for b in range(NB):
        wait_scatter(b)
    plsc.subcore_barrier()

    pltpu.sync_copy(acc_sh.at[pl.ds(r0, RPS)], out_hbm.at[c, pl.ds(r0, RPS)])


_seg_sum = functools.partial(
    pl.kernel,
    out_type=jax.ShapeDtypeStruct((NC, N_NODES, DIM_H), jnp.float32),
    mesh=plsc.VectorSubcoreMesh(
        core_axis_name="c", subcore_axis_name="s",
        num_cores=NC, num_subcores=NS),
    scratch_types=[
        pltpu.VMEM_SHARED((N_NODES, DIM_H), jnp.float32),
        pltpu.VMEM_SHARED((N_NODES, DIM_H), jnp.float32),
        pltpu.VMEM((CH_PER_TILE * CHUNK,), jnp.int32),
        pltpu.VMEM((CH_PER_TILE * CHUNK,), jnp.int32),
        pltpu.VMEM((CHUNK,), jnp.int32),
        pltpu.VMEM((CHUNK,), jnp.int32),
        pltpu.VMEM((NB, CHUNK, DIM_H), jnp.float32),
        pltpu.VMEM((CHUNK, DIM_H), jnp.float32),
        pltpu.SemaphoreType.DMA,
        pltpu.SemaphoreType.DMA,
    ],
    compiler_params=pltpu.CompilerParams(use_tc_tiling_on_sc=False),
)(_seg_body)


def _groups_to_32(v):
    return (v[:, 0:DIM_H] + v[:, DIM_H:2 * DIM_H]
            + v[:, 2 * DIM_H:3 * DIM_H] + v[:, 3 * DIM_H:4 * DIM_H])


def _tile4(v):
    return jnp.concatenate([v, v, v, v], axis=1)


def _mlp_body(p_ref, b1p_ref, g4_ref, be4_ref, w2b_ref, b2p_ref,
              wl1b_ref, bl1p_ref, wl2b_ref, bl2_ref, o_ref):
    p = p_ref[...]
    h = p[0] + p[1] + b1p_ref[...]
    mean = _tile4(_groups_to_32(jnp.sum(h, axis=0, keepdims=True))
                  / float(N_NODES))
    d = h - mean
    var = _tile4(_groups_to_32(jnp.sum(d * d, axis=0, keepdims=True))
                 / float(N_NODES))
    h = d * lax.rsqrt(var + 1e-5) * g4_ref[...] + be4_ref[...]
    h = jnp.maximum(h, 0.0)
    h = jnp.dot(h, w2b_ref[...], preferred_element_type=jnp.float32) \
        + b2p_ref[...]
    h = jnp.maximum(h, 0.0)
    h = jnp.dot(h, wl1b_ref[...], preferred_element_type=jnp.float32) \
        + bl1p_ref[...]
    h = jnp.maximum(h, 0.0)
    h = jnp.dot(h, wl2b_ref[...], preferred_element_type=jnp.float32) \
        + bl2_ref[...]
    o_ref[...] = h


def _mlp_head(p_packed, b1, gamma, beta, W2, b2, Wl1, bl1, Wl2, bl2):
    eye4 = jnp.eye(PACK, dtype=jnp.float32)
    return pl.pallas_call(
        _mlp_body,
        out_shape=jax.ShapeDtypeStruct((PROWS, PACK), jnp.float32),
    )(p_packed,
      jnp.tile(b1, PACK).reshape(1, 128),
      jnp.tile(gamma, PACK).reshape(1, 128),
      jnp.tile(beta, PACK).reshape(1, 128),
      jnp.kron(eye4, W2),
      jnp.tile(b2, PACK).reshape(1, 128),
      jnp.kron(eye4, Wl1),
      jnp.tile(bl1, PACK).reshape(1, PACK * DIM_H * 3),
      jnp.kron(eye4, Wl2),
      bl2.reshape(1, 1))


def kernel(x, edge_index, W1, b1, gamma, beta, W2, b2, Wl1, bl1, Wl2, bl2):
    edges = edge_index.astype(jnp.int32)

    z = _matmul_z(x, W1)
    partials = _seg_sum(z, edges)
    p_packed = partials.reshape(NC, PROWS, PACK * DIM_H)
    out = _mlp_head(p_packed, b1, gamma, beta, W2, b2, Wl1, bl1, Wl2, bl2)
    return out.reshape(N_NODES, 1)

# --- scband reference (transcript-rebuilt; emitter-appended) ---
"""Pipeline reference for scband-gin-1967095021811 (READ-ONLY COPY).

The authoritative reference and input builder live on the scoring server;
editing this copy changes nothing except your own understanding.
"""

import jax, jax.numpy as jnp
import numpy as np

N_NODES = 10000
N_EDGES = 320000
D_FEAT = 128
DIM_H = 32


def setup_inputs(seed: int = 0) -> dict:
    key = jax.random.key(seed)
    ks = jax.random.split(key, 12)
    x = jax.random.normal(ks[0], (N_NODES, D_FEAT), dtype=jnp.float32)
    edge_index = jax.random.randint(ks[1], (2, N_EDGES), 0, N_NODES, dtype=jnp.int64)
    # GINConv MLP: Linear(128,32) -> BN(32) -> ReLU -> Linear(32,32) -> ReLU
    W1 = jax.random.normal(ks[2], (D_FEAT, DIM_H), dtype=jnp.float32) * (1.0 / np.sqrt(D_FEAT))
    b1 = jnp.zeros((DIM_H,), dtype=jnp.float32)
    gamma = jnp.ones((DIM_H,), dtype=jnp.float32)
    beta = jnp.zeros((DIM_H,), dtype=jnp.float32)
    W2 = jax.random.normal(ks[3], (DIM_H, DIM_H), dtype=jnp.float32) * (1.0 / np.sqrt(DIM_H))
    b2 = jnp.zeros((DIM_H,), dtype=jnp.float32)
    # lin1: Linear(32, 96)
    Wl1 = jax.random.normal(ks[4], (DIM_H, DIM_H * 3), dtype=jnp.float32) * (1.0 / np.sqrt(DIM_H))
    bl1 = jnp.zeros((DIM_H * 3,), dtype=jnp.float32)
    # lin2: Linear(96, 1) (continuous head)
    Wl2 = jax.random.normal(ks[5], (DIM_H * 3, 1), dtype=jnp.float32) * (1.0 / np.sqrt(DIM_H * 3))
    bl2 = jnp.zeros((1,), dtype=jnp.float32)
    return {"x": x, "edge_index": edge_index, "W1": W1, "b1": b1, "gamma": gamma, "beta": beta, "W2": W2, "b2": b2, "Wl1": Wl1, "bl1": bl1, "Wl2": Wl2, "bl2": bl2}


def reference(x, edge_index, W1, b1, gamma, beta, W2, b2, Wl1, bl1, Wl2, bl2):
    src = edge_index[0]
    dst = edge_index[1]
    # GINConv (sum aggregation, eps=0): h = MLP((1+eps)*x + sum_{j in N(i)} x_j)
    msgs = jnp.take(x, src, axis=0)
    agg = jax.ops.segment_sum(msgs, dst, num_segments=x.shape[0])
    h = x + agg
    # MLP: Linear -> BatchNorm1d (batch stats, training-style, biased var) -> ReLU -> Linear -> ReLU
    h = h @ W1 + b1
    mean = jnp.mean(h, axis=0)
    var = jnp.var(h, axis=0)
    h = (h - mean) / jnp.sqrt(var + 1e-5) * gamma + beta
    h = jax.nn.relu(h)
    h = h @ W2 + b2
    h = jax.nn.relu(h)
    # lin1 + relu
    h = h @ Wl1 + bl1
    h = jax.nn.relu(h)
    # dropout(p=0.5) is identity in eval mode
    # lin2 (continuous head -> [N, 1])
    h = h @ Wl2 + bl2
    return h

if __name__ == "__main__":
    import jax
    _d = setup_inputs()
    print(jax.jit(kernel)(*tuple(_d.values())))

</pallas_src>

<mosaic_0001>
#map = affine_map<(d0, d1) -> (0, 0)>
#map1 = affine_map<(d0, d1) -> (0, 0, 0)>
module attributes {stable_mosaic.version = 14 : i64} {
  func.func @_seg_body(%arg0: i32, %arg1: i32, %arg2: memref<10000x32xf32, #tpu.memory_space<hbm>>, %arg3: memref<2x320000xi32, #tpu.memory_space<hbm>>, %arg4: memref<2x10000x32xf32, #tpu.memory_space<hbm>>, %arg5: memref<10000x32xf32, #tpu.memory_space<vmem_shared>>, %arg6: memref<10000x32xf32, #tpu.memory_space<vmem_shared>>, %arg7: memref<9984xi32, #tpu.memory_space<vmem>>, %arg8: memref<9984xi32, #tpu.memory_space<vmem>>, %arg9: memref<128xi32, #tpu.memory_space<vmem>>, %arg10: memref<128xi32, #tpu.memory_space<vmem>>, %arg11: memref<13x128x32xf32, #tpu.memory_space<vmem>>, %arg12: memref<128x32xf32, #tpu.memory_space<vmem>>, %arg13: memref<!tpu.dma_semaphore, #tpu.memory_space<semaphore_mem>>, %arg14: memref<!tpu.dma_semaphore, #tpu.memory_space<semaphore_mem>>) attributes {dimension_semantics = [#tpu.dimension_semantics<core_parallel>, #tpu.dimension_semantics<subcore_parallel>], iteration_bounds = array<i64: 2, 16>, scalar_prefetch = 0 : i64, scratch_operands = 10 : i64, tpu.core_type = #tpu.core_type<sc_vector_subcore>, window_params = [{transform_indices = #map}, {transform_indices = #map}, {transform_indices = #map1}]} {
    %mul3A = arith.constant 2 : i32
    %mul3A_0 = arith.muli %arg1, %mul3A : i32
    %add3A = arith.addi %mul3A_0, %arg0 : i32
    %mul3A_1 = arith.constant 625 : i32
    %mul3A_2 = arith.muli %arg1, %mul3A_1 : i32
    %eq3A = arith.constant 0 : i32
    %eq3A_3 = arith.cmpi eq, %arg0, %eq3A : i32
    %convert_element_type3A = arith.extui %eq3A_3 : i1 to i32
    %cond3A = arith.constant 0 : i32
    %cond3A_4 = arith.cmpi ne, %convert_element_type3A, %cond3A : i32
    scf.if %cond3A_4 {
      "tpu.region"() ({
        %run_scoped3A_547 = tpu.sem_alloc : memref<!tpu.dma_semaphore, #tpu.memory_space<semaphore_mem>>
        %dma_start3A_548 = arith.constant 0 : i32
        %dma_start3A_549 = tpu.memref_slice %arg5[%mul3A_2, %dma_start3A_548] : memref<10000x32xf32, #tpu.memory_space<vmem_shared>> -> memref<625x32xf32, #tpu.memory_space<vmem_shared>>
        %dma_start3A_550 = arith.constant 0 : i32
        %dma_start3A_551 = tpu.memref_slice %arg2[%mul3A_2, %dma_start3A_550] : memref<10000x32xf32, #tpu.memory_space<hbm>> -> memref<625x32xf32, #tpu.memory_space<hbm>>
        tpu.enqueue_dma source(%dma_start3A_551 : memref<625x32xf32, #tpu.memory_space<hbm>>) target(%dma_start3A_549 : memref<625x32xf32, #tpu.memory_space<vmem_shared>>) target_semaphore(%run_scoped3A_547 : memref<!tpu.dma_semaphore, #tpu.memory_space<semaphore_mem>>)
        %dma_wait3A_552 = arith.constant 0 : i32
        %dma_wait3A_553 = tpu.memref_slice %arg5[%mul3A_2, %dma_wait3A_552] : memref<10000x32xf32, #tpu.memory_space<vmem_shared>> -> memref<625x32xf32, #tpu.memory_space<vmem_shared>>
        %dma_wait3A_554 = arith.constant 0 : i32
        %dma_wait3A_555 = tpu.memref_slice %arg2[%mul3A_2, %dma_wait3A_554] : memref<10000x32xf32, #tpu.memory_space<hbm>> -> memref<625x32xf32, #tpu.memory_space<hbm>>
        tpu.wait_dma2 semaphore(%run_scoped3A_547 : memref<!tpu.dma_semaphore, #tpu.memory_space<semaphore_mem>>) src(%dma_wait3A_555 : memref<625x32xf32, #tpu.memory_space<hbm>>) dst(%dma_wait3A_553 : memref<625x32xf32, #tpu.memory_space<vmem_shared>>)
        tpu.yield
      }) : () -> ()
    } else {
    }
    "tpu.region"() ({
      %run_scoped3A_547 = tpu.sem_alloc : memref<!tpu.dma_semaphore, #tpu.memory_space<semaphore_mem>>
      %dma_start3A_548 = arith.constant 0 : i32
      %dma_start3A_549 = tpu.memref_slice %arg6[%mul3A_2, %dma_start3A_548] : memref<10000x32xf32, #tpu.memory_space<vmem_shared>> -> memref<625x32xf32, #tpu.memory_space<vmem_shared>>
      %dma_start3A_550 = arith.constant 0 : i32
      %dma_start3A_551 = tpu.memref_slice %arg2[%mul3A_2, %dma_start3A_550] : memref<10000x32xf32, #tpu.memory_space<hbm>> -> memref<625x32xf32, #tpu.memory_space<hbm>>
      tpu.enqueue_dma source(%dma_start3A_551 : memref<625x32xf32, #tpu.memory_space<hbm>>) target(%dma_start3A_549 : memref<625x32xf32, #tpu.memory_space<vmem_shared>>) target_semaphore(%run_scoped3A_547 : memref<!tpu.dma_semaphore, #tpu.memory_space<semaphore_mem>>)
      %dma_wait3A_552 = arith.constant 0 : i32
      %dma_wait3A_553 = tpu.memref_slice %arg6[%mul3A_2, %dma_wait3A_552] : memref<10000x32xf32, #tpu.memory_space<vmem_shared>> -> memref<625x32xf32, #tpu.memory_space<vmem_shared>>
      %dma_wait3A_554 = arith.constant 0 : i32
      %dma_wait3A_555 = tpu.memref_slice %arg2[%mul3A_2, %dma_wait3A_554] : memref<10000x32xf32, #tpu.memory_space<hbm>> -> memref<625x32xf32, #tpu.memory_space<hbm>>
      tpu.wait_dma2 semaphore(%run_scoped3A_547 : memref<!tpu.dma_semaphore, #tpu.memory_space<semaphore_mem>>) src(%dma_wait3A_555 : memref<625x32xf32, #tpu.memory_space<hbm>>) dst(%dma_wait3A_553 : memref<625x32xf32, #tpu.memory_space<vmem_shared>>)
      tpu.yield
    }) : () -> ()
    %ne3A = arith.constant 0 : i32
    %ne3A_5 = arith.cmpi ne, %arg0, %ne3A : i32
    %convert_element_type3A_6 = arith.extui %ne3A_5 : i1 to i32
    %cond3A_7 = arith.constant 0 : i32
    %cond3A_8 = arith.cmpi ne, %convert_element_type3A_6, %cond3A_7 : i32
    scf.if %cond3A_8 {
      %broadcast_in_dim3A = arith.constant 0.000000e+00 : f32
      %broadcast_in_dim3A_547 = vector.broadcast %broadcast_in_dim3A : f32 to vector<16xf32>
      %scan3A_548 = arith.constant 0 : i32
      %scan3A_549 = arith.constant 0 : i32
      %scan3A_550 = arith.constant 256 : i32
      %scan3A_551 = arith.addi %scan3A_549, %scan3A_550 : i32
      %scan3A_552 = arith.constant 1 : i32
      scf.for %scan3A_569 = %scan3A_549 to %scan3A_551 step %scan3A_552  : i32 {
        %jit3A = arith.constant 2 : i32
        %div3A = arith.divsi %scan3A_569, %jit3A : i32
        %sign3A = arith.constant 0 : i32
        %sign3A_570 = arith.cmpi sgt, %scan3A_569, %sign3A : i32
        %sign3A_571 = arith.extui %sign3A_570 : i1 to i32
        %sign3A_572 = arith.constant 0 : i32
        %sign3A_573 = arith.cmpi slt, %scan3A_569, %sign3A_572 : i32
        %sign3A_574 = arith.extui %sign3A_573 : i1 to i32
        %sign3A_575 = arith.subi %sign3A_571, %sign3A_574 : i32
        %sign3A_576 = arith.constant 0 : i32
        %sign3A_577 = arith.cmpi sgt, %jit3A, %sign3A_576 : i32
        %sign3A_578 = arith.extui %sign3A_577 : i1 to i32
        %sign3A_579 = arith.constant 0 : i32
        %sign3A_580 = arith.cmpi slt, %jit3A, %sign3A_579 : i32
        %sign3A_581 = arith.extui %sign3A_580 : i1 to i32
        %sign3A_582 = arith.subi %sign3A_578, %sign3A_581 : i32
        %ne3A_583 = arith.cmpi ne, %sign3A_575, %sign3A_582 : i32
        %rem3A = arith.remsi %scan3A_569, %jit3A : i32
        %ne3A_584 = arith.constant 0 : i32
        %ne3A_585 = arith.cmpi ne, %rem3A, %ne3A_584 : i32
        %and3A = arith.andi %ne3A_583, %ne3A_585 : i1
        %sub3A = arith.constant 1 : i32
        %sub3A_586 = arith.subi %div3A, %sub3A : i32
        %select_n3A = arith.select %and3A, %sub3A_586, %div3A : i32
        %jit3A_587 = arith.constant 2 : i32
        %eq3A_588 = arith.constant 0 : i32
        %eq3A_589 = arith.cmpi eq, %jit3A_587, %eq3A_588 : i32
        %jit3A_590 = arith.constant 1 : i32
        %select_n3A_591 = arith.select %eq3A_589, %jit3A_590, %jit3A_587 : i32
        %rem3A_592 = arith.remsi %scan3A_569, %select_n3A_591 : i32
        %ne3A_593 = arith.constant 0 : i32
        %ne3A_594 = arith.cmpi ne, %rem3A_592, %ne3A_593 : i32
        %lt3A_595 = arith.constant 0 : i32
        %lt3A_596 = arith.cmpi slt, %rem3A_592, %lt3A_595 : i32
        %lt3A_597 = arith.constant 0 : i32
        %lt3A_598 = arith.cmpi slt, %select_n3A_591, %lt3A_597 : i32
        %ne3A_599 = arith.xori %lt3A_596, %lt3A_598 : i1
        %and3A_600 = arith.andi %ne3A_599, %ne3A_594 : i1
        %add3A_601 = arith.addi %rem3A_592, %select_n3A_591 : i32
        %select_n3A_602 = arith.select %and3A_600, %add3A_601, %rem3A_592 : i32
        %mul3A_603 = arith.constant 16 : i32
        %mul3A_604 = arith.muli %select_n3A_602, %mul3A_603 : i32
        %swap3A = arith.constant 0 : i32
        %swap3A_605 = arith.index_cast %swap3A : i32 to index
        %swap3A_606 = arith.index_cast %select_n3A : i32 to index
        %swap3A_607 = arith.index_cast %mul3A_604 : i32 to index
        %swap3A_608 = tpu.vector_load %arg11[%swap3A_605, %swap3A_606, %swap3A_607] {strides = array<i32>} : memref<13x128x32xf32, #tpu.memory_space<vmem>>, vector<1x1x16xf32>,
        %swap3A_609 = vector.shape_cast %swap3A_608 : vector<1x1x16xf32> to vector<16xf32>
        %swap3A_610 = vector.shape_cast %broadcast_in_dim3A_547 : vector<16xf32> to vector<1x1x16xf32>
        tpu.vector_store %arg11[%swap3A_605, %swap3A_606, %swap3A_607], %swap3A_610 {strides = array<i32>} : memref<13x128x32xf32, #tpu.memory_space<vmem>>, vector<1x1x16xf32>,
      }
      %scan3A_553 = arith.constant 256 : i32
      %add3A_554 = arith.constant 0 : i32
      %add3A_555 = arith.addi %mul3A_2, %add3A_554 : i32
      %run_scoped3A_556 = arith.constant 0 : i32
      "tpu.region"() ({
        %run_scoped3A_569 = tpu.sem_alloc : memref<!tpu.dma_semaphore, #tpu.memory_space<semaphore_mem>>
        %dma_start3A_570 = arith.constant 0 : i32
        %dma_start3A_571 = arith.constant 0 : i32
        %dma_start3A_572 = tpu.memref_slice %arg11[%run_scoped3A_556, %dma_start3A_570, %dma_start3A_571] : memref<13x128x32xf32, #tpu.memory_space<vmem>> -> memref<1x128x32xf32, #tpu.memory_space<vmem>>
        %dma_start3A_573 = tpu.memref_squeeze %dma_start3A_572 : memref<1x128x32xf32, #tpu.memory_space<vmem>> -> memref<128x32xf32, #tpu.memory_space<vmem>>
        %dma_start3A_574 = arith.constant 0 : i32
        %dma_start3A_575 = tpu.memref_slice %arg5[%add3A_555, %dma_start3A_574] : memref<10000x32xf32, #tpu.memory_space<vmem_shared>> -> memref<128x32xf32, #tpu.memory_space<vmem_shared>>
        %dma_start3A_576 = arith.constant 0 : i32
        %dma_start3A_577 = tpu.memref_slice %arg5[%add3A_555, %dma_start3A_576] : memref<10000x32xf32, #tpu.memory_space<vmem_shared>> -> memref<128x32xf32, #tpu.memory_space<vmem_shared>>
        %dma_start3A_578 = arith.constant 0 : i32
        %dma_start3A_579 = arith.constant 0 : i32
        %dma_start3A_580 = tpu.memref_slice %arg11[%run_scoped3A_556, %dma_start3A_578, %dma_start3A_579] : memref<13x128x32xf32, #tpu.memory_space<vmem>> -> memref<1x128x32xf32, #tpu.memory_space<vmem>>
        %dma_start3A_581 = tpu.memref_squeeze %dma_start3A_580 : memref<1x128x32xf32, #tpu.memory_space<vmem>> -> memref<128x32xf32, #tpu.memory_space<vmem>>
        tpu.enqueue_dma source(%dma_start3A_581 : memref<128x32xf32, #tpu.memory_space<vmem>>) target(%dma_start3A_577 : memref<128x32xf32, #tpu.memory_space<vmem_shared>>) target_semaphore(%run_scoped3A_569 : memref<!tpu.dma_semaphore, #tpu.memory_space<semaphore_mem>>)
        %dma_wait3A_582 = arith.constant 0 : i32
        %dma_wait3A_583 = arith.constant 0 : i32
        %dma_wait3A_584 = tpu.memref_slice %arg11[%run_scoped3A_556, %dma_wait3A_582, %dma_wait3A_583] : memref<13x128x32xf32, #tpu.memory_space<vmem>> -> memref<1x128x32xf32, #tpu.memory_space<vmem>>
        %dma_wait3A_585 = tpu.memref_squeeze %dma_wait3A_584 : memref<1x128x32xf32, #tpu.memory_space<vmem>> -> memref<128x32xf32, #tpu.memory_space<vmem>>
        %dma_wait3A_586 = arith.constant 0 : i32
        %dma_wait3A_587 = tpu.memref_slice %arg5[%add3A_555, %dma_wait3A_586] : memref<10000x32xf32, #tpu.memory_space<vmem_shared>> -> memref<128x32xf32, #tpu.memory_space<vmem_shared>>
        %dma_wait3A_588 = arith.constant 0 : i32
        %dma_wait3A_589 = tpu.memref_slice %arg5[%add3A_555, %dma_wait3A_588] : memref<10000x32xf32, #tpu.memory_space<vmem_shared>> -> memref<128x32xf32, #tpu.memory_space<vmem_shared>>
        %dma_wait3A_590 = arith.constant 0 : i32
        %dma_wait3A_591 = arith.constant 0 : i32
        %dma_wait3A_592 = tpu.memref_slice %arg11[%run_scoped3A_556, %dma_wait3A_590, %dma_wait3A_591] : memref<13x128x32xf32, #tpu.memory_space<vmem>> -> memref<1x128x32xf32, #tpu.memory_space<vmem>>
        %dma_wait3A_593 = tpu.memref_squeeze %dma_wait3A_592 : memref<1x128x32xf32, #tpu.memory_space<vmem>> -> memref<128x32xf32, #tpu.memory_space<vmem>>
        tpu.wait_dma2 semaphore(%run_scoped3A_569 : memref<!tpu.dma_semaphore, #tpu.memory_space<semaphore_mem>>) src(%dma_wait3A_593 : memref<128x32xf32, #tpu.memory_space<vmem>>) dst(%dma_wait3A_589 : memref<128x32xf32, #tpu.memory_space<vmem_shared>>)
        tpu.yield
      }) : () -> ()
      %add3A_557 = arith.constant 128 : i32
      %add3A_558 = arith.addi %mul3A_2, %add3A_557 : i32
      %run_scoped3A_559 = arith.constant 0 : i32
      "tpu.region"() ({
        %run_scoped3A_569 = tpu.sem_alloc : memref<!tpu.dma_semaphore, #tpu.memory_space<semaphore_mem>>
        %dma_start3A_570 = arith.constant 0 : i32
        %dma_start3A_571 = arith.constant 0 : i32
        %dma_start3A_572 = tpu.memref_slice %arg11[%run_scoped3A_559, %dma_start3A_570, %dma_start3A_571] : memref<13x128x32xf32, #tpu.memory_space<vmem>> -> memref<1x128x32xf32, #tpu.memory_space<vmem>>
        %dma_start3A_573 = tpu.memref_squeeze %dma_start3A_572 : memref<1x128x32xf32, #tpu.memory_space<vmem>> -> memref<128x32xf32, #tpu.memory_space<vmem>>
        %dma_start3A_574 = arith.constant 0 : i32
        %dma_start3A_575 = tpu.memref_slice %arg5[%add3A_558, %dma_start3A_574] : memref<10000x32xf32, #tpu.memory_space<vmem_shared>> -> memref<128x32xf32, #tpu.memory_space<vmem_shared>>
        %dma_start3A_576 = arith.constant 0 : i32
        %dma_start3A_577 = tpu.memref_slice %arg5[%add3A_558, %dma_start3A_576] : memref<10000x32xf32, #tpu.memory_space<vmem_shared>> -> memref<128x32xf32, #tpu.memory_space<vmem_shared>>
        %dma_start3A_578 = arith.constant 0 : i32
        %dma_start3A_579 = arith.constant 0 : i32
        %dma_start3A_580 = tpu.memref_slice %arg11[%run_scoped3A_559, %dma_start3A_578, %dma_start3A_579] : memref<13x128x32xf32, #tpu.memory_space<vmem>> -> memref<1x128x32xf32, #tpu.memory_space<vmem>>
        %dma_start3A_581 = tpu.memref_squeeze %dma_start3A_580 : memref<1x128x32xf32, #tpu.memory_space<vmem>> -> memref<128x32xf32, #tpu.memory_space<vmem>>
        tpu.enqueue_dma source(%dma_start3A_581 : memref<128x32xf32, #tpu.memory_space<vmem>>) target(%dma_start3A_577 : memref<128x32xf32, #tpu.memory_space<vmem_shared>>) target_semaphore(%run_scoped3A_569 : memref<!tpu.dma_semaphore, #tpu.memory_space<semaphore_mem>>)
        %dma_wait3A_582 = arith.constant 0 : i32
        %dma_wait3A_583 = arith.constant 0 : i32
        %dma_wait3A_584 = tpu.memref_slice %arg11[%run_scoped3A_559, %dma_wait3A_582, %dma_wait3A_583] : memref<13x128x32xf32, #tpu.memory_space<vmem>> -> memref<1x128x32xf32, #tpu.memory_space<vmem>>
        %dma_wait3A_585 = tpu.memref_squeeze %dma_wait3A_584 : memref<1x128x32xf32, #tpu.memory_space<vmem>> -> memref<128x32xf32, #tpu.memory_space<vmem>>
        %dma_wait3A_586 = arith.constant 0 : i32
        %dma_wait3A_587 = tpu.memref_slice %arg5[%add3A_558, %dma_wait3A_586] : memref<10000x32xf32, #tpu.memory_space<vmem_shared>> -> memref<128x32xf32, #tpu.memory_space<vmem_shared>>
        %dma_wait3A_588 = arith.constant 0 : i32
        %dma_wait3A_589 = tpu.memref_slice %arg5[%add3A_558, %dma_wait3A_588] : memref<10000x32xf32, #tpu.memory_space<vmem_shared>> -> memref<128x32xf32, #tpu.memory_space<vmem_shared>>
        %dma_wait3A_590 = arith.constant 0 : i32
        %dma_wait3A_591 = arith.constant 0 : i32
        %dma_wait3A_592 = tpu.memref_slice %arg11[%run_scoped3A_559, %dma_wait3A_590, %dma_wait3A_591] : memref<13x128x32xf32, #tpu.memory_space<vmem>> -> memref<1x128x32xf32, #tpu.memory_space<vmem>>
        %dma_wait3A_593 = tpu.memref_squeeze %dma_wait3A_592 : memref<1x128x32xf32, #tpu.memory_space<vmem>> -> memref<128x32xf32, #tpu.memory_space<vmem>>
        tpu.wait_dma2 semaphore(%run_scoped3A_569 : memref<!tpu.dma_semaphore, #tpu.memory_space<semaphore_mem>>) src(%dma_wait3A_593 : memref<128x32xf32, #tpu.memory_space<vmem>>) dst(%dma_wait3A_589 : memref<128x32xf32, #tpu.memory_space<vmem_shared>>)
        tpu.yield
      }) : () -> ()
      %add3A_560 = arith.constant 256 : i32
      %add3A_561 = arith.addi %mul3A_2, %add3A_560 : i32
      %run_scoped3A_562 = arith.constant 0 : i32
      "tpu.region"() ({
        %run_scoped3A_569 = tpu.sem_alloc : memref<!tpu.dma_semaphore, #tpu.memory_space<semaphore_mem>>
        %dma_start3A_570 = arith.constant 0 : i32
        %dma_start3A_571 = arith.constant 0 : i32
        %dma_start3A_572 = tpu.memref_slice %arg11[%run_scoped3A_562, %dma_start3A_570, %dma_start3A_571] : memref<13x128x32xf32, #tpu.memory_space<vmem>> -> memref<1x128x32xf32, #tpu.memory_space<vmem>>
        %dma_start3A_573 = tpu.memref_squeeze %dma_start3A_572 : memref<1x128x32xf32, #tpu.memory_space<vmem>> -> memref<128x32xf32, #tpu.memory_space<vmem>>
        %dma_start3A_574 = arith.constant 0 : i32
        %dma_start3A_575 = tpu.memref_slice %arg5[%add3A_561, %dma_start3A_574] : memref<10000x32xf32, #tpu.memory_space<vmem_shared>> -> memref<128x32xf32, #tpu.memory_space<vmem_shared>>
        %dma_start3A_576 = arith.constant 0 : i32
        %dma_start3A_577 = tpu.memref_slice %arg5[%add3A_561, %dma_start3A_576] : memref<10000x32xf32, #tpu.memory_space<vmem_shared>> -> memref<128x32xf32, #tpu.memory_space<vmem_shared>>
        %dma_start3A_578 = arith.constant 0 : i32
        %dma_start3A_579 = arith.constant 0 : i32
        %dma_start3A_580 = tpu.memref_slice %arg11[%run_scoped3A_562, %dma_start3A_578, %dma_start3A_579] : memref<13x128x32xf32, #tpu.memory_space<vmem>> -> memref<1x128x32xf32, #tpu.memory_space<vmem>>
        %dma_start3A_581 = tpu.memref_squeeze %dma_start3A_580 : memref<1x128x32xf32, #tpu.memory_space<vmem>> -> memref<128x32xf32, #tpu.memory_space<vmem>>
        tpu.enqueue_dma source(%dma_start3A_581 : memref<128x32xf32, #tpu.memory_space<vmem>>) target(%dma_start3A_577 : memref<128x32xf32, #tpu.memory_space<vmem_shared>>) target_semaphore(%run_scoped3A_569 : memref<!tpu.dma_semaphore, #tpu.memory_space<semaphore_mem>>)
        %dma_wait3A_582 = arith.constant 0 : i32
        %dma_wait3A_583 = arith.constant 0 : i32
        %dma_wait3A_584 = tpu.memref_slice %arg11[%run_scoped3A_562, %dma_wait3A_582, %dma_wait3A_583] : memref<13x128x32xf32, #tpu.memory_space<vmem>> -> memref<1x128x32xf32, #tpu.memory_space<vmem>>
        %dma_wait3A_585 = tpu.memref_squeeze %dma_wait3A_584 : memref<1x128x32xf32, #tpu.memory_space<vmem>> -> memref<128x32xf32, #tpu.memory_space<vmem>>
        %dma_wait3A_586 = arith.constant 0 : i32
        %dma_wait3A_587 = tpu.memref_slice %arg5[%add3A_561, %dma_wait3A_586] : memref<10000x32xf32, #tpu.memory_space<vmem_shared>> -> memref<128x32xf32, #tpu.memory_space<vmem_shared>>
        %dma_wait3A_588 = arith.constant 0 : i32
        %dma_wait3A_589 = tpu.memref_slice %arg5[%add3A_561, %dma_wait3A_588] : memref<10000x32xf32, #tpu.memory_space<vmem_shared>> -> memref<128x32xf32, #tpu.memory_space<vmem_shared>>
        %dma_wait3A_590 = arith.constant 0 : i32
        %dma_wait3A_591 = arith.constant 0 : i32
        %dma_wait3A_592 = tpu.memref_slice %arg11[%run_scoped3A_562, %dma_wait3A_590, %dma_wait3A_591] : memref<13x128x32xf32, #tpu.memory_space<vmem>> -> memref<1x128x32xf32, #tpu.memory_space<vmem>>
        %dma_wait3A_593 = tpu.memref_squeeze %dma_wait3A_592 : memref<1x128x32xf32, #tpu.memory_space<vmem>> -> memref<128x32xf32, #tpu.memory_space<vmem>>
        tpu.wait_dma2 semaphore(%run_scoped3A_569 : memref<!tpu.dma_semaphore, #tpu.memory_space<semaphore_mem>>) src(%dma_wait3A_593 : memref<128x32xf32, #tpu.memory_space<vmem>>) dst(%dma_wait3A_589 : memref<128x32xf32, #tpu.memory_space<vmem_shared>>)
        tpu.yield
      }) : () -> ()
      %add3A_563 = arith.constant 384 : i32
      %add3A_564 = arith.addi %mul3A_2, %add3A_563 : i32
      %run_scoped3A_565 = arith.constant 0 : i32
      "tpu.region"() ({
        %run_scoped3A_569 = tpu.sem_alloc : memref<!tpu.dma_semaphore, #tpu.memory_space<semaphore_mem>>
        %dma_start3A_570 = arith.constant 0 : i32
        %dma_start3A_571 = arith.constant 0 : i32
        %dma_start3A_572 = tpu.memref_slice %arg11[%run_scoped3A_565, %dma_start3A_570, %dma_start3A_571] : memref<13x128x32xf32, #tpu.memory_space<vmem>> -> memref<1x128x32xf32, #tpu.memory_space<vmem>>
        %dma_start3A_573 = tpu.memref_squeeze %dma_start3A_572 : memref<1x128x32xf32, #tpu.memory_space<vmem>> -> memref<128x32xf32, #tpu.memory_space<vmem>>
        %dma_start3A_574 = arith.constant 0 : i32
        %dma_start3A_575 = tpu.memref_slice %arg5[%add3A_564, %dma_start3A_574] : memref<10000x32xf32, #tpu.memory_space<vmem_shared>> -> memref<128x32xf32, #tpu.memory_space<vmem_shared>>
        %dma_start3A_576 = arith.constant 0 : i32
        %dma_start3A_577 = tpu.memref_slice %arg5[%add3A_564, %dma_start3A_576] : memref<10000x32xf32, #tpu.memory_space<vmem_shared>> -> memref<128x32xf32, #tpu.memory_space<vmem_shared>>
        %dma_start3A_578 = arith.constant 0 : i32
        %dma_start3A_579 = arith.constant 0 : i32
        %dma_start3A_580 = tpu.memref_slice %arg11[%run_scoped3A_565, %dma_start3A_578, %dma_start3A_579] : memref<13x128x32xf32, #tpu.memory_space<vmem>> -> memref<1x128x32xf32, #tpu.memory_space<vmem>>
        %dma_start3A_581 = tpu.memref_squeeze %dma_start3A_580 : memref<1x128x32xf32, #tpu.memory_space<vmem>> -> memref<128x32xf32, #tpu.memory_space<vmem>>
        tpu.enqueue_dma source(%dma_start3A_581 : memref<128x32xf32, #tpu.memory_space<vmem>>) target(%dma_start3A_577 : memref<128x32xf32, #tpu.memory_space<vmem_shared>>) target_semaphore(%run_scoped3A_569 : memref<!tpu.dma_semaphore, #tpu.memory_space<semaphore_mem>>)
        %dma_wait3A_582 = arith.constant 0 : i32
        %dma_wait3A_583 = arith.constant 0 : i32
        %dma_wait3A_584 = tpu.memref_slice %arg11[%run_scoped3A_565, %dma_wait3A_582, %dma_wait3A_583] : memref<13x128x32xf32, #tpu.memory_space<vmem>> -> memref<1x128x32xf32, #tpu.memory_space<vmem>>
        %dma_wait3A_585 = tpu.memref_squeeze %dma_wait3A_584 : memref<1x128x32xf32, #tpu.memory_space<vmem>> -> memref<128x32xf32, #tpu.memory_space<vmem>>
        %dma_wait3A_586 = arith.constant 0 : i32
        %dma_wait3A_587 = tpu.memref_slice %arg5[%add3A_564, %dma_wait3A_586] : memref<10000x32xf32, #tpu.memory_space<vmem_shared>> -> memref<128x32xf32, #tpu.memory_space<vmem_shared>>
        %dma_wait3A_588 = arith.constant 0 : i32
        %dma_wait3A_589 = tpu.memref_slice %arg5[%add3A_564, %dma_wait3A_588] : memref<10000x32xf32, #tpu.memory_space<vmem_shared>> -> memref<128x32xf32, #tpu.memory_space<vmem_shared>>
        %dma_wait3A_590 = arith.constant 0 : i32
        %dma_wait3A_591 = arith.constant 0 : i32
        %dma_wait3A_592 = tpu.memref_slice %arg11[%run_scoped3A_565, %dma_wait3A_590, %dma_wait3A_591] : memref<13x128x32xf32, #tpu.memory_space<vmem>> -> memref<1x128x32xf32, #tpu.memory_space<vmem>>
        %dma_wait3A_593 = tpu.memref_squeeze %dma_wait3A_592 : memref<1x128x32xf32, #tpu.memory_space<vmem>> -> memref<128x32xf32, #tpu.memory_space<vmem>>
        tpu.wait_dma2 semaphore(%run_scoped3A_569 : memref<!tpu.dma_semaphore, #tpu.memory_space<semaphore_mem>>) src(%dma_wait3A_593 : memref<128x32xf32, #tpu.memory_space<vmem>>) dst(%dma_wait3A_589 : memref<128x32xf32, #tpu.memory_space<vmem_shared>>)
        tpu.yield
      }) : () -> ()
      %add3A_566 = arith.constant 512 : i32
      %add3A_567 = arith.addi %mul3A_2, %add3A_566 : i32
      %run_scoped3A_568 = arith.constant 0 : i32
      "tpu.region"() ({
        %run_scoped3A_569 = tpu.sem_alloc : memref<!tpu.dma_semaphore, #tpu.memory_space<semaphore_mem>>
        %dma_start3A_570 = arith.constant 0 : i32
        %dma_start3A_571 = arith.constant 0 : i32
        %dma_start3A_572 = tpu.memref_slice %arg11[%run_scoped3A_568, %dma_start3A_570, %dma_start3A_571] : memref<13x128x32xf32, #tpu.memory_space<vmem>> -> memref<1x113x32xf32, #tpu.memory_space<vmem>>
        %dma_start3A_573 = tpu.memref_squeeze %dma_start3A_572 : memref<1x113x32xf32, #tpu.memory_space<vmem>> -> memref<113x32xf32, #tpu.memory_space<vmem>>
        %dma_start3A_574 = arith.constant 0 : i32
        %dma_start3A_575 = tpu.memref_slice %arg5[%add3A_567, %dma_start3A_574] : memref<10000x32xf32, #tpu.memory_space<vmem_shared>> -> memref<113x32xf32, #tpu.memory_space<vmem_shared>>
        %dma_start3A_576 = arith.constant 0 : i32
        %dma_start3A_577 = tpu.memref_slice %arg5[%add3A_567, %dma_start3A_576] : memref<10000x32xf32, #tpu.memory_space<vmem_shared>> -> memref<113x32xf32, #tpu.memory_space<vmem_shared>>
        %dma_start3A_578 = arith.constant 0 : i32
        %dma_start3A_579 = arith.constant 0 : i32
        %dma_start3A_580 = tpu.memref_slice %arg11[%run_scoped3A_568, %dma_start3A_578, %dma_start3A_579] : memref<13x128x32xf32, #tpu.memory_space<vmem>> -> memref<1x113x32xf32, #tpu.memory_space<vmem>>
        %dma_start3A_581 = tpu.memref_squeeze %dma_start3A_580 : memref<1x113x32xf32, #tpu.memory_space<vmem>> -> memref<113x32xf32, #tpu.memory_space<vmem>>
        tpu.enqueue_dma source(%dma_start3A_581 : memref<113x32xf32, #tpu.memory_space<vmem>>) target(%dma_start3A_577 : memref<113x32xf32, #tpu.memory_space<vmem_shared>>) target_semaphore(%run_scoped3A_569 : memref<!tpu.dma_semaphore, #tpu.memory_space<semaphore_mem>>)
        %dma_wait3A_582 = arith.constant 0 : i32
        %dma_wait3A_583 = arith.constant 0 : i32
        %dma_wait3A_584 = tpu.memref_slice %arg11[%run_scoped3A_568, %dma_wait3A_582, %dma_wait3A_583] : memref<13x128x32xf32, #tpu.memory_space<vmem>> -> memref<1x113x32xf32, #tpu.memory_space<vmem>>
        %dma_wait3A_585 = tpu.memref_squeeze %dma_wait3A_584 : memref<1x113x32xf32, #tpu.memory_space<vmem>> -> memref<113x32xf32, #tpu.memory_space<vmem>>
        %dma_wait3A_586 = arith.constant 0 : i32
        %dma_wait3A_587 = tpu.memref_slice %arg5[%add3A_567, %dma_wait3A_586] : memref<10000x32xf32, #tpu.memory_space<vmem_shared>> -> memref<113x32xf32, #tpu.memory_space<vmem_shared>>
        %dma_wait3A_588 = arith.constant 0 : i32
        %dma_wait3A_589 = tpu.memref_slice %arg5[%add3A_567, %dma_wait3A_588] : memref<10000x32xf32, #tpu.memory_space<vmem_shared>> -> memref<113x32xf32, #tpu.memory_space<vmem_shared>>
        %dma_wait3A_590 = arith.constant 0 : i32
        %dma_wait3A_591 = arith.constant 0 : i32
        %dma_wait3A_592 = tpu.memref_slice %arg11[%run_scoped3A_568, %dma_wait3A_590, %dma_wait3A_591] : memref<13x128x32xf32, #tpu.memory_space<vmem>> -> memref<1x113x32xf32, #tpu.memory_space<vmem>>
        %dma_wait3A_593 = tpu.memref_squeeze %dma_wait3A_592 : memref<1x113x32xf32, #tpu.memory_space<vmem>> -> memref<113x32xf32, #tpu.memory_space<vmem>>
        tpu.wait_dma2 semaphore(%run_scoped3A_569 : memref<!tpu.dma_semaphore, #tpu.memory_space<semaphore_mem>>) src(%dma_wait3A_593 : memref<113x32xf32, #tpu.memory_space<vmem>>) dst(%dma_wait3A_589 : memref<113x32xf32, #tpu.memory_space<vmem_shared>>)
        tpu.yield
      }) : () -> ()
    } else {
    }
    %mul3A_9 = arith.constant 9984 : i32
    %mul3A_10 = arith.muli %add3A, %mul3A_9 : i32
    %run_scoped3A = arith.constant 0 : i32
    "tpu.region"() ({
      %run_scoped3A_547 = tpu.sem_alloc : memref<!tpu.dma_semaphore, #tpu.memory_space<semaphore_mem>>
      %dma_start3A_548 = tpu.memref_slice %arg3[%run_scoped3A, %mul3A_10] : memref<2x320000xi32, #tpu.memory_space<hbm>> -> memref<1x9984xi32, #tpu.memory_space<hbm>>
      %dma_start3A_549 = tpu.memref_squeeze %dma_start3A_548 : memref<1x9984xi32, #tpu.memory_space<hbm>> -> memref<9984xi32, #tpu.memory_space<hbm>>
      %dma_start3A_550 = tpu.memref_slice %arg3[%run_scoped3A, %mul3A_10] : memref<2x320000xi32, #tpu.memory_space<hbm>> -> memref<1x9984xi32, #tpu.memory_space<hbm>>
      %dma_start3A_551 = tpu.memref_squeeze %dma_start3A_550 : memref<1x9984xi32, #tpu.memory_space<hbm>> -> memref<9984xi32, #tpu.memory_space<hbm>>
      tpu.enqueue_dma source(%dma_start3A_551 : memref<9984xi32, #tpu.memory_space<hbm>>) target(%arg7 : memref<9984xi32, #tpu.memory_space<vmem>>) target_semaphore(%run_scoped3A_547 : memref<!tpu.dma_semaphore, #tpu.memory_space<semaphore_mem>>)
      %dma_wait3A_552 = tpu.memref_slice %arg3[%run_scoped3A, %mul3A_10] : memref<2x320000xi32, #tpu.memory_space<hbm>> -> memref<1x9984xi32, #tpu.memory_space<hbm>>
      %dma_wait3A_553 = tpu.memref_squeeze %dma_wait3A_552 : memref<1x9984xi32, #tpu.memory_space<hbm>> -> memref<9984xi32, #tpu.memory_space<hbm>>
      %dma_wait3A_554 = tpu.memref_slice %arg3[%run_scoped3A, %mul3A_10] : memref<2x320000xi32, #tpu.memory_space<hbm>> -> memref<1x9984xi32, #tpu.memory_space<hbm>>
      %dma_wait3A_555 = tpu.memref_squeeze %dma_wait3A_554 : memref<1x9984xi32, #tpu.memory_space<hbm>> -> memref<9984xi32, #tpu.memory_space<hbm>>
      tpu.wait_dma2 semaphore(%run_scoped3A_547 : memref<!tpu.dma_semaphore, #tpu.memory_space<semaphore_mem>>) src(%dma_wait3A_555 : memref<9984xi32, #tpu.memory_space<hbm>>) dst(%arg7 : memref<9984xi32, #tpu.memory_space<vmem>>)
      tpu.yield
    }) : () -> ()
    %mul3A_11 = arith.constant 9984 : i32
    %mul3A_12 = arith.muli %add3A, %mul3A_11 : i32
    %run_scoped3A_13 = arith.constant 1 : i32
    "tpu.region"() ({
      %run_scoped3A_547 = tpu.sem_alloc : memref<!tpu.dma_semaphore, #tpu.memory_space<semaphore_mem>>
      %dma_start3A_548 = tpu.memref_slice %arg3[%run_scoped3A_13, %mul3A_12] : memref<2x320000xi32, #tpu.memory_space<hbm>> -> memref<1x9984xi32, #tpu.memory_space<hbm>>
      %dma_start3A_549 = tpu.memref_squeeze %dma_start3A_548 : memref<1x9984xi32, #tpu.memory_space<hbm>> -> memref<9984xi32, #tpu.memory_space<hbm>>
      %dma_start3A_550 = tpu.memref_slice %arg3[%run_scoped3A_13, %mul3A_12] : memref<2x320000xi32, #tpu.memory_space<hbm>> -> memref<1x9984xi32, #tpu.memory_space<hbm>>
      %dma_start3A_551 = tpu.memref_squeeze %dma_start3A_550 : memref<1x9984xi32, #tpu.memory_space<hbm>> -> memref<9984xi32, #tpu.memory_space<hbm>>
      tpu.enqueue_dma source(%dma_start3A_551 : memref<9984xi32, #tpu.memory_space<hbm>>) target(%arg8 : memref<9984xi32, #tpu.memory_space<vmem>>) target_semaphore(%run_scoped3A_547 : memref<!tpu.dma_semaphore, #tpu.memory_space<semaphore_mem>>)
      %dma_wait3A_552 = tpu.memref_slice %arg3[%run_scoped3A_13, %mul3A_12] : memref<2x320000xi32, #tpu.memory_space<hbm>> -> memref<1x9984xi32, #tpu.memory_space<hbm>>
      %dma_wait3A_553 = tpu.memref_squeeze %dma_wait3A_552 : memref<1x9984xi32, #tpu.memory_space<hbm>> -> memref<9984xi32, #tpu.memory_space<hbm>>
      %dma_wait3A_554 = tpu.memref_slice %arg3[%run_scoped3A_13, %mul3A_12] : memref<2x320000xi32, #tpu.memory_space<hbm>> -> memref<1x9984xi32, #tpu.memory_space<hbm>>
      %dma_wait3A_555 = tpu.memref_squeeze %dma_wait3A_554 : memref<1x9984xi32, #tpu.memory_space<hbm>> -> memref<9984xi32, #tpu.memory_space<hbm>>
      tpu.wait_dma2 semaphore(%run_scoped3A_547 : memref<!tpu.dma_semaphore, #tpu.memory_space<semaphore_mem>>) src(%dma_wait3A_555 : memref<9984xi32, #tpu.memory_space<hbm>>) dst(%arg8 : memref<9984xi32, #tpu.memory_space<vmem>>)
      tpu.yield
    }) : () -> ()
    %lt3A = arith.constant 4 : i32
    %lt3A_14 = arith.cmpi slt, %add3A, %lt3A : i32
    %convert_element_type3A_15 = arith.extui %lt3A_14 : i1 to i32
    %cond3A_16 = arith.constant 0 : i32
    %cond3A_17 = arith.cmpi ne, %convert_element_type3A_15, %cond3A_16 : i32
    scf.if %cond3A_17 {
      %mul3A_547 = arith.constant 128 : i32
      %mul3A_548 = arith.muli %add3A, %mul3A_547 : i32
      %add3A_549 = arith.constant 319488 : i32
      %add3A_550 = arith.addi %add3A_549, %mul3A_548 : i32
      %run_scoped3A_551 = arith.constant 0 : i32
      "tpu.region"() ({
        %run_scoped3A_557 = tpu.sem_alloc : memref<!tpu.dma_semaphore, #tpu.memory_space<semaphore_mem>>
        %dma_start3A_558 = tpu.memref_slice %arg3[%run_scoped3A_551, %add3A_550] : memref<2x320000xi32, #tpu.memory_space<hbm>> -> memref<1x128xi32, #tpu.memory_space<hbm>>
        %dma_start3A_559 = tpu.memref_squeeze %dma_start3A_558 : memref<1x128xi32, #tpu.memory_space<hbm>> -> memref<128xi32, #tpu.memory_space<hbm>>
        %dma_start3A_560 = tpu.memref_slice %arg3[%run_scoped3A_551, %add3A_550] : memref<2x320000xi32, #tpu.memory_space<hbm>> -> memref<1x128xi32, #tpu.memory_space<hbm>>
        %dma_start3A_561 = tpu.memref_squeeze %dma_start3A_560 : memref<1x128xi32, #tpu.memory_space<hbm>> -> memref<128xi32, #tpu.memory_space<hbm>>
        tpu.enqueue_dma source(%dma_start3A_561 : memref<128xi32, #tpu.memory_space<hbm>>) target(%arg9 : memref<128xi32, #tpu.memory_space<vmem>>) target_semaphore(%run_scoped3A_557 : memref<!tpu.dma_semaphore, #tpu.memory_space<semaphore_mem>>)
        %dma_wait3A_562 = tpu.memref_slice %arg3[%run_scoped3A_551, %add3A_550] : memref<2x320000xi32, #tpu.memory_space<hbm>> -> memref<1x128xi32, #tpu.memory_space<hbm>>
        %dma_wait3A_563 = tpu.memref_squeeze %dma_wait3A_562 : memref<1x128xi32, #tpu.memory_space<hbm>> -> memref<128xi32, #tpu.memory_space<hbm>>
        %dma_wait3A_564 = tpu.memref_slice %arg3[%run_scoped3A_551, %add3A_550] : memref<2x320000xi32, #tpu.memory_space<hbm>> -> memref<1x128xi32, #tpu.memory_space<hbm>>
        %dma_wait3A_565 = tpu.memref_squeeze %dma_wait3A_564 : memref<1x128xi32, #tpu.memory_space<hbm>> -> memref<128xi32, #tpu.memory_space<hbm>>
        tpu.wait_dma2 semaphore(%run_scoped3A_557 : memref<!tpu.dma_semaphore, #tpu.memory_space<semaphore_mem>>) src(%dma_wait3A_565 : memref<128xi32, #tpu.memory_space<hbm>>) dst(%arg9 : memref<128xi32, #tpu.memory_space<vmem>>)
        tpu.yield
      }) : () -> ()
      %mul3A_552 = arith.constant 128 : i32
      %mul3A_553 = arith.muli %add3A, %mul3A_552 : i32
      %add3A_554 = arith.constant 319488 : i32
      %add3A_555 = arith.addi %add3A_554, %mul3A_553 : i32
      %run_scoped3A_556 = arith.constant 1 : i32
      "tpu.region"() ({
        %run_scoped3A_557 = tpu.sem_alloc : memref<!tpu.dma_semaphore, #tpu.memory_space<semaphore_mem>>
        %dma_start3A_558 = tpu.memref_slice %arg3[%run_scoped3A_556, %add3A_555] : memref<2x320000xi32, #tpu.memory_space<hbm>> -> memref<1x128xi32, #tpu.memory_space<hbm>>
        %dma_start3A_559 = tpu.memref_squeeze %dma_start3A_558 : memref<1x128xi32, #tpu.memory_space<hbm>> -> memref<128xi32, #tpu.memory_space<hbm>>
        %dma_start3A_560 = tpu.memref_slice %arg3[%run_scoped3A_556, %add3A_555] : memref<2x320000xi32, #tpu.memory_space<hbm>> -> memref<1x128xi32, #tpu.memory_space<hbm>>
        %dma_start3A_561 = tpu.memref_squeeze %dma_start3A_560 : memref<1x128xi32, #tpu.memory_space<hbm>> -> memref<128xi32, #tpu.memory_space<hbm>>
        tpu.enqueue_dma source(%dma_start3A_561 : memref<128xi32, #tpu.memory_space<hbm>>) target(%arg10 : memref<128xi32, #tpu.memory_space<vmem>>) target_semaphore(%run_scoped3A_557 : memref<!tpu.dma_semaphore, #tpu.memory_space<semaphore_mem>>)
        %dma_wait3A_562 = tpu.memref_slice %arg3[%run_scoped3A_556, %add3A_555] : memref<2x320000xi32, #tpu.memory_space<hbm>> -> memref<1x128xi32, #tpu.memory_space<hbm>>
        %dma_wait3A_563 = tpu.memref_squeeze %dma_wait3A_562 : memref<1x128xi32, #tpu.memory_space<hbm>> -> memref<128xi32, #tpu.memory_space<hbm>>
        %dma_wait3A_564 = tpu.memref_slice %arg3[%run_scoped3A_556, %add3A_555] : memref<2x320000xi32, #tpu.memory_space<hbm>> -> memref<1x128xi32, #tpu.memory_space<hbm>>
        %dma_wait3A_565 = tpu.memref_squeeze %dma_wait3A_564 : memref<1x128xi32, #tpu.memory_space<hbm>> -> memref<128xi32, #tpu.memory_space<hbm>>
        tpu.wait_dma2 semaphore(%run_scoped3A_557 : memref<!tpu.dma_semaphore, #tpu.memory_space<semaphore_mem>>) src(%dma_wait3A_565 : memref<128xi32, #tpu.memory_space<hbm>>) dst(%arg10 : memref<128xi32, #tpu.memory_space<vmem>>)
        tpu.yield
      }) : () -> ()
    } else {
    }
    %barrier3A = arith.constant 0 : index
    tpu.barrier barrier_id(%barrier3A)
    %lt3A_18 = arith.constant 4 : i32
    %lt3A_19 = arith.cmpi slt, %add3A, %lt3A_18 : i32
    %convert_element_type3A_20 = arith.extui %lt3A_19 : i1 to i32
    %cond3A_21 = arith.constant 0 : i32
    %cond3A_22 = arith.cmpi ne, %convert_element_type3A_20, %cond3A_21 : i32
    scf.if %cond3A_22 {
      %dma_start3A_547 = arith.constant 0 : i32
      %dma_start3A_548 = arith.constant 0 : i32
      %dma_start3A_549 = tpu.memref_slice %arg6[%dma_start3A_547, %dma_start3A_548] : memref<10000x32xf32, #tpu.memory_space<vmem_shared>> -> memref<10000x32xf32, #tpu.memory_space<vmem_shared>>
      tpu.enqueue_indirect_dma source(%dma_start3A_549 : memref<10000x32xf32, #tpu.memory_space<vmem_shared>>) target(%arg12 : memref<128x32xf32, #tpu.memory_space<vmem>>) offsets(%arg9 : memref<128xi32, #tpu.memory_space<vmem>>) semaphore(%arg13 : memref<!tpu.dma_semaphore, #tpu.memory_space<semaphore_mem>>)
      %dma_wait3A_550 = arith.constant 0 : i32
      %dma_wait3A_551 = arith.constant 0 : i32
      %dma_wait3A_552 = tpu.memref_slice %arg6[%dma_wait3A_550, %dma_wait3A_551] : memref<10000x32xf32, #tpu.memory_space<vmem_shared>> -> memref<10000x32xf32, #tpu.memory_space<vmem_shared>>
      tpu.wait_indirect_dma semaphore(%arg13 : memref<!tpu.dma_semaphore, #tpu.memory_space<semaphore_mem>>) src(%dma_wait3A_552 : memref<10000x32xf32, #tpu.memory_space<vmem_shared>>) dst(%arg12 : memref<128x32xf32, #tpu.memory_space<vmem>>)
      "tpu.region"() ({
        %run_scoped3A_553 = tpu.sem_alloc : memref<!tpu.dma_semaphore, #tpu.memory_space<semaphore_mem>>
        %dma_start3A_554 = arith.constant 0 : i32
        %dma_start3A_555 = arith.constant 0 : i32
        %dma_start3A_556 = tpu.memref_slice %arg5[%dma_start3A_554, %dma_start3A_555] : memref<10000x32xf32, #tpu.memory_space<vmem_shared>> -> memref<10000x32xf32, #tpu.memory_space<vmem_shared>>
        tpu.enqueue_indirect_dma source(%arg12 : memref<128x32xf32, #tpu.memory_space<vmem>>) target(%dma_start3A_556 : memref<10000x32xf32, #tpu.memory_space<vmem_shared>>) offsets(%arg10 : memref<128xi32, #tpu.memory_space<vmem>>) semaphore(%run_scoped3A_553 : memref<!tpu.dma_semaphore, #tpu.memory_space<semaphore_mem>>) {add = true}
        %dma_wait3A_557 = arith.constant 0 : i32
        %dma_wait3A_558 = arith.constant 0 : i32
        %dma_wait3A_559 = tpu.memref_slice %arg5[%dma_wait3A_557, %dma_wait3A_558] : memref<10000x32xf32, #tpu.memory_space<vmem_shared>> -> memref<10000x32xf32, #tpu.memory_space<vmem_shared>>
        tpu.wait_indirect_dma semaphore(%run_scoped3A_553 : memref<!tpu.dma_semaphore, #tpu.memory_space<semaphore_mem>>) src(%arg12 : memref<128x32xf32, #tpu.memory_space<vmem>>) dst(%dma_wait3A_559 : memref<10000x32xf32, #tpu.memory_space<vmem_shared>>)
        tpu.yield
      }) : () -> ()
    } else {
    }
    %dma_start3A = arith.constant 0 : i32
    %dma_start3A_23 = arith.constant 0 : i32
    %dma_start3A_24 = arith.constant 0 : i32
    %dma_start3A_25 = tpu.memref_slice %arg11[%dma_start3A, %dma_start3A_23, %dma_start3A_24] : memref<13x128x32xf32, #tpu.memory_space<vmem>> -> memref<1x128x32xf32, #tpu.memory_space<vmem>>
    %dma_start3A_26 = tpu.memref_squeeze %dma_start3A_25 : memref<1x128x32xf32, #tpu.memory_space<vmem>> -> memref<128x32xf32, #tpu.memory_space<vmem>>
    %dma_start3A_27 = arith.constant 0 : i32
    %dma_start3A_28 = tpu.memref_slice %arg7[%dma_start3A_27] : memref<9984xi32, #tpu.memory_space<vmem>> -> memref<128xi32, #tpu.memory_space<vmem>>
    %dma_start3A_29 = arith.constant 0 : i32
    %dma_start3A_30 = arith.constant 0 : i32
    %dma_start3A_31 = tpu.memref_slice %arg6[%dma_start3A_29, %dma_start3A_30] : memref<10000x32xf32, #tpu.memory_space<vmem_shared>> -> memref<10000x32xf32, #tpu.memory_space<vmem_shared>>
    tpu.enqueue_indirect_dma source(%dma_start3A_31 : memref<10000x32xf32, #tpu.memory_space<vmem_shared>>) target(%dma_start3A_26 : memref<128x32xf32, #tpu.memory_space<vmem>>) offsets(%dma_start3A_28 : memref<128xi32, #tpu.memory_space<vmem>>) semaphore(%arg13 : memref<!tpu.dma_semaphore, #tpu.memory_space<semaphore_mem>>)
    %dma_start3A_32 = arith.constant 1 : i32
    %dma_start3A_33 = arith.constant 0 : i32
    %dma_start3A_34 = arith.constant 0 : i32
    %dma_start3A_35 = tpu.memref_slice %arg11[%dma_start3A_32, %dma_start3A_33, %dma_start3A_34] : memref<13x128x32xf32, #tpu.memory_space<vmem>> -> memref<1x128x32xf32, #tpu.memory_space<vmem>>
    %dma_start3A_36 = tpu.memref_squeeze %dma_start3A_35 : memref<1x128x32xf32, #tpu.memory_space<vmem>> -> memref<128x32xf32, #tpu.memory_space<vmem>>
    %dma_start3A_37 = arith.constant 128 : i32
    %dma_start3A_38 = tpu.memref_slice %arg7[%dma_start3A_37] : memref<9984xi32, #tpu.memory_space<vmem>> -> memref<128xi32, #tpu.memory_space<vmem>>
    %dma_start3A_39 = arith.constant 0 : i32
    %dma_start3A_40 = arith.constant 0 : i32
    %dma_start3A_41 = tpu.memref_slice %arg6[%dma_start3A_39, %dma_start3A_40] : memref<10000x32xf32, #tpu.memory_space<vmem_shared>> -> memref<10000x32xf32, #tpu.memory_space<vmem_shared>>
    tpu.enqueue_indirect_dma source(%dma_start3A_41 : memref<10000x32xf32, #tpu.memory_space<vmem_shared>>) target(%dma_start3A_36 : memref<128x32xf32, #tpu.memory_space<vmem>>) offsets(%dma_start3A_38 : memref<128xi32, #tpu.memory_space<vmem>>) semaphore(%arg13 : memref<!tpu.dma_semaphore, #tpu.memory_space<semaphore_mem>>)
    %dma_start3A_42 = arith.constant 2 : i32
    %dma_start3A_43 = arith.constant 0 : i32
    %dma_start3A_44 = arith.constant 0 : i32
    %dma_start3A_45 = tpu.memref_slice %arg11[%dma_start3A_42, %dma_start3A_43, %dma_start3A_44] : memref<13x128x32xf32, #tpu.memory_space<vmem>> -> memref<1x128x32xf32, #tpu.memory_space<vmem>>
    %dma_start3A_46 = tpu.memref_squeeze %dma_start3A_45 : memref<1x128x32xf32, #tpu.memory_space<vmem>> -> memref<128x32xf32, #tpu.memory_space<vmem>>
    %dma_start3A_47 = arith.constant 256 : i32
    %dma_start3A_48 = tpu.memref_slice %arg7[%dma_start3A_47] : memref<9984xi32, #tpu.memory_space<vmem>> -> memref<128xi32, #tpu.memory_space<vmem>>
    %dma_start3A_49 = arith.constant 0 : i32
    %dma_start3A_50 = arith.constant 0 : i32
    %dma_start3A_51 = tpu.memref_slice %arg6[%dma_start3A_49, %dma_start3A_50] : memref<10000x32xf32, #tpu.memory_space<vmem_shared>> -> memref<10000x32xf32, #tpu.memory_space<vmem_shared>>
    tpu.enqueue_indirect_dma source(%dma_start3A_51 : memref<10000x32xf32, #tpu.memory_space<vmem_shared>>) target(%dma_start3A_46 : memref<128x32xf32, #tpu.memory_space<vmem>>) offsets(%dma_start3A_48 : memref<128xi32, #tpu.memory_space<vmem>>) semaphore(%arg13 : memref<!tpu.dma_semaphore, #tpu.memory_space<semaphore_mem>>)
    %dma_start3A_52 = arith.constant 3 : i32
    %dma_start3A_53 = arith.constant 0 : i32
    %dma_start3A_54 = arith.constant 0 : i32
    %dma_start3A_55 = tpu.memref_slice %arg11[%dma_start3A_52, %dma_start3A_53, %dma_start3A_54] : memref<13x128x32xf32, #tpu.memory_space<vmem>> -> memref<1x128x32xf32, #tpu.memory_space<vmem>>
    %dma_start3A_56 = tpu.memref_squeeze %dma_start3A_55 : memref<1x128x32xf32, #tpu.memory_space<vmem>> -> memref<128x32xf32, #tpu.memory_space<vmem>>
    %dma_start3A_57 = arith.constant 384 : i32
    %dma_start3A_58 = tpu.memref_slice %arg7[%dma_start3A_57] : memref<9984xi32, #tpu.memory_space<vmem>> -> memref<128xi32, #tpu.memory_space<vmem>>
    %dma_start3A_59 = arith.constant 0 : i32
    %dma_start3A_60 = arith.constant 0 : i32
    %dma_start3A_61 = tpu.memref_slice %arg6[%dma_start3A_59, %dma_start3A_60] : memref<10000x32xf32, #tpu.memory_space<vmem_shared>> -> memref<10000x32xf32, #tpu.memory_space<vmem_shared>>
    tpu.enqueue_indirect_dma source(%dma_start3A_61 : memref<10000x32xf32, #tpu.memory_space<vmem_shared>>) target(%dma_start3A_56 : memref<128x32xf32, #tpu.memory_space<vmem>>) offsets(%dma_start3A_58 : memref<128xi32, #tpu.memory_space<vmem>>) semaphore(%arg13 : memref<!tpu.dma_semaphore, #tpu.memory_space<semaphore_mem>>)
    %dma_start3A_62 = arith.constant 4 : i32
    %dma_start3A_63 = arith.constant 0 : i32
    %dma_start3A_64 = arith.constant 0 : i32
    %dma_start3A_65 = tpu.memref_slice %arg11[%dma_start3A_62, %dma_start3A_63, %dma_start3A_64] : memref<13x128x32xf32, #tpu.memory_space<vmem>> -> memref<1x128x32xf32, #tpu.memory_space<vmem>>
    %dma_start3A_66 = tpu.memref_squeeze %dma_start3A_65 : memref<1x128x32xf32, #tpu.memory_space<vmem>> -> memref<128x32xf32, #tpu.memory_space<vmem>>
    %dma_start3A_67 = arith.constant 512 : i32
    %dma_start3A_68 = tpu.memref_slice %arg7[%dma_start3A_67] : memref<9984xi32, #tpu.memory_space<vmem>> -> memref<128xi32, #tpu.memory_space<vmem>>
    %dma_start3A_69 = arith.constant 0 : i32
    %dma_start3A_70 = arith.constant 0 : i32
    %dma_start3A_71 = tpu.memref_slice %arg6[%dma_start3A_69, %dma_start3A_70] : memref<10000x32xf32, #tpu.memory_space<vmem_shared>> -> memref<10000x32xf32, #tpu.memory_space<vmem_shared>>
    tpu.enqueue_indirect_dma source(%dma_start3A_71 : memref<10000x32xf32, #tpu.memory_space<vmem_shared>>) target(%dma_start3A_66 : memref<128x32xf32, #tpu.memory_space<vmem>>) offsets(%dma_start3A_68 : memref<128xi32, #tpu.memory_space<vmem>>) semaphore(%arg13 : memref<!tpu.dma_semaphore, #tpu.memory_space<semaphore_mem>>)
    %dma_start3A_72 = arith.constant 5 : i32
    %dma_start3A_73 = arith.constant 0 : i32
    %dma_start3A_74 = arith.constant 0 : i32
    %dma_start3A_75 = tpu.memref_slice %arg11[%dma_start3A_72, %dma_start3A_73, %dma_start3A_74] : memref<13x128x32xf32, #tpu.memory_space<vmem>> -> memref<1x128x32xf32, #tpu.memory_space<vmem>>
    %dma_start3A_76 = tpu.memref_squeeze %dma_start3A_75 : memref<1x128x32xf32, #tpu.memory_space<vmem>> -> memref<128x32xf32, #tpu.memory_space<vmem>>
    %dma_start3A_77 = arith.constant 640 : i32
    %dma_start3A_78 = tpu.memref_slice %arg7[%dma_start3A_77] : memref<9984xi32, #tpu.memory_space<vmem>> -> memref<128xi32, #tpu.memory_space<vmem>>
    %dma_start3A_79 = arith.constant 0 : i32
    %dma_start3A_80 = arith.constant 0 : i32
    %dma_start3A_81 = tpu.memref_slice %arg6[%dma_start3A_79, %dma_start3A_80] : memref<10000x32xf32, #tpu.memory_space<vmem_shared>> -> memref<10000x32xf32, #tpu.memory_space<vmem_shared>>
    tpu.enqueue_indirect_dma source(%dma_start3A_81 : memref<10000x32xf32, #tpu.memory_space<vmem_shared>>) target(%dma_start3A_76 : memref<128x32xf32, #tpu.memory_space<vmem>>) offsets(%dma_start3A_78 : memref<128xi32, #tpu.memory_space<vmem>>) semaphore(%arg13 : memref<!tpu.dma_semaphore, #tpu.memory_space<semaphore_mem>>)
    %dma_start3A_82 = arith.constant 6 : i32
    %dma_start3A_83 = arith.constant 0 : i32
    %dma_start3A_84 = arith.constant 0 : i32
    %dma_start3A_85 = tpu.memref_slice %arg11[%dma_start3A_82, %dma_start3A_83, %dma_start3A_84] : memref<13x128x32xf32, #tpu.memory_space<vmem>> -> memref<1x128x32xf32, #tpu.memory_space<vmem>>
    %dma_start3A_86 = tpu.memref_squeeze %dma_start3A_85 : memref<1x128x32xf32, #tpu.memory_space<vmem>> -> memref<128x32xf32, #tpu.memory_space<vmem>>
    %dma_start3A_87 = arith.constant 768 : i32
    %dma_start3A_88 = tpu.memref_slice %arg7[%dma_start3A_87] : memref<9984xi32, #tpu.memory_space<vmem>> -> memref<128xi32, #tpu.memory_space<vmem>>
    %dma_start3A_89 = arith.constant 0 : i32
    %dma_start3A_90 = arith.constant 0 : i32
    %dma_start3A_91 = tpu.memref_slice %arg6[%dma_start3A_89, %dma_start3A_90] : memref<10000x32xf32, #tpu.memory_space<vmem_shared>> -> memref<10000x32xf32, #tpu.memory_space<vmem_shared>>
    tpu.enqueue_indirect_dma source(%dma_start3A_91 : memref<10000x32xf32, #tpu.memory_space<vmem_shared>>) target(%dma_start3A_86 : memref<128x32xf32, #tpu.memory_space<vmem>>) offsets(%dma_start3A_88 : memref<128xi32, #tpu.memory_space<vmem>>) semaphore(%arg13 : memref<!tpu.dma_semaphore, #tpu.memory_space<semaphore_mem>>)
    %dma_start3A_92 = arith.constant 7 : i32
    %dma_start3A_93 = arith.constant 0 : i32
    %dma_start3A_94 = arith.constant 0 : i32
    %dma_start3A_95 = tpu.memref_slice %arg11[%dma_start3A_92, %dma_start3A_93, %dma_start3A_94] : memref<13x128x32xf32, #tpu.memory_space<vmem>> -> memref<1x128x32xf32, #tpu.memory_space<vmem>>
    %dma_start3A_96 = tpu.memref_squeeze %dma_start3A_95 : memref<1x128x32xf32, #tpu.memory_space<vmem>> -> memref<128x32xf32, #tpu.memory_space<vmem>>
    %dma_start3A_97 = arith.constant 896 : i32
    %dma_start3A_98 = tpu.memref_slice %arg7[%dma_start3A_97] : memref<9984xi32, #tpu.memory_space<vmem>> -> memref<128xi32, #tpu.memory_space<vmem>>
    %dma_start3A_99 = arith.constant 0 : i32
    %dma_start3A_100 = arith.constant 0 : i32
    %dma_start3A_101 = tpu.memref_slice %arg6[%dma_start3A_99, %dma_start3A_100] : memref<10000x32xf32, #tpu.memory_space<vmem_shared>> -> memref<10000x32xf32, #tpu.memory_space<vmem_shared>>
    tpu.enqueue_indirect_dma source(%dma_start3A_101 : memref<10000x32xf32, #tpu.memory_space<vmem_shared>>) target(%dma_start3A_96 : memref<128x32xf32, #tpu.memory_space<vmem>>) offsets(%dma_start3A_98 : memref<128xi32, #tpu.memory_space<vmem>>) semaphore(%arg13 : memref<!tpu.dma_semaphore, #tpu.memory_space<semaphore_mem>>)
    %dma_start3A_102 = arith.constant 8 : i32
    %dma_start3A_103 = arith.constant 0 : i32
    %dma_start3A_104 = arith.constant 0 : i32
    %dma_start3A_105 = tpu.memref_slice %arg11[%dma_start3A_102, %dma_start3A_103, %dma_start3A_104] : memref<13x128x32xf32, #tpu.memory_space<vmem>> -> memref<1x128x32xf32, #tpu.memory_space<vmem>>
    %dma_start3A_106 = tpu.memref_squeeze %dma_start3A_105 : memref<1x128x32xf32, #tpu.memory_space<vmem>> -> memref<128x32xf32, #tpu.memory_space<vmem>>
    %dma_start3A_107 = arith.constant 1024 : i32
    %dma_start3A_108 = tpu.memref_slice %arg7[%dma_start3A_107] : memref<9984xi32, #tpu.memory_space<vmem>> -> memref<128xi32, #tpu.memory_space<vmem>>
    %dma_start3A_109 = arith.constant 0 : i32
    %dma_start3A_110 = arith.constant 0 : i32
    %dma_start3A_111 = tpu.memref_slice %arg6[%dma_start3A_109, %dma_start3A_110] : memref<10000x32xf32, #tpu.memory_space<vmem_shared>> -> memref<10000x32xf32, #tpu.memory_space<vmem_shared>>
    tpu.enqueue_indirect_dma source(%dma_start3A_111 : memref<10000x32xf32, #tpu.memory_space<vmem_shared>>) target(%dma_start3A_106 : memref<128x32xf32, #tpu.memory_space<vmem>>) offsets(%dma_start3A_108 : memref<128xi32, #tpu.memory_space<vmem>>) semaphore(%arg13 : memref<!tpu.dma_semaphore, #tpu.memory_space<semaphore_mem>>)
    %dma_start3A_112 = arith.constant 9 : i32
    %dma_start3A_113 = arith.constant 0 : i32
    %dma_start3A_114 = arith.constant 0 : i32
    %dma_start3A_115 = tpu.memref_slice %arg11[%dma_start3A_112, %dma_start3A_113, %dma_start3A_114] : memref<13x128x32xf32, #tpu.memory_space<vmem>> -> memref<1x128x32xf32, #tpu.memory_space<vmem>>
    %dma_start3A_116 = tpu.memref_squeeze %dma_start3A_115 : memref<1x128x32xf32, #tpu.memory_space<vmem>> -> memref<128x32xf32, #tpu.memory_space<vmem>>
    %dma_start3A_117 = arith.constant 1152 : i32
    %dma_start3A_118 = tpu.memref_slice %arg7[%dma_start3A_117] : memref<9984xi32, #tpu.memory_space<vmem>> -> memref<128xi32, #tpu.memory_space<vmem>>
    %dma_start3A_119 = arith.constant 0 : i32
    %dma_start3A_120 = arith.constant 0 : i32
    %dma_start3A_121 = tpu.memref_slice %arg6[%dma_start3A_119, %dma_start3A_120] : memref<10000x32xf32, #tpu.memory_space<vmem_shared>> -> memref<10000x32xf32, #tpu.memory_space<vmem_shared>>
    tpu.enqueue_indirect_dma source(%dma_start3A_121 : memref<10000x32xf32, #tpu.memory_space<vmem_shared>>) target(%dma_start3A_116 : memref<128x32xf32, #tpu.memory_space<vmem>>) offsets(%dma_start3A_118 : memref<128xi32, #tpu.memory_space<vmem>>) semaphore(%arg13 : memref<!tpu.dma_semaphore, #tpu.memory_space<semaphore_mem>>)
    %dma_start3A_122 = arith.constant 10 : i32
    %dma_start3A_123 = arith.constant 0 : i32
    %dma_start3A_124 = arith.constant 0 : i32
    %dma_start3A_125 = tpu.memref_slice %arg11[%dma_start3A_122, %dma_start3A_123, %dma_start3A_124] : memref<13x128x32xf32, #tpu.memory_space<vmem>> -> memref<1x128x32xf32, #tpu.memory_space<vmem>>
    %dma_start3A_126 = tpu.memref_squeeze %dma_start3A_125 : memref<1x128x32xf32, #tpu.memory_space<vmem>> -> memref<128x32xf32, #tpu.memory_space<vmem>>
    %dma_start3A_127 = arith.constant 1280 : i32
    %dma_start3A_128 = tpu.memref_slice %arg7[%dma_start3A_127] : memref<9984xi32, #tpu.memory_space<vmem>> -> memref<128xi32, #tpu.memory_space<vmem>>
    %dma_start3A_129 = arith.constant 0 : i32
    %dma_start3A_130 = arith.constant 0 : i32
    %dma_start3A_131 = tpu.memref_slice %arg6[%dma_start3A_129, %dma_start3A_130] : memref<10000x32xf32, #tpu.memory_space<vmem_shared>> -> memref<10000x32xf32, #tpu.memory_space<vmem_shared>>
    tpu.enqueue_indirect_dma source(%dma_start3A_131 : memref<10000x32xf32, #tpu.memory_space<vmem_shared>>) target(%dma_start3A_126 : memref<128x32xf32, #tpu.memory_space<vmem>>) offsets(%dma_start3A_128 : memref<128xi32, #tpu.memory_space<vmem>>) semaphore(%arg13 : memref<!tpu.dma_semaphore, #tpu.memory_space<semaphore_mem>>)
    %dma_start3A_132 = arith.constant 11 : i32
    %dma_start3A_133 = arith.constant 0 : i32
    %dma_start3A_134 = arith.constant 0 : i32
    %dma_start3A_135 = tpu.memref_slice %arg11[%dma_start3A_132, %dma_start3A_133, %dma_start3A_134] : memref<13x128x32xf32, #tpu.memory_space<vmem>> -> memref<1x128x32xf32, #tpu.memory_space<vmem>>
    %dma_start3A_136 = tpu.memref_squeeze %dma_start3A_135 : memref<1x128x32xf32, #tpu.memory_space<vmem>> -> memref<128x32xf32, #tpu.memory_space<vmem>>
    %dma_start3A_137 = arith.constant 1408 : i32
    %dma_start3A_138 = tpu.memref_slice %arg7[%dma_start3A_137] : memref<9984xi32, #tpu.memory_space<vmem>> -> memref<128xi32, #tpu.memory_space<vmem>>
    %dma_start3A_139 = arith.constant 0 : i32
    %dma_start3A_140 = arith.constant 0 : i32
    %dma_start3A_141 = tpu.memref_slice %arg6[%dma_start3A_139, %dma_start3A_140] : memref<10000x32xf32, #tpu.memory_space<vmem_shared>> -> memref<10000x32xf32, #tpu.memory_space<vmem_shared>>
    tpu.enqueue_indirect_dma source(%dma_start3A_141 : memref<10000x32xf32, #tpu.memory_space<vmem_shared>>) target(%dma_start3A_136 : memref<128x32xf32, #tpu.memory_space<vmem>>) offsets(%dma_start3A_138 : memref<128xi32, #tpu.memory_space<vmem>>) semaphore(%arg13 : memref<!tpu.dma_semaphore, #tpu.memory_space<semaphore_mem>>)
    %dma_start3A_142 = arith.constant 12 : i32
    %dma_start3A_143 = arith.constant 0 : i32
    %dma_start3A_144 = arith.constant 0 : i32
    %dma_start3A_145 = tpu.memref_slice %arg11[%dma_start3A_142, %dma_start3A_143, %dma_start3A_144] : memref<13x128x32xf32, #tpu.memory_space<vmem>> -> memref<1x128x32xf32, #tpu.memory_space<vmem>>
    %dma_start3A_146 = tpu.memref_squeeze %dma_start3A_145 : memref<1x128x32xf32, #tpu.memory_space<vmem>> -> memref<128x32xf32, #tpu.memory_space<vmem>>
    %dma_start3A_147 = arith.constant 1536 : i32
    %dma_start3A_148 = tpu.memref_slice %arg7[%dma_start3A_147] : memref<9984xi32, #tpu.memory_space<vmem>> -> memref<128xi32, #tpu.memory_space<vmem>>
    %dma_start3A_149 = arith.constant 0 : i32
    %dma_start3A_150 = arith.constant 0 : i32
    %dma_start3A_151 = tpu.memref_slice %arg6[%dma_start3A_149, %dma_start3A_150] : memref<10000x32xf32, #tpu.memory_space<vmem_shared>> -> memref<10000x32xf32, #tpu.memory_space<vmem_shared>>
    tpu.enqueue_indirect_dma source(%dma_start3A_151 : memref<10000x32xf32, #tpu.memory_space<vmem_shared>>) target(%dma_start3A_146 : memref<128x32xf32, #tpu.memory_space<vmem>>) offsets(%dma_start3A_148 : memref<128xi32, #tpu.memory_space<vmem>>) semaphore(%arg13 : memref<!tpu.dma_semaphore, #tpu.memory_space<semaphore_mem>>)
    %scan3A = arith.constant 0 : i32
    %scan3A_152 = arith.constant 0 : i32
    %scan3A_153 = arith.constant 5 : i32
    %scan3A_154 = arith.addi %scan3A_152, %scan3A_153 : i32
    %scan3A_155 = arith.constant 1 : i32
    scf.for %scan3A_547 = %scan3A_152 to %scan3A_154 step %scan3A_155  : i32 {
      %mul3A_548 = arith.constant 13 : i32
      %mul3A_549 = arith.muli %scan3A_547, %mul3A_548 : i32
      %dma_wait3A_550 = arith.constant 0 : i32
      %dma_wait3A_551 = arith.constant 0 : i32
      %dma_wait3A_552 = arith.constant 0 : i32
      %dma_wait3A_553 = tpu.memref_slice %arg11[%dma_wait3A_550, %dma_wait3A_551, %dma_wait3A_552] : memref<13x128x32xf32, #tpu.memory_space<vmem>> -> memref<1x128x32xf32, #tpu.memory_space<vmem>>
      %dma_wait3A_554 = tpu.memref_squeeze %dma_wait3A_553 : memref<1x128x32xf32, #tpu.memory_space<vmem>> -> memref<128x32xf32, #tpu.memory_space<vmem>>
      %dma_wait3A_555 = arith.constant 0 : i32
      %dma_wait3A_556 = tpu.memref_slice %arg7[%dma_wait3A_555] : memref<9984xi32, #tpu.memory_space<vmem>> -> memref<128xi32, #tpu.memory_space<vmem>>
      %dma_wait3A_557 = arith.constant 0 : i32
      %dma_wait3A_558 = arith.constant 0 : i32
      %dma_wait3A_559 = tpu.memref_slice %arg6[%dma_wait3A_557, %dma_wait3A_558] : memref<10000x32xf32, #tpu.memory_space<vmem_shared>> -> memref<10000x32xf32, #tpu.memory_space<vmem_shared>>
      tpu.wait_indirect_dma semaphore(%arg13 : memref<!tpu.dma_semaphore, #tpu.memory_space<semaphore_mem>>) src(%dma_wait3A_559 : memref<10000x32xf32, #tpu.memory_space<vmem_shared>>) dst(%dma_wait3A_554 : memref<128x32xf32, #tpu.memory_space<vmem>>)
      %add3A_560 = arith.constant 0 : i32
      %add3A_561 = arith.addi %mul3A_549, %add3A_560 : i32
      %mul3A_562 = arith.constant 128 : i32
      %mul3A_563 = arith.muli %add3A_561, %mul3A_562 : i32
      %dma_start3A_564 = arith.constant 0 : i32
      %dma_start3A_565 = arith.constant 0 : i32
      %dma_start3A_566 = arith.constant 0 : i32
      %dma_start3A_567 = tpu.memref_slice %arg11[%dma_start3A_564, %dma_start3A_565, %dma_start3A_566] : memref<13x128x32xf32, #tpu.memory_space<vmem>> -> memref<1x128x32xf32, #tpu.memory_space<vmem>>
      %dma_start3A_568 = tpu.memref_squeeze %dma_start3A_567 : memref<1x128x32xf32, #tpu.memory_space<vmem>> -> memref<128x32xf32, #tpu.memory_space<vmem>>
      %dma_start3A_569 = tpu.memref_slice %arg8[%mul3A_563] : memref<9984xi32, #tpu.memory_space<vmem>> -> memref<128xi32, #tpu.memory_space<vmem>>
      %dma_start3A_570 = arith.constant 0 : i32
      %dma_start3A_571 = arith.constant 0 : i32
      %dma_start3A_572 = tpu.memref_slice %arg5[%dma_start3A_570, %dma_start3A_571] : memref<10000x32xf32, #tpu.memory_space<vmem_shared>> -> memref<10000x32xf32, #tpu.memory_space<vmem_shared>>
      tpu.enqueue_indirect_dma source(%dma_start3A_568 : memref<128x32xf32, #tpu.memory_space<vmem>>) target(%dma_start3A_572 : memref<10000x32xf32, #tpu.memory_space<vmem_shared>>) offsets(%dma_start3A_569 : memref<128xi32, #tpu.memory_space<vmem>>) semaphore(%arg14 : memref<!tpu.dma_semaphore, #tpu.memory_space<semaphore_mem>>) {add = true}
      %dma_wait3A_573 = arith.constant 1 : i32
      %dma_wait3A_574 = arith.constant 0 : i32
      %dma_wait3A_575 = arith.constant 0 : i32
      %dma_wait3A_576 = tpu.memref_slice %arg11[%dma_wait3A_573, %dma_wait3A_574, %dma_wait3A_575] : memref<13x128x32xf32, #tpu.memory_space<vmem>> -> memref<1x128x32xf32, #tpu.memory_space<vmem>>
      %dma_wait3A_577 = tpu.memref_squeeze %dma_wait3A_576 : memref<1x128x32xf32, #tpu.memory_space<vmem>> -> memref<128x32xf32, #tpu.memory_space<vmem>>
      %dma_wait3A_578 = arith.constant 0 : i32
      %dma_wait3A_579 = tpu.memref_slice %arg7[%dma_wait3A_578] : memref<9984xi32, #tpu.memory_space<vmem>> -> memref<128xi32, #tpu.memory_space<vmem>>
      %dma_wait3A_580 = arith.constant 0 : i32
      %dma_wait3A_581 = arith.constant 0 : i32
      %dma_wait3A_582 = tpu.memref_slice %arg6[%dma_wait3A_580, %dma_wait3A_581] : memref<10000x32xf32, #tpu.memory_space<vmem_shared>> -> memref<10000x32xf32, #tpu.memory_space<vmem_shared>>
      tpu.wait_indirect_dma semaphore(%arg13 : memref<!tpu.dma_semaphore, #tpu.memory_space<semaphore_mem>>) src(%dma_wait3A_582 : memref<10000x32xf32, #tpu.memory_space<vmem_shared>>) dst(%dma_wait3A_577 : memref<128x32xf32, #tpu.memory_space<vmem>>)
      %add3A_583 = arith.constant 1 : i32
      %add3A_584 = arith.addi %mul3A_549, %add3A_583 : i32
      %mul3A_585 = arith.constant 128 : i32
      %mul3A_586 = arith.muli %add3A_584, %mul3A_585 : i32
      %dma_start3A_587 = arith.constant 1 : i32
      %dma_start3A_588 = arith.constant 0 : i32
      %dma_start3A_589 = arith.constant 0 : i32
      %dma_start3A_590 = tpu.memref_slice %arg11[%dma_start3A_587, %dma_start3A_588, %dma_start3A_589] : memref<13x128x32xf32, #tpu.memory_space<vmem>> -> memref<1x128x32xf32, #tpu.memory_space<vmem>>
      %dma_start3A_591 = tpu.memref_squeeze %dma_start3A_590 : memref<1x128x32xf32, #tpu.memory_space<vmem>> -> memref<128x32xf32, #tpu.memory_space<vmem>>
      %dma_start3A_592 = tpu.memref_slice %arg8[%mul3A_586] : memref<9984xi32, #tpu.memory_space<vmem>> -> memref<128xi32, #tpu.memory_space<vmem>>
      %dma_start3A_593 = arith.constant 0 : i32
      %dma_start3A_594 = arith.constant 0 : i32
      %dma_start3A_595 = tpu.memref_slice %arg5[%dma_start3A_593, %dma_start3A_594] : memref<10000x32xf32, #tpu.memory_space<vmem_shared>> -> memref<10000x32xf32, #tpu.memory_space<vmem_shared>>
      tpu.enqueue_indirect_dma source(%dma_start3A_591 : memref<128x32xf32, #tpu.memory_space<vmem>>) target(%dma_start3A_595 : memref<10000x32xf32, #tpu.memory_space<vmem_shared>>) offsets(%dma_start3A_592 : memref<128xi32, #tpu.memory_space<vmem>>) semaphore(%arg14 : memref<!tpu.dma_semaphore, #tpu.memory_space<semaphore_mem>>) {add = true}
      %dma_wait3A_596 = arith.constant 2 : i32
      %dma_wait3A_597 = arith.constant 0 : i32
      %dma_wait3A_598 = arith.constant 0 : i32
      %dma_wait3A_599 = tpu.memref_slice %arg11[%dma_wait3A_596, %dma_wait3A_597, %dma_wait3A_598] : memref<13x128x32xf32, #tpu.memory_space<vmem>> -> memref<1x128x32xf32, #tpu.memory_space<vmem>>
      %dma_wait3A_600 = tpu.memref_squeeze %dma_wait3A_599 : memref<1x128x32xf32, #tpu.memory_space<vmem>> -> memref<128x32xf32, #tpu.memory_space<vmem>>
      %dma_wait3A_601 = arith.constant 0 : i32
      %dma_wait3A_602 = tpu.memref_slice %arg7[%dma_wait3A_601] : memref<9984xi32, #tpu.memory_space<vmem>> -> memref<128xi32, #tpu.memory_space<vmem>>
      %dma_wait3A_603 = arith.constant 0 : i32
      %dma_wait3A_604 = arith.constant 0 : i32
      %dma_wait3A_605 = tpu.memref_slice %arg6[%dma_wait3A_603, %dma_wait3A_604] : memref<10000x32xf32, #tpu.memory_space<vmem_shared>> -> memref<10000x32xf32, #tpu.memory_space<vmem_shared>>
      tpu.wait_indirect_dma semaphore(%arg13 : memref<!tpu.dma_semaphore, #tpu.memory_space<semaphore_mem>>) src(%dma_wait3A_605 : memref<10000x32xf32, #tpu.memory_space<vmem_shared>>) dst(%dma_wait3A_600 : memref<128x32xf32, #tpu.memory_space<vmem>>)
      %add3A_606 = arith.constant 2 : i32
      %add3A_607 = arith.addi %mul3A_549, %add3A_606 : i32
      %mul3A_608 = arith.constant 128 : i32
      %mul3A_609 = arith.muli %add3A_607, %mul3A_608 : i32
      %dma_start3A_610 = arith.constant 2 : i32
      %dma_start3A_611 = arith.constant 0 : i32
      %dma_start3A_612 = arith.constant 0 : i32
      %dma_start3A_613 = tpu.memref_slice %arg11[%dma_start3A_610, %dma_start3A_611, %dma_start3A_612] : memref<13x128x32xf32, #tpu.memory_space<vmem>> -> memref<1x128x32xf32, #tpu.memory_space<vmem>>
      %dma_start3A_614 = tpu.memref_squeeze %dma_start3A_613 : memref<1x128x32xf32, #tpu.memory_space<vmem>> -> memref<128x32xf32, #tpu.memory_space<vmem>>
      %dma_start3A_615 = tpu.memref_slice %arg8[%mul3A_609] : memref<9984xi32, #tpu.memory_space<vmem>> -> memref<128xi32, #tpu.memory_space<vmem>>
      %dma_start3A_616 = arith.constant 0 : i32
      %dma_start3A_617 = arith.constant 0 : i32
      %dma_start3A_618 = tpu.memref_slice %arg5[%dma_start3A_616, %dma_start3A_617] : memref<10000x32xf32, #tpu.memory_space<vmem_shared>> -> memref<10000x32xf32, #tpu.memory_space<vmem_shared>>
      tpu.enqueue_indirect_dma source(%dma_start3A_614 : memref<128x32xf32, #tpu.memory_space<vmem>>) target(%dma_start3A_618 : memref<10000x32xf32, #tpu.memory_space<vmem_shared>>) offsets(%dma_start3A_615 : memref<128xi32, #tpu.memory_space<vmem>>) semaphore(%arg14 : memref<!tpu.dma_semaphore, #tpu.memory_space<semaphore_mem>>) {add = true}
      %dma_wait3A_619 = arith.constant 3 : i32
      %dma_wait3A_620 = arith.constant 0 : i32
      %dma_wait3A_621 = arith.constant 0 : i32
      %dma_wait3A_622 = tpu.memref_slice %arg11[%dma_wait3A_619, %dma_wait3A_620, %dma_wait3A_621] : memref<13x128x32xf32, #tpu.memory_space<vmem>> -> memref<1x128x32xf32, #tpu.memory_space<vmem>>
      %dma_wait3A_623 = tpu.memref_squeeze %dma_wait3A_622 : memref<1x128x32xf32, #tpu.memory_space<vmem>> -> memref<128x32xf32, #tpu.memory_space<vmem>>
      %dma_wait3A_624 = arith.constant 0 : i32
      %dma_wait3A_625 = tpu.memref_slice %arg7[%dma_wait3A_624] : memref<9984xi32, #tpu.memory_space<vmem>> -> memref<128xi32, #tpu.memory_space<vmem>>
      %dma_wait3A_626 = arith.constant 0 : i32
      %dma_wait3A_627 = arith.constant 0 : i32
      %dma_wait3A_628 = tpu.memref_slice %arg6[%dma_wait3A_626, %dma_wait3A_627] : memref<10000x32xf32, #tpu.memory_space<vmem_shared>> -> memref<10000x32xf32, #tpu.memory_space<vmem_shared>>
      tpu.wait_indirect_dma semaphore(%arg13 : memref<!tpu.dma_semaphore, #tpu.memory_space<semaphore_mem>>) src(%dma_wait3A_628 : memref<10000x32xf32, #tpu.memory_space<vmem_shared>>) dst(%dma_wait3A_623 : memref<128x32xf32, #tpu.memory_space<vmem>>)
      %add3A_629 = arith.constant 3 : i32
      %add3A_630 = arith.addi %mul3A_549, %add3A_629 : i32
      %mul3A_631 = arith.constant 128 : i32
      %mul3A_632 = arith.muli %add3A_630, %mul3A_631 : i32
      %dma_start3A_633 = arith.constant 3 : i32
      %dma_start3A_634 = arith.constant 0 : i32
      %dma_start3A_635 = arith.constant 0 : i32
      %dma_start3A_636 = tpu.memref_slice %arg11[%dma_start3A_633, %dma_start3A_634, %dma_start3A_635] : memref<13x128x32xf32, #tpu.memory_space<vmem>> -> memref<1x128x32xf32, #tpu.memory_space<vmem>>
      %dma_start3A_637 = tpu.memref_squeeze %dma_start3A_636 : memref<1x128x32xf32, #tpu.memory_space<vmem>> -> memref<128x32xf32, #tpu.memory_space<vmem>>
      %dma_start3A_638 = tpu.memref_slice %arg8[%mul3A_632] : memref<9984xi32, #tpu.memory_space<vmem>> -> memref<128xi32, #tpu.memory_space<vmem>>
      %dma_start3A_639 = arith.constant 0 : i32
      %dma_start3A_640 = arith.constant 0 : i32
      %dma_start3A_641 = tpu.memref_slice %arg5[%dma_start3A_639, %dma_start3A_640] : memref<10000x32xf32, #tpu.memory_space<vmem_shared>> -> memref<10000x32xf32, #tpu.memory_space<vmem_shared>>
      tpu.enqueue_indirect_dma source(%dma_start3A_637 : memref<128x32xf32, #tpu.memory_space<vmem>>) target(%dma_start3A_641 : memref<10000x32xf32, #tpu.memory_space<vmem_shared>>) offsets(%dma_start3A_638 : memref<128xi32, #tpu.memory_space<vmem>>) semaphore(%arg14 : memref<!tpu.dma_semaphore, #tpu.memory_space<semaphore_mem>>) {add = true}
      %dma_wait3A_642 = arith.constant 4 : i32
      %dma_wait3A_643 = arith.constant 0 : i32
      %dma_wait3A_644 = arith.constant 0 : i32
      %dma_wait3A_645 = tpu.memref_slice %arg11[%dma_wait3A_642, %dma_wait3A_643, %dma_wait3A_644] : memref<13x128x32xf32, #tpu.memory_space<vmem>> -> memref<1x128x32xf32, #tpu.memory_space<vmem>>
      %dma_wait3A_646 = tpu.memref_squeeze %dma_wait3A_645 : memref<1x128x32xf32, #tpu.memory_space<vmem>> -> memref<128x32xf32, #tpu.memory_space<vmem>>
      %dma_wait3A_647 = arith.constant 0 : i32
      %dma_wait3A_648 = tpu.memref_slice %arg7[%dma_wait3A_647] : memref<9984xi32, #tpu.memory_space<vmem>> -> memref<128xi32, #tpu.memory_space<vmem>>
      %dma_wait3A_649 = arith.constant 0 : i32
      %dma_wait3A_650 = arith.constant 0 : i32
      %dma_wait3A_651 = tpu.memref_slice %arg6[%dma_wait3A_649, %dma_wait3A_650] : memref<10000x32xf32, #tpu.memory_space<vmem_shared>> -> memref<10000x32xf32, #tpu.memory_space<vmem_shared>>
      tpu.wait_indirect_dma semaphore(%arg13 : memref<!tpu.dma_semaphore, #tpu.memory_space<semaphore_mem>>) src(%dma_wait3A_651 : memref<10000x32xf32, #tpu.memory_space<vmem_shared>>) dst(%dma_wait3A_646 : memref<128x32xf32, #tpu.memory_space<vmem>>)
      %add3A_652 = arith.constant 4 : i32
      %add3A_653 = arith.addi %mul3A_549, %add3A_652 : i32
      %mul3A_654 = arith.constant 128 : i32
      %mul3A_655 = arith.muli %add3A_653, %mul3A_654 : i32
      %dma_start3A_656 = arith.constant 4 : i32
      %dma_start3A_657 = arith.constant 0 : i32
      %dma_start3A_658 = arith.constant 0 : i32
      %dma_start3A_659 = tpu.memref_slice %arg11[%dma_start3A_656, %dma_start3A_657, %dma_start3A_658] : memref<13x128x32xf32, #tpu.memory_space<vmem>> -> memref<1x128x32xf32, #tpu.memory_space<vmem>>
      %dma_start3A_660 = tpu.memref_squeeze %dma_start3A_659 : memref<1x128x32xf32, #tpu.memory_space<vmem>> -> memref<128x32xf32, #tpu.memory_space<vmem>>
      %dma_start3A_661 = tpu.memref_slice %arg8[%mul3A_655] : memref<9984xi32, #tpu.memory_space<vmem>> -> memref<128xi32, #tpu.memory_space<vmem>>
      %dma_start3A_662 = arith.constant 0 : i32
      %dma_start3A_663 = arith.constant 0 : i32
      %dma_start3A_664 = tpu.memref_slice %arg5[%dma_start3A_662, %dma_start3A_663] : memref<10000x32xf32, #tpu.memory_space<vmem_shared>> -> memref<10000x32xf32, #tpu.memory_space<vmem_shared>>
      tpu.enqueue_indirect_dma source(%dma_start3A_660 : memref<128x32xf32, #tpu.memory_space<vmem>>) target(%dma_start3A_664 : memref<10000x32xf32, #tpu.memory_space<vmem_shared>>) offsets(%dma_start3A_661 : memref<128xi32, #tpu.memory_space<vmem>>) semaphore(%arg14 : memref<!tpu.dma_semaphore, #tpu.memory_space<semaphore_mem>>) {add = true}
      %dma_wait3A_665 = arith.constant 5 : i32
      %dma_wait3A_666 = arith.constant 0 : i32
      %dma_wait3A_667 = arith.constant 0 : i32
      %dma_wait3A_668 = tpu.memref_slice %arg11[%dma_wait3A_665, %dma_wait3A_666, %dma_wait3A_667] : memref<13x128x32xf32, #tpu.memory_space<vmem>> -> memref<1x128x32xf32, #tpu.memory_space<vmem>>
      %dma_wait3A_669 = tpu.memref_squeeze %dma_wait3A_668 : memref<1x128x32xf32, #tpu.memory_space<vmem>> -> memref<128x32xf32, #tpu.memory_space<vmem>>
      %dma_wait3A_670 = arith.constant 0 : i32
      %dma_wait3A_671 = tpu.memref_slice %arg7[%dma_wait3A_670] : memref<9984xi32, #tpu.memory_space<vmem>> -> memref<128xi32, #tpu.memory_space<vmem>>
      %dma_wait3A_672 = arith.constant 0 : i32
      %dma_wait3A_673 = arith.constant 0 : i32
      %dma_wait3A_674 = tpu.memref_slice %arg6[%dma_wait3A_672, %dma_wait3A_673] : memref<10000x32xf32, #tpu.memory_space<vmem_shared>> -> memref<10000x32xf32, #tpu.memory_space<vmem_shared>>
      tpu.wait_indirect_dma semaphore(%arg13 : memref<!tpu.dma_semaphore, #tpu.memory_space<semaphore_mem>>) src(%dma_wait3A_674 : memref<10000x32xf32, #tpu.memory_space<vmem_shared>>) dst(%dma_wait3A_669 : memref<128x32xf32, #tpu.memory_space<vmem>>)
      %add3A_675 = arith.constant 5 : i32
      %add3A_676 = arith.addi %mul3A_549, %add3A_675 : i32
      %mul3A_677 = arith.constant 128 : i32
      %mul3A_678 = arith.muli %add3A_676, %mul3A_677 : i32
      %dma_start3A_679 = arith.constant 5 : i32
      %dma_start3A_680 = arith.constant 0 : i32
      %dma_start3A_681 = arith.constant 0 : i32
      %dma_start3A_682 = tpu.memref_slice %arg11[%dma_start3A_679, %dma_start3A_680, %dma_start3A_681] : memref<13x128x32xf32, #tpu.memory_space<vmem>> -> memref<1x128x32xf32, #tpu.memory_space<vmem>>
      %dma_start3A_683 = tpu.memref_squeeze %dma_start3A_682 : memref<1x128x32xf32, #tpu.memory_space<vmem>> -> memref<128x32xf32, #tpu.memory_space<vmem>>
      %dma_start3A_684 = tpu.memref_slice %arg8[%mul3A_678] : memref<9984xi32, #tpu.memory_space<vmem>> -> memref<128xi32, #tpu.memory_space<vmem>>
      %dma_start3A_685 = arith.constant 0 : i32
      %dma_start3A_686 = arith.constant 0 : i32
      %dma_start3A_687 = tpu.memref_slice %arg5[%dma_start3A_685, %dma_start3A_686] : memref<10000x32xf32, #tpu.memory_space<vmem_shared>> -> memref<10000x32xf32, #tpu.memory_space<vmem_shared>>
      tpu.enqueue_indirect_dma source(%dma_start3A_683 : memref<128x32xf32, #tpu.memory_space<vmem>>) target(%dma_start3A_687 : memref<10000x32xf32, #tpu.memory_space<vmem_shared>>) offsets(%dma_start3A_684 : memref<128xi32, #tpu.memory_space<vmem>>) semaphore(%arg14 : memref<!tpu.dma_semaphore, #tpu.memory_space<semaphore_mem>>) {add = true}
      %dma_wait3A_688 = arith.constant 6 : i32
      %dma_wait3A_689 = arith.constant 0 : i32
      %dma_wait3A_690 = arith.constant 0 : i32
      %dma_wait3A_691 = tpu.memref_slice %arg11[%dma_wait3A_688, %dma_wait3A_689, %dma_wait3A_690] : memref<13x128x32xf32, #tpu.memory_space<vmem>> -> memref<1x128x32xf32, #tpu.memory_space<vmem>>
      %dma_wait3A_692 = tpu.memref_squeeze %dma_wait3A_691 : memref<1x128x32xf32, #tpu.memory_space<vmem>> -> memref<128x32xf32, #tpu.memory_space<vmem>>
      %dma_wait3A_693 = arith.constant 0 : i32
      %dma_wait3A_694 = tpu.memref_slice %arg7[%dma_wait3A_693] : memref<9984xi32, #tpu.memory_space<vmem>> -> memref<128xi32, #tpu.memory_space<vmem>>
      %dma_wait3A_695 = arith.constant 0 : i32
      %dma_wait3A_696 = arith.constant 0 : i32
      %dma_wait3A_697 = tpu.memref_slice %arg6[%dma_wait3A_695, %dma_wait3A_696] : memref<10000x32xf32, #tpu.memory_space<vmem_shared>> -> memref<10000x32xf32, #tpu.memory_space<vmem_shared>>
      tpu.wait_indirect_dma semaphore(%arg13 : memref<!tpu.dma_semaphore, #tpu.memory_space<semaphore_mem>>) src(%dma_wait3A_697 : memref<10000x32xf32, #tpu.memory_space<vmem_shared>>) dst(%dma_wait3A_692 : memref<128x32xf32, #tpu.memory_space<vmem>>)
      %add3A_698 = arith.constant 6 : i32
      %add3A_699 = arith.addi %mul3A_549, %add3A_698 : i32
      %mul3A_700 = arith.constant 128 : i32
      %mul3A_701 = arith.muli %add3A_699, %mul3A_700 : i32
      %dma_start3A_702 = arith.constant 6 : i32
      %dma_start3A_703 = arith.constant 0 : i32
      %dma_start3A_704 = arith.constant 0 : i32
      %dma_start3A_705 = tpu.memref_slice %arg11[%dma_start3A_702, %dma_start3A_703, %dma_start3A_704] : memref<13x128x32xf32, #tpu.memory_space<vmem>> -> memref<1x128x32xf32, #tpu.memory_space<vmem>>
      %dma_start3A_706 = tpu.memref_squeeze %dma_start3A_705 : memref<1x128x32xf32, #tpu.memory_space<vmem>> -> memref<128x32xf32, #tpu.memory_space<vmem>>
      %dma_start3A_707 = tpu.memref_slice %arg8[%mul3A_701] : memref<9984xi32, #tpu.memory_space<vmem>> -> memref<128xi32, #tpu.memory_space<vmem>>
      %dma_start3A_708 = arith.constant 0 : i32
      %dma_start3A_709 = arith.constant 0 : i32
      %dma_start3A_710 = tpu.memref_slice %arg5[%dma_start3A_708, %dma_start3A_709] : memref<10000x32xf32, #tpu.memory_space<vmem_shared>> -> memref<10000x32xf32, #tpu.memory_space<vmem_shared>>
      tpu.enqueue_indirect_dma source(%dma_start3A_706 : memref<128x32xf32, #tpu.memory_space<vmem>>) target(%dma_start3A_710 : memref<10000x32xf32, #tpu.memory_space<vmem_shared>>) offsets(%dma_start3A_707 : memref<128xi32, #tpu.memory_space<vmem>>) semaphore(%arg14 : memref<!tpu.dma_semaphore, #tpu.memory_space<semaphore_mem>>) {add = true}
      %dma_wait3A_711 = arith.constant 7 : i32
      %dma_wait3A_712 = arith.constant 0 : i32
      %dma_wait3A_713 = arith.constant 0 : i32
      %dma_wait3A_714 = tpu.memref_slice %arg11[%dma_wait3A_711, %dma_wait3A_712, %dma_wait3A_713] : memref<13x128x32xf32, #tpu.memory_space<vmem>> -> memref<1x128x32xf32, #tpu.memory_space<vmem>>
      %dma_wait3A_715 = tpu.memref_squeeze %dma_wait3A_714 : memref<1x128x32xf32, #tpu.memory_space<vmem>> -> memref<128x32xf32, #tpu.memory_space<vmem>>
      %dma_wait3A_716 = arith.constant 0 : i32
      %dma_wait3A_717 = tpu.memref_slice %arg7[%dma_wait3A_716] : memref<9984xi32, #tpu.memory_space<vmem>> -> memref<128xi32, #tpu.memory_space<vmem>>
      %dma_wait3A_718 = arith.constant 0 : i32
      %dma_wait3A_719 = arith.constant 0 : i32
      %dma_wait3A_720 = tpu.memref_slice %arg6[%dma_wait3A_718, %dma_wait3A_719] : memref<10000x32xf32, #tpu.memory_space<vmem_shared>> -> memref<10000x32xf32, #tpu.memory_space<vmem_shared>>
      tpu.wait_indirect_dma semaphore(%arg13 : memref<!tpu.dma_semaphore, #tpu.memory_space<semaphore_mem>>) src(%dma_wait3A_720 : memref<10000x32xf32, #tpu.memory_space<vmem_shared>>) dst(%dma_wait3A_715 : memref<128x32xf32, #tpu.memory_space<vmem>>)
      %add3A_721 = arith.constant 7 : i32
      %add3A_722 = arith.addi %mul3A_549, %add3A_721 : i32
      %mul3A_723 = arith.constant 128 : i32
      %mul3A_724 = arith.muli %add3A_722, %mul3A_723 : i32
      %dma_start3A_725 = arith.constant 7 : i32
      %dma_start3A_726 = arith.constant 0 : i32
      %dma_start3A_727 = arith.constant 0 : i32
      %dma_start3A_728 = tpu.memref_slice %arg11[%dma_start3A_725, %dma_start3A_726, %dma_start3A_727] : memref<13x128x32xf32, #tpu.memory_space<vmem>> -> memref<1x128x32xf32, #tpu.memory_space<vmem>>
      %dma_start3A_729 = tpu.memref_squeeze %dma_start3A_728 : memref<1x128x32xf32, #tpu.memory_space<vmem>> -> memref<128x32xf32, #tpu.memory_space<vmem>>
      %dma_start3A_730 = tpu.memref_slice %arg8[%mul3A_724] : memref<9984xi32, #tpu.memory_space<vmem>> -> memref<128xi32, #tpu.memory_space<vmem>>
      %dma_start3A_731 = arith.constant 0 : i32
      %dma_start3A_732 = arith.constant 0 : i32
      %dma_start3A_733 = tpu.memref_slice %arg5[%dma_start3A_731, %dma_start3A_732] : memref<10000x32xf32, #tpu.memory_space<vmem_shared>> -> memref<10000x32xf32, #tpu.memory_space<vmem_shared>>
      tpu.enqueue_indirect_dma source(%dma_start3A_729 : memref<128x32xf32, #tpu.memory_space<vmem>>) target(%dma_start3A_733 : memref<10000x32xf32, #tpu.memory_space<vmem_shared>>) offsets(%dma_start3A_730 : memref<128xi32, #tpu.memory_space<vmem>>) semaphore(%arg14 : memref<!tpu.dma_semaphore, #tpu.memory_space<semaphore_mem>>) {add = true}
      %dma_wait3A_734 = arith.constant 8 : i32
      %dma_wait3A_735 = arith.constant 0 : i32
      %dma_wait3A_736 = arith.constant 0 : i32
      %dma_wait3A_737 = tpu.memref_slice %arg11[%dma_wait3A_734, %dma_wait3A_735, %dma_wait3A_736] : memref<13x128x32xf32, #tpu.memory_space<vmem>> -> memref<1x128x32xf32, #tpu.memory_space<vmem>>
      %dma_wait3A_738 = tpu.memref_squeeze %dma_wait3A_737 : memref<1x128x32xf32, #tpu.memory_space<vmem>> -> memref<128x32xf32, #tpu.memory_space<vmem>>
      %dma_wait3A_739 = arith.constant 0 : i32
      %dma_wait3A_740 = tpu.memref_slice %arg7[%dma_wait3A_739] : memref<9984xi32, #tpu.memory_space<vmem>> -> memref<128xi32, #tpu.memory_space<vmem>>
      %dma_wait3A_741 = arith.constant 0 : i32
      %dma_wait3A_742 = arith.constant 0 : i32
      %dma_wait3A_743 = tpu.memref_slice %arg6[%dma_wait3A_741, %dma_wait3A_742] : memref<10000x32xf32, #tpu.memory_space<vmem_shared>> -> memref<10000x32xf32, #tpu.memory_space<vmem_shared>>
      tpu.wait_indirect_dma semaphore(%arg13 : memref<!tpu.dma_semaphore, #tpu.memory_space<semaphore_mem>>) src(%dma_wait3A_743 : memref<10000x32xf32, #tpu.memory_space<vmem_shared>>) dst(%dma_wait3A_738 : memref<128x32xf32, #tpu.memory_space<vmem>>)
      %add3A_744 = arith.constant 8 : i32
      %add3A_745 = arith.addi %mul3A_549, %add3A_744 : i32
      %mul3A_746 = arith.constant 128 : i32
      %mul3A_747 = arith.muli %add3A_745, %mul3A_746 : i32
      %dma_start3A_748 = arith.constant 8 : i32
      %dma_start3A_749 = arith.constant 0 : i32
      %dma_start3A_750 = arith.constant 0 : i32
      %dma_start3A_751 = tpu.memref_slice %arg11[%dma_start3A_748, %dma_start3A_749, %dma_start3A_750] : memref<13x128x32xf32, #tpu.memory_space<vmem>> -> memref<1x128x32xf32, #tpu.memory_space<vmem>>
      %dma_start3A_752 = tpu.memref_squeeze %dma_start3A_751 : memref<1x128x32xf32, #tpu.memory_space<vmem>> -> memref<128x32xf32, #tpu.memory_space<vmem>>
      %dma_start3A_753 = tpu.memref_slice %arg8[%mul3A_747] : memref<9984xi32, #tpu.memory_space<vmem>> -> memref<128xi32, #tpu.memory_space<vmem>>
      %dma_start3A_754 = arith.constant 0 : i32
      %dma_start3A_755 = arith.constant 0 : i32
      %dma_start3A_756 = tpu.memref_slice %arg5[%dma_start3A_754, %dma_start3A_755] : memref<10000x32xf32, #tpu.memory_space<vmem_shared>> -> memref<10000x32xf32, #tpu.memory_space<vmem_shared>>
      tpu.enqueue_indirect_dma source(%dma_start3A_752 : memref<128x32xf32, #tpu.memory_space<vmem>>) target(%dma_start3A_756 : memref<10000x32xf32, #tpu.memory_space<vmem_shared>>) offsets(%dma_start3A_753 : memref<128xi32, #tpu.memory_space<vmem>>) semaphore(%arg14 : memref<!tpu.dma_semaphore, #tpu.memory_space<semaphore_mem>>) {add = true}
      %dma_wait3A_757 = arith.constant 9 : i32
      %dma_wait3A_758 = arith.constant 0 : i32
      %dma_wait3A_759 = arith.constant 0 : i32
      %dma_wait3A_760 = tpu.memref_slice %arg11[%dma_wait3A_757, %dma_wait3A_758, %dma_wait3A_759] : memref<13x128x32xf32, #tpu.memory_space<vmem>> -> memref<1x128x32xf32, #tpu.memory_space<vmem>>
      %dma_wait3A_761 = tpu.memref_squeeze %dma_wait3A_760 : memref<1x128x32xf32, #tpu.memory_space<vmem>> -> memref<128x32xf32, #tpu.memory_space<vmem>>
      %dma_wait3A_762 = arith.constant 0 : i32
      %dma_wait3A_763 = tpu.memref_slice %arg7[%dma_wait3A_762] : memref<9984xi32, #tpu.memory_space<vmem>> -> memref<128xi32, #tpu.memory_space<vmem>>
      %dma_wait3A_764 = arith.constant 0 : i32
      %dma_wait3A_765 = arith.constant 0 : i32
      %dma_wait3A_766 = tpu.memref_slice %arg6[%dma_wait3A_764, %dma_wait3A_765] : memref<10000x32xf32, #tpu.memory_space<vmem_shared>> -> memref<10000x32xf32, #tpu.memory_space<vmem_shared>>
      tpu.wait_indirect_dma semaphore(%arg13 : memref<!tpu.dma_semaphore, #tpu.memory_space<semaphore_mem>>) src(%dma_wait3A_766 : memref<10000x32xf32, #tpu.memory_space<vmem_shared>>) dst(%dma_wait3A_761 : memref<128x32xf32, #tpu.memory_space<vmem>>)
      %add3A_767 = arith.constant 9 : i32
      %add3A_768 = arith.addi %mul3A_549, %add3A_767 : i32
      %mul3A_769 = arith.constant 128 : i32
      %mul3A_770 = arith.muli %add3A_768, %mul3A_769 : i32
      %dma_start3A_771 = arith.constant 9 : i32
      %dma_start3A_772 = arith.constant 0 : i32
      %dma_start3A_773 = arith.constant 0 : i32
      %dma_start3A_774 = tpu.memref_slice %arg11[%dma_start3A_771, %dma_start3A_772, %dma_start3A_773] : memref<13x128x32xf32, #tpu.memory_space<vmem>> -> memref<1x128x32xf32, #tpu.memory_space<vmem>>
      %dma_start3A_775 = tpu.memref_squeeze %dma_start3A_774 : memref<1x128x32xf32, #tpu.memory_space<vmem>> -> memref<128x32xf32, #tpu.memory_space<vmem>>
      %dma_start3A_776 = tpu.memref_slice %arg8[%mul3A_770] : memref<9984xi32, #tpu.memory_space<vmem>> -> memref<128xi32, #tpu.memory_space<vmem>>
      %dma_start3A_777 = arith.constant 0 : i32
      %dma_start3A_778 = arith.constant 0 : i32
      %dma_start3A_779 = tpu.memref_slice %arg5[%dma_start3A_777, %dma_start3A_778] : memref<10000x32xf32, #tpu.memory_space<vmem_shared>> -> memref<10000x32xf32, #tpu.memory_space<vmem_shared>>
      tpu.enqueue_indirect_dma source(%dma_start3A_775 : memref<128x32xf32, #tpu.memory_space<vmem>>) target(%dma_start3A_779 : memref<10000x32xf32, #tpu.memory_space<vmem_shared>>) offsets(%dma_start3A_776 : memref<128xi32, #tpu.memory_space<vmem>>) semaphore(%arg14 : memref<!tpu.dma_semaphore, #tpu.memory_space<semaphore_mem>>) {add = true}
      %dma_wait3A_780 = arith.constant 10 : i32
      %dma_wait3A_781 = arith.constant 0 : i32
      %dma_wait3A_782 = arith.constant 0 : i32
      %dma_wait3A_783 = tpu.memref_slice %arg11[%dma_wait3A_780, %dma_wait3A_781, %dma_wait3A_782] : memref<13x128x32xf32, #tpu.memory_space<vmem>> -> memref<1x128x32xf32, #tpu.memory_space<vmem>>
      %dma_wait3A_784 = tpu.memref_squeeze %dma_wait3A_783 : memref<1x128x32xf32, #tpu.memory_space<vmem>> -> memref<128x32xf32, #tpu.memory_space<vmem>>
      %dma_wait3A_785 = arith.constant 0 : i32
      %dma_wait3A_786 = tpu.memref_slice %arg7[%dma_wait3A_785] : memref<9984xi32, #tpu.memory_space<vmem>> -> memref<128xi32, #tpu.memory_space<vmem>>
      %dma_wait3A_787 = arith.constant 0 : i32
      %dma_wait3A_788 = arith.constant 0 : i32
      %dma_wait3A_789 = tpu.memref_slice %arg6[%dma_wait3A_787, %dma_wait3A_788] : memref<10000x32xf32, #tpu.memory_space<vmem_shared>> -> memref<10000x32xf32, #tpu.memory_space<vmem_shared>>
      tpu.wait_indirect_dma semaphore(%arg13 : memref<!tpu.dma_semaphore, #tpu.memory_space<semaphore_mem>>) src(%dma_wait3A_789 : memref<10000x32xf32, #tpu.memory_space<vmem_shared>>) dst(%dma_wait3A_784 : memref<128x32xf32, #tpu.memory_space<vmem>>)
      %add3A_790 = arith.constant 10 : i32
      %add3A_791 = arith.addi %mul3A_549, %add3A_790 : i32
      %mul3A_792 = arith.constant 128 : i32
      %mul3A_793 = arith.muli %add3A_791, %mul3A_792 : i32
      %dma_start3A_794 = arith.constant 10 : i32
      %dma_start3A_795 = arith.constant 0 : i32
      %dma_start3A_796 = arith.constant 0 : i32
      %dma_start3A_797 = tpu.memref_slice %arg11[%dma_start3A_794, %dma_start3A_795, %dma_start3A_796] : memref<13x128x32xf32, #tpu.memory_space<vmem>> -> memref<1x128x32xf32, #tpu.memory_space<vmem>>
      %dma_start3A_798 = tpu.memref_squeeze %dma_start3A_797 : memref<1x128x32xf32, #tpu.memory_space<vmem>> -> memref<128x32xf32, #tpu.memory_space<vmem>>
      %dma_start3A_799 = tpu.memref_slice %arg8[%mul3A_793] : memref<9984xi32, #tpu.memory_space<vmem>> -> memref<128xi32, #tpu.memory_space<vmem>>
      %dma_start3A_800 = arith.constant 0 : i32
      %dma_start3A_801 = arith.constant 0 : i32
      %dma_start3A_802 = tpu.memref_slice %arg5[%dma_start3A_800, %dma_start3A_801] : memref<10000x32xf32, #tpu.memory_space<vmem_shared>> -> memref<10000x32xf32, #tpu.memory_space<vmem_shared>>
      tpu.enqueue_indirect_dma source(%dma_start3A_798 : memref<128x32xf32, #tpu.memory_space<vmem>>) target(%dma_start3A_802 : memref<10000x32xf32, #tpu.memory_space<vmem_shared>>) offsets(%dma_start3A_799 : memref<128xi32, #tpu.memory_space<vmem>>) semaphore(%arg14 : memref<!tpu.dma_semaphore, #tpu.memory_space<semaphore_mem>>) {add = true}
      %dma_wait3A_803 = arith.constant 11 : i32
      %dma_wait3A_804 = arith.constant 0 : i32
      %dma_wait3A_805 = arith.constant 0 : i32
      %dma_wait3A_806 = tpu.memref_slice %arg11[%dma_wait3A_803, %dma_wait3A_804, %dma_wait3A_805] : memref<13x128x32xf32, #tpu.memory_space<vmem>> -> memref<1x128x32xf32, #tpu.memory_space<vmem>>
      %dma_wait3A_807 = tpu.memref_squeeze %dma_wait3A_806 : memref<1x128x32xf32, #tpu.memory_space<vmem>> -> memref<128x32xf32, #tpu.memory_space<vmem>>
      %dma_wait3A_808 = arith.constant 0 : i32
      %dma_wait3A_809 = tpu.memref_slice %arg7[%dma_wait3A_808] : memref<9984xi32, #tpu.memory_space<vmem>> -> memref<128xi32, #tpu.memory_space<vmem>>
      %dma_wait3A_810 = arith.constant 0 : i32
      %dma_wait3A_811 = arith.constant 0 : i32
      %dma_wait3A_812 = tpu.memref_slice %arg6[%dma_wait3A_810, %dma_wait3A_811] : memref<10000x32xf32, #tpu.memory_space<vmem_shared>> -> memref<10000x32xf32, #tpu.memory_space<vmem_shared>>
      tpu.wait_indirect_dma semaphore(%arg13 : memref<!tpu.dma_semaphore, #tpu.memory_space<semaphore_mem>>) src(%dma_wait3A_812 : memref<10000x32xf32, #tpu.memory_space<vmem_shared>>) dst(%dma_wait3A_807 : memref<128x32xf32, #tpu.memory_space<vmem>>)
      %add3A_813 = arith.constant 11 : i32
      %add3A_814 = arith.addi %mul3A_549, %add3A_813 : i32
      %mul3A_815 = arith.constant 128 : i32
      %mul3A_816 = arith.muli %add3A_814, %mul3A_815 : i32
      %dma_start3A_817 = arith.constant 11 : i32
      %dma_start3A_818 = arith.constant 0 : i32
      %dma_start3A_819 = arith.constant 0 : i32
      %dma_start3A_820 = tpu.memref_slice %arg11[%dma_start3A_817, %dma_start3A_818, %dma_start3A_819] : memref<13x128x32xf32, #tpu.memory_space<vmem>> -> memref<1x128x32xf32, #tpu.memory_space<vmem>>
      %dma_start3A_821 = tpu.memref_squeeze %dma_start3A_820 : memref<1x128x32xf32, #tpu.memory_space<vmem>> -> memref<128x32xf32, #tpu.memory_space<vmem>>
      %dma_start3A_822 = tpu.memref_slice %arg8[%mul3A_816] : memref<9984xi32, #tpu.memory_space<vmem>> -> memref<128xi32, #tpu.memory_space<vmem>>
      %dma_start3A_823 = arith.constant 0 : i32
      %dma_start3A_824 = arith.constant 0 : i32
      %dma_start3A_825 = tpu.memref_slice %arg5[%dma_start3A_823, %dma_start3A_824] : memref<10000x32xf32, #tpu.memory_space<vmem_shared>> -> memref<10000x32xf32, #tpu.memory_space<vmem_shared>>
      tpu.enqueue_indirect_dma source(%dma_start3A_821 : memref<128x32xf32, #tpu.memory_space<vmem>>) target(%dma_start3A_825 : memref<10000x32xf32, #tpu.memory_space<vmem_shared>>) offsets(%dma_start3A_822 : memref<128xi32, #tpu.memory_space<vmem>>) semaphore(%arg14 : memref<!tpu.dma_semaphore, #tpu.memory_space<semaphore_mem>>) {add = true}
      %dma_wait3A_826 = arith.constant 12 : i32
      %dma_wait3A_827 = arith.constant 0 : i32
      %dma_wait3A_828 = arith.constant 0 : i32
      %dma_wait3A_829 = tpu.memref_slice %arg11[%dma_wait3A_826, %dma_wait3A_827, %dma_wait3A_828] : memref<13x128x32xf32, #tpu.memory_space<vmem>> -> memref<1x128x32xf32, #tpu.memory_space<vmem>>
      %dma_wait3A_830 = tpu.memref_squeeze %dma_wait3A_829 : memref<1x128x32xf32, #tpu.memory_space<vmem>> -> memref<128x32xf32, #tpu.memory_space<vmem>>
      %dma_wait3A_831 = arith.constant 0 : i32
      %dma_wait3A_832 = tpu.memref_slice %arg7[%dma_wait3A_831] : memref<9984xi32, #tpu.memory_space<vmem>> -> memref<128xi32, #tpu.memory_space<vmem>>
      %dma_wait3A_833 = arith.constant 0 : i32
      %dma_wait3A_834 = arith.constant 0 : i32
      %dma_wait3A_835 = tpu.memref_slice %arg6[%dma_wait3A_833, %dma_wait3A_834] : memref<10000x32xf32, #tpu.memory_space<vmem_shared>> -> memref<10000x32xf32, #tpu.memory_space<vmem_shared>>
      tpu.wait_indirect_dma semaphore(%arg13 : memref<!tpu.dma_semaphore, #tpu.memory_space<semaphore_mem>>) src(%dma_wait3A_835 : memref<10000x32xf32, #tpu.memory_space<vmem_shared>>) dst(%dma_wait3A_830 : memref<128x32xf32, #tpu.memory_space<vmem>>)
      %add3A_836 = arith.constant 12 : i32
      %add3A_837 = arith.addi %mul3A_549, %add3A_836 : i32
      %mul3A_838 = arith.constant 128 : i32
      %mul3A_839 = arith.muli %add3A_837, %mul3A_838 : i32
      %dma_start3A_840 = arith.constant 12 : i32
      %dma_start3A_841 = arith.constant 0 : i32
      %dma_start3A_842 = arith.constant 0 : i32
      %dma_start3A_843 = tpu.memref_slice %arg11[%dma_start3A_840, %dma_start3A_841, %dma_start3A_842] : memref<13x128x32xf32, #tpu.memory_space<vmem>> -> memref<1x128x32xf32, #tpu.memory_space<vmem>>
      %dma_start3A_844 = tpu.memref_squeeze %dma_start3A_843 : memref<1x128x32xf32, #tpu.memory_space<vmem>> -> memref<128x32xf32, #tpu.memory_space<vmem>>
      %dma_start3A_845 = tpu.memref_slice %arg8[%mul3A_839] : memref<9984xi32, #tpu.memory_space<vmem>> -> memref<128xi32, #tpu.memory_space<vmem>>
      %dma_start3A_846 = arith.constant 0 : i32
      %dma_start3A_847 = arith.constant 0 : i32
      %dma_start3A_848 = tpu.memref_slice %arg5[%dma_start3A_846, %dma_start3A_847] : memref<10000x32xf32, #tpu.memory_space<vmem_shared>> -> memref<10000x32xf32, #tpu.memory_space<vmem_shared>>
      tpu.enqueue_indirect_dma source(%dma_start3A_844 : memref<128x32xf32, #tpu.memory_space<vmem>>) target(%dma_start3A_848 : memref<10000x32xf32, #tpu.memory_space<vmem_shared>>) offsets(%dma_start3A_845 : memref<128xi32, #tpu.memory_space<vmem>>) semaphore(%arg14 : memref<!tpu.dma_semaphore, #tpu.memory_space<semaphore_mem>>) {add = true}
      %dma_wait3A_849 = arith.constant 0 : i32
      %dma_wait3A_850 = arith.constant 0 : i32
      %dma_wait3A_851 = arith.constant 0 : i32
      %dma_wait3A_852 = tpu.memref_slice %arg11[%dma_wait3A_849, %dma_wait3A_850, %dma_wait3A_851] : memref<13x128x32xf32, #tpu.memory_space<vmem>> -> memref<1x128x32xf32, #tpu.memory_space<vmem>>
      %dma_wait3A_853 = tpu.memref_squeeze %dma_wait3A_852 : memref<1x128x32xf32, #tpu.memory_space<vmem>> -> memref<128x32xf32, #tpu.memory_space<vmem>>
      %dma_wait3A_854 = arith.constant 0 : i32
      %dma_wait3A_855 = tpu.memref_slice %arg8[%dma_wait3A_854] : memref<9984xi32, #tpu.memory_space<vmem>> -> memref<128xi32, #tpu.memory_space<vmem>>
      %dma_wait3A_856 = arith.constant 0 : i32
      %dma_wait3A_857 = arith.constant 0 : i32
      %dma_wait3A_858 = tpu.memref_slice %arg5[%dma_wait3A_856, %dma_wait3A_857] : memref<10000x32xf32, #tpu.memory_space<vmem_shared>> -> memref<10000x32xf32, #tpu.memory_space<vmem_shared>>
      tpu.wait_indirect_dma semaphore(%arg14 : memref<!tpu.dma_semaphore, #tpu.memory_space<semaphore_mem>>) src(%dma_wait3A_853 : memref<128x32xf32, #tpu.memory_space<vmem>>) dst(%dma_wait3A_858 : memref<10000x32xf32, #tpu.memory_space<vmem_shared>>)
      %add3A_859 = arith.constant 13 : i32
      %add3A_860 = arith.addi %mul3A_549, %add3A_859 : i32
      %add3A_861 = arith.constant 0 : i32
      %add3A_862 = arith.addi %add3A_860, %add3A_861 : i32
      %mul3A_863 = arith.constant 128 : i32
      %mul3A_864 = arith.muli %add3A_862, %mul3A_863 : i32
      %dma_start3A_865 = arith.constant 0 : i32
      %dma_start3A_866 = arith.constant 0 : i32
      %dma_start3A_867 = arith.constant 0 : i32
      %dma_start3A_868 = tpu.memref_slice %arg11[%dma_start3A_865, %dma_start3A_866, %dma_start3A_867] : memref<13x128x32xf32, #tpu.memory_space<vmem>> -> memref<1x128x32xf32, #tpu.memory_space<vmem>>
      %dma_start3A_869 = tpu.memref_squeeze %dma_start3A_868 : memref<1x128x32xf32, #tpu.memory_space<vmem>> -> memref<128x32xf32, #tpu.memory_space<vmem>>
      %dma_start3A_870 = tpu.memref_slice %arg7[%mul3A_864] : memref<9984xi32, #tpu.memory_space<vmem>> -> memref<128xi32, #tpu.memory_space<vmem>>
      %dma_start3A_871 = arith.constant 0 : i32
      %dma_start3A_872 = arith.constant 0 : i32
      %dma_start3A_873 = tpu.memref_slice %arg6[%dma_start3A_871, %dma_start3A_872] : memref<10000x32xf32, #tpu.memory_space<vmem_shared>> -> memref<10000x32xf32, #tpu.memory_space<vmem_shared>>
      tpu.enqueue_indirect_dma source(%dma_start3A_873 : memref<10000x32xf32, #tpu.memory_space<vmem_shared>>) target(%dma_start3A_869 : memref<128x32xf32, #tpu.memory_space<vmem>>) offsets(%dma_start3A_870 : memref<128xi32, #tpu.memory_space<vmem>>) semaphore(%arg13 : memref<!tpu.dma_semaphore, #tpu.memory_space<semaphore_mem>>)
      %dma_wait3A_874 = arith.constant 1 : i32
      %dma_wait3A_875 = arith.constant 0 : i32
      %dma_wait3A_876 = arith.constant 0 : i32
      %dma_wait3A_877 = tpu.memref_slice %arg11[%dma_wait3A_874, %dma_wait3A_875, %dma_wait3A_876] : memref<13x128x32xf32, #tpu.memory_space<vmem>> -> memref<1x128x32xf32, #tpu.memory_space<vmem>>
      %dma_wait3A_878 = tpu.memref_squeeze %dma_wait3A_877 : memref<1x128x32xf32, #tpu.memory_space<vmem>> -> memref<128x32xf32, #tpu.memory_space<vmem>>
      %dma_wait3A_879 = arith.constant 0 : i32
      %dma_wait3A_880 = tpu.memref_slice %arg8[%dma_wait3A_879] : memref<9984xi32, #tpu.memory_space<vmem>> -> memref<128xi32, #tpu.memory_space<vmem>>
      %dma_wait3A_881 = arith.constant 0 : i32
      %dma_wait3A_882 = arith.constant 0 : i32
      %dma_wait3A_883 = tpu.memref_slice %arg5[%dma_wait3A_881, %dma_wait3A_882] : memref<10000x32xf32, #tpu.memory_space<vmem_shared>> -> memref<10000x32xf32, #tpu.memory_space<vmem_shared>>
      tpu.wait_indirect_dma semaphore(%arg14 : memref<!tpu.dma_semaphore, #tpu.memory_space<semaphore_mem>>) src(%dma_wait3A_878 : memref<128x32xf32, #tpu.memory_space<vmem>>) dst(%dma_wait3A_883 : memref<10000x32xf32, #tpu.memory_space<vmem_shared>>)
      %add3A_884 = arith.constant 13 : i32
      %add3A_885 = arith.addi %mul3A_549, %add3A_884 : i32
      %add3A_886 = arith.constant 1 : i32
      %add3A_887 = arith.addi %add3A_885, %add3A_886 : i32
      %mul3A_888 = arith.constant 128 : i32
      %mul3A_889 = arith.muli %add3A_887, %mul3A_888 : i32
      %dma_start3A_890 = arith.constant 1 : i32
      %dma_start3A_891 = arith.constant 0 : i32
      %dma_start3A_892 = arith.constant 0 : i32
      %dma_start3A_893 = tpu.memref_slice %arg11[%dma_start3A_890, %dma_start3A_891, %dma_start3A_892] : memref<13x128x32xf32, #tpu.memory_space<vmem>> -> memref<1x128x32xf32, #tpu.memory_space<vmem>>
      %dma_start3A_894 = tpu.memref_squeeze %dma_start3A_893 : memref<1x128x32xf32, #tpu.memory_space<vmem>> -> memref<128x32xf32, #tpu.memory_space<vmem>>
      %dma_start3A_895 = tpu.memref_slice %arg7[%mul3A_889] : memref<9984xi32, #tpu.memory_space<vmem>> -> memref<128xi32, #tpu.memory_space<vmem>>
      %dma_start3A_896 = arith.constant 0 : i32
      %dma_start3A_897 = arith.constant 0 : i32
      %dma_start3A_898 = tpu.memref_slice %arg6[%dma_start3A_896, %dma_start3A_897] : memref<10000x32xf32, #tpu.memory_space<vmem_shared>> -> memref<10000x32xf32, #tpu.memory_space<vmem_shared>>
      tpu.enqueue_indirect_dma source(%dma_start3A_898 : memref<10000x32xf32, #tpu.memory_space<vmem_shared>>) target(%dma_start3A_894 : memref<128x32xf32, #tpu.memory_space<vmem>>) offsets(%dma_start3A_895 : memref<128xi32, #tpu.memory_space<vmem>>) semaphore(%arg13 : memref<!tpu.dma_semaphore, #tpu.memory_space<semaphore_mem>>)
      %dma_wait3A_899 = arith.constant 2 : i32
      %dma_wait3A_900 = arith.constant 0 : i32
      %dma_wait3A_901 = arith.constant 0 : i32
      %dma_wait3A_902 = tpu.memref_slice %arg11[%dma_wait3A_899, %dma_wait3A_900, %dma_wait3A_901] : memref<13x128x32xf32, #tpu.memory_space<vmem>> -> memref<1x128x32xf32, #tpu.memory_space<vmem>>
      %dma_wait3A_903 = tpu.memref_squeeze %dma_wait3A_902 : memref<1x128x32xf32, #tpu.memory_space<vmem>> -> memref<128x32xf32, #tpu.memory_space<vmem>>
      %dma_wait3A_904 = arith.constant 0 : i32
      %dma_wait3A_905 = tpu.memref_slice %arg8[%dma_wait3A_904] : memref<9984xi32, #tpu.memory_space<vmem>> -> memref<128xi32, #tpu.memory_space<vmem>>
      %dma_wait3A_906 = arith.constant 0 : i32
      %dma_wait3A_907 = arith.constant 0 : i32
      %dma_wait3A_908 = tpu.memref_slice %arg5[%dma_wait3A_906, %dma_wait3A_907] : memref<10000x32xf32, #tpu.memory_space<vmem_shared>> -> memref<10000x32xf32, #tpu.memory_space<vmem_shared>>
      tpu.wait_indirect_dma semaphore(%arg14 : memref<!tpu.dma_semaphore, #tpu.memory_space<semaphore_mem>>) src(%dma_wait3A_903 : memref<128x32xf32, #tpu.memory_space<vmem>>) dst(%dma_wait3A_908 : memref<10000x32xf32, #tpu.memory_space<vmem_shared>>)
      %add3A_909 = arith.constant 13 : i32
      %add3A_910 = arith.addi %mul3A_549, %add3A_909 : i32
      %add3A_911 = arith.constant 2 : i32
      %add3A_912 = arith.addi %add3A_910, %add3A_911 : i32
      %mul3A_913 = arith.constant 128 : i32
      %mul3A_914 = arith.muli %add3A_912, %mul3A_913 : i32
      %dma_start3A_915 = arith.constant 2 : i32
      %dma_start3A_916 = arith.constant 0 : i32
      %dma_start3A_917 = arith.constant 0 : i32
      %dma_start3A_918 = tpu.memref_slice %arg11[%dma_start3A_915, %dma_start3A_916, %dma_start3A_917] : memref<13x128x32xf32, #tpu.memory_space<vmem>> -> memref<1x128x32xf32, #tpu.memory_space<vmem>>
      %dma_start3A_919 = tpu.memref_squeeze %dma_start3A_918 : memref<1x128x32xf32, #tpu.memory_space<vmem>> -> memref<128x32xf32, #tpu.memory_space<vmem>>
      %dma_start3A_920 = tpu.memref_slice %arg7[%mul3A_914] : memref<9984xi32, #tpu.memory_space<vmem>> -> memref<128xi32, #tpu.memory_space<vmem>>
      %dma_start3A_921 = arith.constant 0 : i32
      %dma_start3A_922 = arith.constant 0 : i32
      %dma_start3A_923 = tpu.memref_slice %arg6[%dma_start3A_921, %dma_start3A_922] : memref<10000x32xf32, #tpu.memory_space<vmem_shared>> -> memref<10000x32xf32, #tpu.memory_space<vmem_shared>>
      tpu.enqueue_indirect_dma source(%dma_start3A_923 : memref<10000x32xf32, #tpu.memory_space<vmem_shared>>) target(%dma_start3A_919 : memref<128x32xf32, #tpu.memory_space<vmem>>) offsets(%dma_start3A_920 : memref<128xi32, #tpu.memory_space<vmem>>) semaphore(%arg13 : memref<!tpu.dma_semaphore, #tpu.memory_space<semaphore_mem>>)
      %dma_wait3A_924 = arith.constant 3 : i32
      %dma_wait3A_925 = arith.constant 0 : i32
      %dma_wait3A_926 = arith.constant 0 : i32
      %dma_wait3A_927 = tpu.memref_slice %arg11[%dma_wait3A_924, %dma_wait3A_925, %dma_wait3A_926] : memref<13x128x32xf32, #tpu.memory_space<vmem>> -> memref<1x128x32xf32, #tpu.memory_space<vmem>>
      %dma_wait3A_928 = tpu.memref_squeeze %dma_wait3A_927 : memref<1x128x32xf32, #tpu.memory_space<vmem>> -> memref<128x32xf32, #tpu.memory_space<vmem>>
      %dma_wait3A_929 = arith.constant 0 : i32
      %dma_wait3A_930 = tpu.memref_slice %arg8[%dma_wait3A_929] : memref<9984xi32, #tpu.memory_space<vmem>> -> memref<128xi32, #tpu.memory_space<vmem>>
      %dma_wait3A_931 = arith.constant 0 : i32
      %dma_wait3A_932 = arith.constant 0 : i32
      %dma_wait3A_933 = tpu.memref_slice %arg5[%dma_wait3A_931, %dma_wait3A_932] : memref<10000x32xf32, #tpu.memory_space<vmem_shared>> -> memref<10000x32xf32, #tpu.memory_space<vmem_shared>>
      tpu.wait_indirect_dma semaphore(%arg14 : memref<!tpu.dma_semaphore, #tpu.memory_space<semaphore_mem>>) src(%dma_wait3A_928 : memref<128x32xf32, #tpu.memory_space<vmem>>) dst(%dma_wait3A_933 : memref<10000x32xf32, #tpu.memory_space<vmem_shared>>)
      %add3A_934 = arith.constant 13 : i32
      %add3A_935 = arith.addi %mul3A_549, %add3A_934 : i32
      %add3A_936 = arith.constant 3 : i32
      %add3A_937 = arith.addi %add3A_935, %add3A_936 : i32
      %mul3A_938 = arith.constant 128 : i32
      %mul3A_939 = arith.muli %add3A_937, %mul3A_938 : i32
      %dma_start3A_940 = arith.constant 3 : i32
      %dma_start3A_941 = arith.constant 0 : i32
      %dma_start3A_942 = arith.constant 0 : i32
      %dma_start3A_943 = tpu.memref_slice %arg11[%dma_start3A_940, %dma_start3A_941, %dma_start3A_942] : memref<13x128x32xf32, #tpu.memory_space<vmem>> -> memref<1x128x32xf32, #tpu.memory_space<vmem>>
      %dma_start3A_944 = tpu.memref_squeeze %dma_start3A_943 : memref<1x128x32xf32, #tpu.memory_space<vmem>> -> memref<128x32xf32, #tpu.memory_space<vmem>>
      %dma_start3A_945 = tpu.memref_slice %arg7[%mul3A_939] : memref<9984xi32, #tpu.memory_space<vmem>> -> memref<128xi32, #tpu.memory_space<vmem>>
      %dma_start3A_946 = arith.constant 0 : i32
      %dma_start3A_947 = arith.constant 0 : i32
      %dma_start3A_948 = tpu.memref_slice %arg6[%dma_start3A_946, %dma_start3A_947] : memref<10000x32xf32, #tpu.memory_space<vmem_shared>> -> memref<10000x32xf32, #tpu.memory_space<vmem_shared>>
      tpu.enqueue_indirect_dma source(%dma_start3A_948 : memref<10000x32xf32, #tpu.memory_space<vmem_shared>>) target(%dma_start3A_944 : memref<128x32xf32, #tpu.memory_space<vmem>>) offsets(%dma_start3A_945 : memref<128xi32, #tpu.memory_space<vmem>>) semaphore(%arg13 : memref<!tpu.dma_semaphore, #tpu.memory_space<semaphore_mem>>)
      %dma_wait3A_949 = arith.constant 4 : i32
      %dma_wait3A_950 = arith.constant 0 : i32
      %dma_wait3A_951 = arith.constant 0 : i32
      %dma_wait3A_952 = tpu.memref_slice %arg11[%dma_wait3A_949, %dma_wait3A_950, %dma_wait3A_951] : memref<13x128x32xf32, #tpu.memory_space<vmem>> -> memref<1x128x32xf32, #tpu.memory_space<vmem>>
      %dma_wait3A_953 = tpu.memref_squeeze %dma_wait3A_952 : memref<1x128x32xf32, #tpu.memory_space<vmem>> -> memref<128x32xf32, #tpu.memory_space<vmem>>
      %dma_wait3A_954 = arith.constant 0 : i32
      %dma_wait3A_955 = tpu.memref_slice %arg8[%dma_wait3A_954] : memref<9984xi32, #tpu.memory_space<vmem>> -> memref<128xi32, #tpu.memory_space<vmem>>
      %dma_wait3A_956 = arith.constant 0 : i32
      %dma_wait3A_957 = arith.constant 0 : i32
      %dma_wait3A_958 = tpu.memref_slice %arg5[%dma_wait3A_956, %dma_wait3A_957] : memref<10000x32xf32, #tpu.memory_space<vmem_shared>> -> memref<10000x32xf32, #tpu.memory_space<vmem_shared>>
      tpu.wait_indirect_dma semaphore(%arg14 : memref<!tpu.dma_semaphore, #tpu.memory_space<semaphore_mem>>) src(%dma_wait3A_953 : memref<128x32xf32, #tpu.memory_space<vmem>>) dst(%dma_wait3A_958 : memref<10000x32xf32, #tpu.memory_space<vmem_shared>>)
      %add3A_959 = arith.constant 13 : i32
      %add3A_960 = arith.addi %mul3A_549, %add3A_959 : i32
      %add3A_961 = arith.constant 4 : i32
      %add3A_962 = arith.addi %add3A_960, %add3A_961 : i32
      %mul3A_963 = arith.constant 128 : i32
      %mul3A_964 = arith.muli %add3A_962, %mul3A_963 : i32
      %dma_start3A_965 = arith.constant 4 : i32
      %dma_start3A_966 = arith.constant 0 : i32
      %dma_start3A_967 = arith.constant 0 : i32
      %dma_start3A_968 = tpu.memref_slice %arg11[%dma_start3A_965, %dma_start3A_966, %dma_start3A_967] : memref<13x128x32xf32, #tpu.memory_space<vmem>> -> memref<1x128x32xf32, #tpu.memory_space<vmem>>
      %dma_start3A_969 = tpu.memref_squeeze %dma_start3A_968 : memref<1x128x32xf32, #tpu.memory_space<vmem>> -> memref<128x32xf32, #tpu.memory_space<vmem>>
      %dma_start3A_970 = tpu.memref_slice %arg7[%mul3A_964] : memref<9984xi32, #tpu.memory_space<vmem>> -> memref<128xi32, #tpu.memory_space<vmem>>
      %dma_start3A_971 = arith.constant 0 : i32
      %dma_start3A_972 = arith.constant 0 : i32
      %dma_start3A_973 = tpu.memref_slice %arg6[%dma_start3A_971, %dma_start3A_972] : memref<10000x32xf32, #tpu.memory_space<vmem_shared>> -> memref<10000x32xf32, #tpu.memory_space<vmem_shared>>
      tpu.enqueue_indirect_dma source(%dma_start3A_973 : memref<10000x32xf32, #tpu.memory_space<vmem_shared>>) target(%dma_start3A_969 : memref<128x32xf32, #tpu.memory_space<vmem>>) offsets(%dma_start3A_970 : memref<128xi32, #tpu.memory_space<vmem>>) semaphore(%arg13 : memref<!tpu.dma_semaphore, #tpu.memory_space<semaphore_mem>>)
      %dma_wait3A_974 = arith.constant 5 : i32
      %dma_wait3A_975 = arith.constant 0 : i32
      %dma_wait3A_976 = arith.constant 0 : i32
      %dma_wait3A_977 = tpu.memref_slice %arg11[%dma_wait3A_974, %dma_wait3A_975, %dma_wait3A_976] : memref<13x128x32xf32, #tpu.memory_space<vmem>> -> memref<1x128x32xf32, #tpu.memory_space<vmem>>
      %dma_wait3A_978 = tpu.memref_squeeze %dma_wait3A_977 : memref<1x128x32xf32, #tpu.memory_space<vmem>> -> memref<128x32xf32, #tpu.memory_space<vmem>>
      %dma_wait3A_979 = arith.constant 0 : i32
      %dma_wait3A_980 = tpu.memref_slice %arg8[%dma_wait3A_979] : memref<9984xi32, #tpu.memory_space<vmem>> -> memref<128xi32, #tpu.memory_space<vmem>>
      %dma_wait3A_981 = arith.constant 0 : i32
      %dma_wait3A_982 = arith.constant 0 : i32
      %dma_wait3A_983 = tpu.memref_slice %arg5[%dma_wait3A_981, %dma_wait3A_982] : memref<10000x32xf32, #tpu.memory_space<vmem_shared>> -> memref<10000x32xf32, #tpu.memory_space<vmem_shared>>
      tpu.wait_indirect_dma semaphore(%arg14 : memref<!tpu.dma_semaphore, #tpu.memory_space<semaphore_mem>>) src(%dma_wait3A_978 : memref<128x32xf32, #tpu.memory_space<vmem>>) dst(%dma_wait3A_983 : memref<10000x32xf32, #tpu.memory_space<vmem_shared>>)
      %add3A_984 = arith.constant 13 : i32
      %add3A_985 = arith.addi %mul3A_549, %add3A_984 : i32
      %add3A_986 = arith.constant 5 : i32
      %add3A_987 = arith.addi %add3A_985, %add3A_986 : i32
      %mul3A_988 = arith.constant 128 : i32
      %mul3A_989 = arith.muli %add3A_987, %mul3A_988 : i32
      %dma_start3A_990 = arith.constant 5 : i32
      %dma_start3A_991 = arith.constant 0 : i32
      %dma_start3A_992 = arith.constant 0 : i32
      %dma_start3A_993 = tpu.memref_slice %arg11[%dma_start3A_990, %dma_start3A_991, %dma_start3A_992] : memref<13x128x32xf32, #tpu.memory_space<vmem>> -> memref<1x128x32xf32, #tpu.memory_space<vmem>>
      %dma_start3A_994 = tpu.memref_squeeze %dma_start3A_993 : memref<1x128x32xf32, #tpu.memory_space<vmem>> -> memref<128x32xf32, #tpu.memory_space<vmem>>
      %dma_start3A_995 = tpu.memref_slice %arg7[%mul3A_989] : memref<9984xi32, #tpu.memory_space<vmem>> -> memref<128xi32, #tpu.memory_space<vmem>>
      %dma_start3A_996 = arith.constant 0 : i32
      %dma_start3A_997 = arith.constant 0 : i32
      %dma_start3A_998 = tpu.memref_slice %arg6[%dma_start3A_996, %dma_start3A_997] : memref<10000x32xf32, #tpu.memory_space<vmem_shared>> -> memref<10000x32xf32, #tpu.memory_space<vmem_shared>>
      tpu.enqueue_indirect_dma source(%dma_start3A_998 : memref<10000x32xf32, #tpu.memory_space<vmem_shared>>) target(%dma_start3A_994 : memref<128x32xf32, #tpu.memory_space<vmem>>) offsets(%dma_start3A_995 : memref<128xi32, #tpu.memory_space<vmem>>) semaphore(%arg13 : memref<!tpu.dma_semaphore, #tpu.memory_space<semaphore_mem>>)
      %dma_wait3A_999 = arith.constant 6 : i32
      %dma_wait3A_1000 = arith.constant 0 : i32
      %dma_wait3A_1001 = arith.constant 0 : i32
      %dma_wait3A_1002 = tpu.memref_slice %arg11[%dma_wait3A_999, %dma_wait3A_1000, %dma_wait3A_1001] : memref<13x128x32xf32, #tpu.memory_space<vmem>> -> memref<1x128x32xf32, #tpu.memory_space<vmem>>
      %dma_wait3A_1003 = tpu.memref_squeeze %dma_wait3A_1002 : memref<1x128x32xf32, #tpu.memory_space<vmem>> -> memref<128x32xf32, #tpu.memory_space<vmem>>
      %dma_wait3A_1004 = arith.constant 0 : i32
      %dma_wait3A_1005 = tpu.memref_slice %arg8[%dma_wait3A_1004] : memref<9984xi32, #tpu.memory_space<vmem>> -> memref<128xi32, #tpu.memory_space<vmem>>
      %dma_wait3A_1006 = arith.constant 0 : i32
      %dma_wait3A_1007 = arith.constant 0 : i32
      %dma_wait3A_1008 = tpu.memref_slice %arg5[%dma_wait3A_1006, %dma_wait3A_1007] : memref<10000x32xf32, #tpu.memory_space<vmem_shared>> -> memref<10000x32xf32, #tpu.memory_space<vmem_shared>>
      tpu.wait_indirect_dma semaphore(%arg14 : memref<!tpu.dma_semaphore, #tpu.memory_space<semaphore_mem>>) src(%dma_wait3A_1003 : memref<128x32xf32, #tpu.memory_space<vmem>>) dst(%dma_wait3A_1008 : memref<10000x32xf32, #tpu.memory_space<vmem_shared>>)
      %add3A_1009 = arith.constant 13 : i32
      %add3A_1010 = arith.addi %mul3A_549, %add3A_1009 : i32
      %add3A_1011 = arith.constant 6 : i32
      %add3A_1012 = arith.addi %add3A_1010, %add3A_1011 : i32
      %mul3A_1013 = arith.constant 128 : i32
      %mul3A_1014 = arith.muli %add3A_1012, %mul3A_1013 : i32
      %dma_start3A_1015 = arith.constant 6 : i32
      %dma_start3A_1016 = arith.constant 0 : i32
      %dma_start3A_1017 = arith.constant 0 : i32
      %dma_start3A_1018 = tpu.memref_slice %arg11[%dma_start3A_1015, %dma_start3A_1016, %dma_start3A_1017] : memref<13x128x32xf32, #tpu.memory_space<vmem>> -> memref<1x128x32xf32, #tpu.memory_space<vmem>>
      %dma_start3A_1019 = tpu.memref_squeeze %dma_start3A_1018 : memref<1x128x32xf32, #tpu.memory_space<vmem>> -> memref<128x32xf32, #tpu.memory_space<vmem>>
      %dma_start3A_1020 = tpu.memref_slice %arg7[%mul3A_1014] : memref<9984xi32, #tpu.memory_space<vmem>> -> memref<128xi32, #tpu.memory_space<vmem>>
      %dma_start3A_1021 = arith.constant 0 : i32
      %dma_start3A_1022 = arith.constant 0 : i32
      %dma_start3A_1023 = tpu.memref_slice %arg6[%dma_start3A_1021, %dma_start3A_1022] : memref<10000x32xf32, #tpu.memory_space<vmem_shared>> -> memref<10000x32xf32, #tpu.memory_space<vmem_shared>>
      tpu.enqueue_indirect_dma source(%dma_start3A_1023 : memref<10000x32xf32, #tpu.memory_space<vmem_shared>>) target(%dma_start3A_1019 : memref<128x32xf32, #tpu.memory_space<vmem>>) offsets(%dma_start3A_1020 : memref<128xi32, #tpu.memory_space<vmem>>) semaphore(%arg13 : memref<!tpu.dma_semaphore, #tpu.memory_space<semaphore_mem>>)
      %dma_wait3A_1024 = arith.constant 7 : i32
      %dma_wait3A_1025 = arith.constant 0 : i32
      %dma_wait3A_1026 = arith.constant 0 : i32
      %dma_wait3A_1027 = tpu.memref_slice %arg11[%dma_wait3A_1024, %dma_wait3A_1025, %dma_wait3A_1026] : memref<13x128x32xf32, #tpu.memory_space<vmem>> -> memref<1x128x32xf32, #tpu.memory_space<vmem>>
      %dma_wait3A_1028 = tpu.memref_squeeze %dma_wait3A_1027 : memref<1x128x32xf32, #tpu.memory_space<vmem>> -> memref<128x32xf32, #tpu.memory_space<vmem>>
      %dma_wait3A_1029 = arith.constant 0 : i32
      %dma_wait3A_1030 = tpu.memref_slice %arg8[%dma_wait3A_1029] : memref<9984xi32, #tpu.memory_space<vmem>> -> memref<128xi32, #tpu.memory_space<vmem>>
      %dma_wait3A_1031 = arith.constant 0 : i32
      %dma_wait3A_1032 = arith.constant 0 : i32
      %dma_wait3A_1033 = tpu.memref_slice %arg5[%dma_wait3A_1031, %dma_wait3A_1032] : memref<10000x32xf32, #tpu.memory_space<vmem_shared>> -> memref<10000x32xf32, #tpu.memory_space<vmem_shared>>
      tpu.wait_indirect_dma semaphore(%arg14 : memref<!tpu.dma_semaphore, #tpu.memory_space<semaphore_mem>>) src(%dma_wait3A_1028 : memref<128x32xf32, #tpu.memory_space<vmem>>) dst(%dma_wait3A_1033 : memref<10000x32xf32, #tpu.memory_space<vmem_shared>>)
      %add3A_1034 = arith.constant 13 : i32
      %add3A_1035 = arith.addi %mul3A_549, %add3A_1034 : i32
      %add3A_1036 = arith.constant 7 : i32
      %add3A_1037 = arith.addi %add3A_1035, %add3A_1036 : i32
      %mul3A_1038 = arith.constant 128 : i32
      %mul3A_1039 = arith.muli %add3A_1037, %mul3A_1038 : i32
      %dma_start3A_1040 = arith.constant 7 : i32
      %dma_start3A_1041 = arith.constant 0 : i32
      %dma_start3A_1042 = arith.constant 0 : i32
      %dma_start3A_1043 = tpu.memref_slice %arg11[%dma_start3A_1040, %dma_start3A_1041, %dma_start3A_1042] : memref<13x128x32xf32, #tpu.memory_space<vmem>> -> memref<1x128x32xf32, #tpu.memory_space<vmem>>
      %dma_start3A_1044 = tpu.memref_squeeze %dma_start3A_1043 : memref<1x128x32xf32, #tpu.memory_space<vmem>> -> memref<128x32xf32, #tpu.memory_space<vmem>>
      %dma_start3A_1045 = tpu.memref_slice %arg7[%mul3A_1039] : memref<9984xi32, #tpu.memory_space<vmem>> -> memref<128xi32, #tpu.memory_space<vmem>>
      %dma_start3A_1046 = arith.constant 0 : i32
      %dma_start3A_1047 = arith.constant 0 : i32
      %dma_start3A_1048 = tpu.memref_slice %arg6[%dma_start3A_1046, %dma_start3A_1047] : memref<10000x32xf32, #tpu.memory_space<vmem_shared>> -> memref<10000x32xf32, #tpu.memory_space<vmem_shared>>
      tpu.enqueue_indirect_dma source(%dma_start3A_1048 : memref<10000x32xf32, #tpu.memory_space<vmem_shared>>) target(%dma_start3A_1044 : memref<128x32xf32, #tpu.memory_space<vmem>>) offsets(%dma_start3A_1045 : memref<128xi32, #tpu.memory_space<vmem>>) semaphore(%arg13 : memref<!tpu.dma_semaphore, #tpu.memory_space<semaphore_mem>>)
      %dma_wait3A_1049 = arith.constant 8 : i32
      %dma_wait3A_1050 = arith.constant 0 : i32
      %dma_wait3A_1051 = arith.constant 0 : i32
      %dma_wait3A_1052 = tpu.memref_slice %arg11[%dma_wait3A_1049, %dma_wait3A_1050, %dma_wait3A_1051] : memref<13x128x32xf32, #tpu.memory_space<vmem>> -> memref<1x128x32xf32, #tpu.memory_space<vmem>>
      %dma_wait3A_1053 = tpu.memref_squeeze %dma_wait3A_1052 : memref<1x128x32xf32, #tpu.memory_space<vmem>> -> memref<128x32xf32, #tpu.memory_space<vmem>>
      %dma_wait3A_1054 = arith.constant 0 : i32
      %dma_wait3A_1055 = tpu.memref_slice %arg8[%dma_wait3A_1054] : memref<9984xi32, #tpu.memory_space<vmem>> -> memref<128xi32, #tpu.memory_space<vmem>>
      %dma_wait3A_1056 = arith.constant 0 : i32
      %dma_wait3A_1057 = arith.constant 0 : i32
      %dma_wait3A_1058 = tpu.memref_slice %arg5[%dma_wait3A_1056, %dma_wait3A_1057] : memref<10000x32xf32, #tpu.memory_space<vmem_shared>> -> memref<10000x32xf32, #tpu.memory_space<vmem_shared>>
      tpu.wait_indirect_dma semaphore(%arg14 : memref<!tpu.dma_semaphore, #tpu.memory_space<semaphore_mem>>) src(%dma_wait3A_1053 : memref<128x32xf32, #tpu.memory_space<vmem>>) dst(%dma_wait3A_1058 : memref<10000x32xf32, #tpu.memory_space<vmem_shared>>)
      %add3A_1059 = arith.constant 13 : i32
      %add3A_1060 = arith.addi %mul3A_549, %add3A_1059 : i32
      %add3A_1061 = arith.constant 8 : i32
      %add3A_1062 = arith.addi %add3A_1060, %add3A_1061 : i32
      %mul3A_1063 = arith.constant 128 : i32
      %mul3A_1064 = arith.muli %add3A_1062, %mul3A_1063 : i32
      %dma_start3A_1065 = arith.constant 8 : i32
      %dma_start3A_1066 = arith.constant 0 : i32
      %dma_start3A_1067 = arith.constant 0 : i32
      %dma_start3A_1068 = tpu.memref_slice %arg11[%dma_start3A_1065, %dma_start3A_1066, %dma_start3A_1067] : memref<13x128x32xf32, #tpu.memory_space<vmem>> -> memref<1x128x32xf32, #tpu.memory_space<vmem>>
      %dma_start3A_1069 = tpu.memref_squeeze %dma_start3A_1068 : memref<1x128x32xf32, #tpu.memory_space<vmem>> -> memref<128x32xf32, #tpu.memory_space<vmem>>
      %dma_start3A_1070 = tpu.memref_slice %arg7[%mul3A_1064] : memref<9984xi32, #tpu.memory_space<vmem>> -> memref<128xi32, #tpu.memory_space<vmem>>
      %dma_start3A_1071 = arith.constant 0 : i32
      %dma_start3A_1072 = arith.constant 0 : i32
      %dma_start3A_1073 = tpu.memref_slice %arg6[%dma_start3A_1071, %dma_start3A_1072] : memref<10000x32xf32, #tpu.memory_space<vmem_shared>> -> memref<10000x32xf32, #tpu.memory_space<vmem_shared>>
      tpu.enqueue_indirect_dma source(%dma_start3A_1073 : memref<10000x32xf32, #tpu.memory_space<vmem_shared>>) target(%dma_start3A_1069 : memref<128x32xf32, #tpu.memory_space<vmem>>) offsets(%dma_start3A_1070 : memref<128xi32, #tpu.memory_space<vmem>>) semaphore(%arg13 : memref<!tpu.dma_semaphore, #tpu.memory_space<semaphore_mem>>)
      %dma_wait3A_1074 = arith.constant 9 : i32
      %dma_wait3A_1075 = arith.constant 0 : i32
      %dma_wait3A_1076 = arith.constant 0 : i32
      %dma_wait3A_1077 = tpu.memref_slice %arg11[%dma_wait3A_1074, %dma_wait3A_1075, %dma_wait3A_1076] : memref<13x128x32xf32, #tpu.memory_space<vmem>> -> memref<1x128x32xf32, #tpu.memory_space<vmem>>
      %dma_wait3A_1078 = tpu.memref_squeeze %dma_wait3A_1077 : memref<1x128x32xf32, #tpu.memory_space<vmem>> -> memref<128x32xf32, #tpu.memory_space<vmem>>
      %dma_wait3A_1079 = arith.constant 0 : i32
      %dma_wait3A_1080 = tpu.memref_slice %arg8[%dma_wait3A_1079] : memref<9984xi32, #tpu.memory_space<vmem>> -> memref<128xi32, #tpu.memory_space<vmem>>
      %dma_wait3A_1081 = arith.constant 0 : i32
      %dma_wait3A_1082 = arith.constant 0 : i32
      %dma_wait3A_1083 = tpu.memref_slice %arg5[%dma_wait3A_1081, %dma_wait3A_1082] : memref<10000x32xf32, #tpu.memory_space<vmem_shared>> -> memref<10000x32xf32, #tpu.memory_space<vmem_shared>>
      tpu.wait_indirect_dma semaphore(%arg14 : memref<!tpu.dma_semaphore, #tpu.memory_space<semaphore_mem>>) src(%dma_wait3A_1078 : memref<128x32xf32, #tpu.memory_space<vmem>>) dst(%dma_wait3A_1083 : memref<10000x32xf32, #tpu.memory_space<vmem_shared>>)
      %add3A_1084 = arith.constant 13 : i32
      %add3A_1085 = arith.addi %mul3A_549, %add3A_1084 : i32
      %add3A_1086 = arith.constant 9 : i32
      %add3A_1087 = arith.addi %add3A_1085, %add3A_1086 : i32
      %mul3A_1088 = arith.constant 128 : i32
      %mul3A_1089 = arith.muli %add3A_1087, %mul3A_1088 : i32
      %dma_start3A_1090 = arith.constant 9 : i32
      %dma_start3A_1091 = arith.constant 0 : i32
      %dma_start3A_1092 = arith.constant 0 : i32
      %dma_start3A_1093 = tpu.memref_slice %arg11[%dma_start3A_1090, %dma_start3A_1091, %dma_start3A_1092] : memref<13x128x32xf32, #tpu.memory_space<vmem>> -> memref<1x128x32xf32, #tpu.memory_space<vmem>>
      %dma_start3A_1094 = tpu.memref_squeeze %dma_start3A_1093 : memref<1x128x32xf32, #tpu.memory_space<vmem>> -> memref<128x32xf32, #tpu.memory_space<vmem>>
      %dma_start3A_1095 = tpu.memref_slice %arg7[%mul3A_1089] : memref<9984xi32, #tpu.memory_space<vmem>> -> memref<128xi32, #tpu.memory_space<vmem>>
      %dma_start3A_1096 = arith.constant 0 : i32
      %dma_start3A_1097 = arith.constant 0 : i32
      %dma_start3A_1098 = tpu.memref_slice %arg6[%dma_start3A_1096, %dma_start3A_1097] : memref<10000x32xf32, #tpu.memory_space<vmem_shared>> -> memref<10000x32xf32, #tpu.memory_space<vmem_shared>>
      tpu.enqueue_indirect_dma source(%dma_start3A_1098 : memref<10000x32xf32, #tpu.memory_space<vmem_shared>>) target(%dma_start3A_1094 : memref<128x32xf32, #tpu.memory_space<vmem>>) offsets(%dma_start3A_1095 : memref<128xi32, #tpu.memory_space<vmem>>) semaphore(%arg13 : memref<!tpu.dma_semaphore, #tpu.memory_space<semaphore_mem>>)
      %dma_wait3A_1099 = arith.constant 10 : i32
      %dma_wait3A_1100 = arith.constant 0 : i32
      %dma_wait3A_1101 = arith.constant 0 : i32
      %dma_wait3A_1102 = tpu.memref_slice %arg11[%dma_wait3A_1099, %dma_wait3A_1100, %dma_wait3A_1101] : memref<13x128x32xf32, #tpu.memory_space<vmem>> -> memref<1x128x32xf32, #tpu.memory_space<vmem>>
      %dma_wait3A_1103 = tpu.memref_squeeze %dma_wait3A_1102 : memref<1x128x32xf32, #tpu.memory_space<vmem>> -> memref<128x32xf32, #tpu.memory_space<vmem>>
      %dma_wait3A_1104 = arith.constant 0 : i32
      %dma_wait3A_1105 = tpu.memref_slice %arg8[%dma_wait3A_1104] : memref<9984xi32, #tpu.memory_space<vmem>> -> memref<128xi32, #tpu.memory_space<vmem>>
      %dma_wait3A_1106 = arith.constant 0 : i32
      %dma_wait3A_1107 = arith.constant 0 : i32
      %dma_wait3A_1108 = tpu.memref_slice %arg5[%dma_wait3A_1106, %dma_wait3A_1107] : memref<10000x32xf32, #tpu.memory_space<vmem_shared>> -> memref<10000x32xf32, #tpu.memory_space<vmem_shared>>
      tpu.wait_indirect_dma semaphore(%arg14 : memref<!tpu.dma_semaphore, #tpu.memory_space<semaphore_mem>>) src(%dma_wait3A_1103 : memref<128x32xf32, #tpu.memory_space<vmem>>) dst(%dma_wait3A_1108 : memref<10000x32xf32, #tpu.memory_space<vmem_shared>>)
      %add3A_1109 = arith.constant 13 : i32
      %add3A_1110 = arith.addi %mul3A_549, %add3A_1109 : i32
      %add3A_1111 = arith.constant 10 : i32
      %add3A_1112 = arith.addi %add3A_1110, %add3A_1111 : i32
      %mul3A_1113 = arith.constant 128 : i32
      %mul3A_1114 = arith.muli %add3A_1112, %mul3A_1113 : i32
      %dma_start3A_1115 = arith.constant 10 : i32
      %dma_start3A_1116 = arith.constant 0 : i32
      %dma_start3A_1117 = arith.constant 0 : i32
      %dma_start3A_1118 = tpu.memref_slice %arg11[%dma_start3A_1115, %dma_start3A_1116, %dma_start3A_1117] : memref<13x128x32xf32, #tpu.memory_space<vmem>> -> memref<1x128x32xf32, #tpu.memory_space<vmem>>
      %dma_start3A_1119 = tpu.memref_squeeze %dma_start3A_1118 : memref<1x128x32xf32, #tpu.memory_space<vmem>> -> memref<128x32xf32, #tpu.memory_space<vmem>>
      %dma_start3A_1120 = tpu.memref_slice %arg7[%mul3A_1114] : memref<9984xi32, #tpu.memory_space<vmem>> -> memref<128xi32, #tpu.memory_space<vmem>>
      %dma_start3A_1121 = arith.constant 0 : i32
      %dma_start3A_1122 = arith.constant 0 : i32
      %dma_start3A_1123 = tpu.memref_slice %arg6[%dma_start3A_1121, %dma_start3A_1122] : memref<10000x32xf32, #tpu.memory_space<vmem_shared>> -> memref<10000x32xf32, #tpu.memory_space<vmem_shared>>
      tpu.enqueue_indirect_dma source(%dma_start3A_1123 : memref<10000x32xf32, #tpu.memory_space<vmem_shared>>) target(%dma_start3A_1119 : memref<128x32xf32, #tpu.memory_space<vmem>>) offsets(%dma_start3A_1120 : memref<128xi32, #tpu.memory_space<vmem>>) semaphore(%arg13 : memref<!tpu.dma_semaphore, #tpu.memory_space<semaphore_mem>>)
      %dma_wait3A_1124 = arith.constant 11 : i32
      %dma_wait3A_1125 = arith.constant 0 : i32
      %dma_wait3A_1126 = arith.constant 0 : i32
      %dma_wait3A_1127 = tpu.memref_slice %arg11[%dma_wait3A_1124, %dma_wait3A_1125, %dma_wait3A_1126] : memref<13x128x32xf32, #tpu.memory_space<vmem>> -> memref<1x128x32xf32, #tpu.memory_space<vmem>>
      %dma_wait3A_1128 = tpu.memref_squeeze %dma_wait3A_1127 : memref<1x128x32xf32, #tpu.memory_space<vmem>> -> memref<128x32xf32, #tpu.memory_space<vmem>>
      %dma_wait3A_1129 = arith.constant 0 : i32
      %dma_wait3A_1130 = tpu.memref_slice %arg8[%dma_wait3A_1129] : memref<9984xi32, #tpu.memory_space<vmem>> -> memref<128xi32, #tpu.memory_space<vmem>>
      %dma_wait3A_1131 = arith.constant 0 : i32
      %dma_wait3A_1132 = arith.constant 0 : i32
      %dma_wait3A_1133 = tpu.memref_slice %arg5[%dma_wait3A_1131, %dma_wait3A_1132] : memref<10000x32xf32, #tpu.memory_space<vmem_shared>> -> memref<10000x32xf32, #tpu.memory_space<vmem_shared>>
      tpu.wait_indirect_dma semaphore(%arg14 : memref<!tpu.dma_semaphore, #tpu.memory_space<semaphore_mem>>) src(%dma_wait3A_1128 : memref<128x32xf32, #tpu.memory_space<vmem>>) dst(%dma_wait3A_1133 : memref<10000x32xf32, #tpu.memory_space<vmem_shared>>)
      %add3A_1134 = arith.constant 13 : i32
      %add3A_1135 = arith.addi %mul3A_549, %add3A_1134 : i32
      %add3A_1136 = arith.constant 11 : i32
      %add3A_1137 = arith.addi %add3A_1135, %add3A_1136 : i32
      %mul3A_1138 = arith.constant 128 : i32
      %mul3A_1139 = arith.muli %add3A_1137, %mul3A_1138 : i32
      %dma_start3A_1140 = arith.constant 11 : i32
      %dma_start3A_1141 = arith.constant 0 : i32
      %dma_start3A_1142 = arith.constant 0 : i32
      %dma_start3A_1143 = tpu.memref_slice %arg11[%dma_start3A_1140, %dma_start3A_1141, %dma_start3A_1142] : memref<13x128x32xf32, #tpu.memory_space<vmem>> -> memref<1x128x32xf32, #tpu.memory_space<vmem>>
      %dma_start3A_1144 = tpu.memref_squeeze %dma_start3A_1143 : memref<1x128x32xf32, #tpu.memory_space<vmem>> -> memref<128x32xf32, #tpu.memory_space<vmem>>
      %dma_start3A_1145 = tpu.memref_slice %arg7[%mul3A_1139] : memref<9984xi32, #tpu.memory_space<vmem>> -> memref<128xi32, #tpu.memory_space<vmem>>
      %dma_start3A_1146 = arith.constant 0 : i32
      %dma_start3A_1147 = arith.constant 0 : i32
      %dma_start3A_1148 = tpu.memref_slice %arg6[%dma_start3A_1146, %dma_start3A_1147] : memref<10000x32xf32, #tpu.memory_space<vmem_shared>> -> memref<10000x32xf32, #tpu.memory_space<vmem_shared>>
      tpu.enqueue_indirect_dma source(%dma_start3A_1148 : memref<10000x32xf32, #tpu.memory_space<vmem_shared>>) target(%dma_start3A_1144 : memref<128x32xf32, #tpu.memory_space<vmem>>) offsets(%dma_start3A_1145 : memref<128xi32, #tpu.memory_space<vmem>>) semaphore(%arg13 : memref<!tpu.dma_semaphore, #tpu.memory_space<semaphore_mem>>)
      %dma_wait3A_1149 = arith.constant 12 : i32
      %dma_wait3A_1150 = arith.constant 0 : i32
      %dma_wait3A_1151 = arith.constant 0 : i32
      %dma_wait3A_1152 = tpu.memref_slice %arg11[%dma_wait3A_1149, %dma_wait3A_1150, %dma_wait3A_1151] : memref<13x128x32xf32, #tpu.memory_space<vmem>> -> memref<1x128x32xf32, #tpu.memory_space<vmem>>
      %dma_wait3A_1153 = tpu.memref_squeeze %dma_wait3A_1152 : memref<1x128x32xf32, #tpu.memory_space<vmem>> -> memref<128x32xf32, #tpu.memory_space<vmem>>
      %dma_wait3A_1154 = arith.constant 0 : i32
      %dma_wait3A_1155 = tpu.memref_slice %arg8[%dma_wait3A_1154] : memref<9984xi32, #tpu.memory_space<vmem>> -> memref<128xi32, #tpu.memory_space<vmem>>
      %dma_wait3A_1156 = arith.constant 0 : i32
      %dma_wait3A_1157 = arith.constant 0 : i32
      %dma_wait3A_1158 = tpu.memref_slice %arg5[%dma_wait3A_1156, %dma_wait3A_1157] : memref<10000x32xf32, #tpu.memory_space<vmem_shared>> -> memref<10000x32xf32, #tpu.memory_space<vmem_shared>>
      tpu.wait_indirect_dma semaphore(%arg14 : memref<!tpu.dma_semaphore, #tpu.memory_space<semaphore_mem>>) src(%dma_wait3A_1153 : memref<128x32xf32, #tpu.memory_space<vmem>>) dst(%dma_wait3A_1158 : memref<10000x32xf32, #tpu.memory_space<vmem_shared>>)
      %add3A_1159 = arith.constant 13 : i32
      %add3A_1160 = arith.addi %mul3A_549, %add3A_1159 : i32
      %add3A_1161 = arith.constant 12 : i32
      %add3A_1162 = arith.addi %add3A_1160, %add3A_1161 : i32
      %mul3A_1163 = arith.constant 128 : i32
      %mul3A_1164 = arith.muli %add3A_1162, %mul3A_1163 : i32
      %dma_start3A_1165 = arith.constant 12 : i32
      %dma_start3A_1166 = arith.constant 0 : i32
      %dma_start3A_1167 = arith.constant 0 : i32
      %dma_start3A_1168 = tpu.memref_slice %arg11[%dma_start3A_1165, %dma_start3A_1166, %dma_start3A_1167] : memref<13x128x32xf32, #tpu.memory_space<vmem>> -> memref<1x128x32xf32, #tpu.memory_space<vmem>>
      %dma_start3A_1169 = tpu.memref_squeeze %dma_start3A_1168 : memref<1x128x32xf32, #tpu.memory_space<vmem>> -> memref<128x32xf32, #tpu.memory_space<vmem>>
      %dma_start3A_1170 = tpu.memref_slice %arg7[%mul3A_1164] : memref<9984xi32, #tpu.memory_space<vmem>> -> memref<128xi32, #tpu.memory_space<vmem>>
      %dma_start3A_1171 = arith.constant 0 : i32
      %dma_start3A_1172 = arith.constant 0 : i32
      %dma_start3A_1173 = tpu.memref_slice %arg6[%dma_start3A_1171, %dma_start3A_1172] : memref<10000x32xf32, #tpu.memory_space<vmem_shared>> -> memref<10000x32xf32, #tpu.memory_space<vmem_shared>>
      tpu.enqueue_indirect_dma source(%dma_start3A_1173 : memref<10000x32xf32, #tpu.memory_space<vmem_shared>>) target(%dma_start3A_1169 : memref<128x32xf32, #tpu.memory_space<vmem>>) offsets(%dma_start3A_1170 : memref<128xi32, #tpu.memory_space<vmem>>) semaphore(%arg13 : memref<!tpu.dma_semaphore, #tpu.memory_space<semaphore_mem>>)
    }
    %scan3A_156 = arith.constant 5 : i32
    %dma_wait3A = arith.constant 0 : i32
    %dma_wait3A_157 = arith.constant 0 : i32
    %dma_wait3A_158 = arith.constant 0 : i32
    %dma_wait3A_159 = tpu.memref_slice %arg11[%dma_wait3A, %dma_wait3A_157, %dma_wait3A_158] : memref<13x128x32xf32, #tpu.memory_space<vmem>> -> memref<1x128x32xf32, #tpu.memory_space<vmem>>
    %dma_wait3A_160 = tpu.memref_squeeze %dma_wait3A_159 : memref<1x128x32xf32, #tpu.memory_space<vmem>> -> memref<128x32xf32, #tpu.memory_space<vmem>>
    %dma_wait3A_161 = arith.constant 0 : i32
    %dma_wait3A_162 = tpu.memref_slice %arg7[%dma_wait3A_161] : memref<9984xi32, #tpu.memory_space<vmem>> -> memref<128xi32, #tpu.memory_space<vmem>>
    %dma_wait3A_163 = arith.constant 0 : i32
    %dma_wait3A_164 = arith.constant 0 : i32
    %dma_wait3A_165 = tpu.memref_slice %arg6[%dma_wait3A_163, %dma_wait3A_164] : memref<10000x32xf32, #tpu.memory_space<vmem_shared>> -> memref<10000x32xf32, #tpu.memory_space<vmem_shared>>
    tpu.wait_indirect_dma semaphore(%arg13 : memref<!tpu.dma_semaphore, #tpu.memory_space<semaphore_mem>>) src(%dma_wait3A_165 : memref<10000x32xf32, #tpu.memory_space<vmem_shared>>) dst(%dma_wait3A_160 : memref<128x32xf32, #tpu.memory_space<vmem>>)
    %dma_start3A_166 = arith.constant 0 : i32
    %dma_start3A_167 = arith.constant 0 : i32
    %dma_start3A_168 = arith.constant 0 : i32
    %dma_start3A_169 = tpu.memref_slice %arg11[%dma_start3A_166, %dma_start3A_167, %dma_start3A_168] : memref<13x128x32xf32, #tpu.memory_space<vmem>> -> memref<1x128x32xf32, #tpu.memory_space<vmem>>
    %dma_start3A_170 = tpu.memref_squeeze %dma_start3A_169 : memref<1x128x32xf32, #tpu.memory_space<vmem>> -> memref<128x32xf32, #tpu.memory_space<vmem>>
    %dma_start3A_171 = arith.constant 8320 : i32
    %dma_start3A_172 = tpu.memref_slice %arg8[%dma_start3A_171] : memref<9984xi32, #tpu.memory_space<vmem>> -> memref<128xi32, #tpu.memory_space<vmem>>
    %dma_start3A_173 = arith.constant 0 : i32
    %dma_start3A_174 = arith.constant 0 : i32
    %dma_start3A_175 = tpu.memref_slice %arg5[%dma_start3A_173, %dma_start3A_174] : memref<10000x32xf32, #tpu.memory_space<vmem_shared>> -> memref<10000x32xf32, #tpu.memory_space<vmem_shared>>
    tpu.enqueue_indirect_dma source(%dma_start3A_170 : memref<128x32xf32, #tpu.memory_space<vmem>>) target(%dma_start3A_175 : memref<10000x32xf32, #tpu.memory_space<vmem_shared>>) offsets(%dma_start3A_172 : memref<128xi32, #tpu.memory_space<vmem>>) semaphore(%arg14 : memref<!tpu.dma_semaphore, #tpu.memory_space<semaphore_mem>>) {add = true}
    %dma_wait3A_176 = arith.constant 1 : i32
    %dma_wait3A_177 = arith.constant 0 : i32
    %dma_wait3A_178 = arith.constant 0 : i32
    %dma_wait3A_179 = tpu.memref_slice %arg11[%dma_wait3A_176, %dma_wait3A_177, %dma_wait3A_178] : memref<13x128x32xf32, #tpu.memory_space<vmem>> -> memref<1x128x32xf32, #tpu.memory_space<vmem>>
    %dma_wait3A_180 = tpu.memref_squeeze %dma_wait3A_179 : memref<1x128x32xf32, #tpu.memory_space<vmem>> -> memref<128x32xf32, #tpu.memory_space<vmem>>
    %dma_wait3A_181 = arith.constant 0 : i32
    %dma_wait3A_182 = tpu.memref_slice %arg7[%dma_wait3A_181] : memref<9984xi32, #tpu.memory_space<vmem>> -> memref<128xi32, #tpu.memory_space<vmem>>
    %dma_wait3A_183 = arith.constant 0 : i32
    %dma_wait3A_184 = arith.constant 0 : i32
    %dma_wait3A_185 = tpu.memref_slice %arg6[%dma_wait3A_183, %dma_wait3A_184] : memref<10000x32xf32, #tpu.memory_space<vmem_shared>> -> memref<10000x32xf32, #tpu.memory_space<vmem_shared>>
    tpu.wait_indirect_dma semaphore(%arg13 : memref<!tpu.dma_semaphore, #tpu.memory_space<semaphore_mem>>) src(%dma_wait3A_185 : memref<10000x32xf32, #tpu.memory_space<vmem_shared>>) dst(%dma_wait3A_180 : memref<128x32xf32, #tpu.memory_space<vmem>>)
    %dma_start3A_186 = arith.constant 1 : i32
    %dma_start3A_187 = arith.constant 0 : i32
    %dma_start3A_188 = arith.constant 0 : i32
    %dma_start3A_189 = tpu.memref_slice %arg11[%dma_start3A_186, %dma_start3A_187, %dma_start3A_188] : memref<13x128x32xf32, #tpu.memory_space<vmem>> -> memref<1x128x32xf32, #tpu.memory_space<vmem>>
    %dma_start3A_190 = tpu.memref_squeeze %dma_start3A_189 : memref<1x128x32xf32, #tpu.memory_space<vmem>> -> memref<128x32xf32, #tpu.memory_space<vmem>>
    %dma_start3A_191 = arith.constant 8448 : i32
    %dma_start3A_192 = tpu.memref_slice %arg8[%dma_start3A_191] : memref<9984xi32, #tpu.memory_space<vmem>> -> memref<128xi32, #tpu.memory_space<vmem>>
    %dma_start3A_193 = arith.constant 0 : i32
    %dma_start3A_194 = arith.constant 0 : i32
    %dma_start3A_195 = tpu.memref_slice %arg5[%dma_start3A_193, %dma_start3A_194] : memref<10000x32xf32, #tpu.memory_space<vmem_shared>> -> memref<10000x32xf32, #tpu.memory_space<vmem_shared>>
    tpu.enqueue_indirect_dma source(%dma_start3A_190 : memref<128x32xf32, #tpu.memory_space<vmem>>) target(%dma_start3A_195 : memref<10000x32xf32, #tpu.memory_space<vmem_shared>>) offsets(%dma_start3A_192 : memref<128xi32, #tpu.memory_space<vmem>>) semaphore(%arg14 : memref<!tpu.dma_semaphore, #tpu.memory_space<semaphore_mem>>) {add = true}
    %dma_wait3A_196 = arith.constant 2 : i32
    %dma_wait3A_197 = arith.constant 0 : i32
    %dma_wait3A_198 = arith.constant 0 : i32
    %dma_wait3A_199 = tpu.memref_slice %arg11[%dma_wait3A_196, %dma_wait3A_197, %dma_wait3A_198] : memref<13x128x32xf32, #tpu.memory_space<vmem>> -> memref<1x128x32xf32, #tpu.memory_space<vmem>>
    %dma_wait3A_200 = tpu.memref_squeeze %dma_wait3A_199 : memref<1x128x32xf32, #tpu.memory_space<vmem>> -> memref<128x32xf32, #tpu.memory_space<vmem>>
    %dma_wait3A_201 = arith.constant 0 : i32
    %dma_wait3A_202 = tpu.memref_slice %arg7[%dma_wait3A_201] : memref<9984xi32, #tpu.memory_space<vmem>> -> memref<128xi32, #tpu.memory_space<vmem>>
    %dma_wait3A_203 = arith.constant 0 : i32
    %dma_wait3A_204 = arith.constant 0 : i32
    %dma_wait3A_205 = tpu.memref_slice %arg6[%dma_wait3A_203, %dma_wait3A_204] : memref<10000x32xf32, #tpu.memory_space<vmem_shared>> -> memref<10000x32xf32, #tpu.memory_space<vmem_shared>>
    tpu.wait_indirect_dma semaphore(%arg13 : memref<!tpu.dma_semaphore, #tpu.memory_space<semaphore_mem>>) src(%dma_wait3A_205 : memref<10000x32xf32, #tpu.memory_space<vmem_shared>>) dst(%dma_wait3A_200 : memref<128x32xf32, #tpu.memory_space<vmem>>)
    %dma_start3A_206 = arith.constant 2 : i32
    %dma_start3A_207 = arith.constant 0 : i32
    %dma_start3A_208 = arith.constant 0 : i32
    %dma_start3A_209 = tpu.memref_slice %arg11[%dma_start3A_206, %dma_start3A_207, %dma_start3A_208] : memref<13x128x32xf32, #tpu.memory_space<vmem>> -> memref<1x128x32xf32, #tpu.memory_space<vmem>>
    %dma_start3A_210 = tpu.memref_squeeze %dma_start3A_209 : memref<1x128x32xf32, #tpu.memory_space<vmem>> -> memref<128x32xf32, #tpu.memory_space<vmem>>
    %dma_start3A_211 = arith.constant 8576 : i32
    %dma_start3A_212 = tpu.memref_slice %arg8[%dma_start3A_211] : memref<9984xi32, #tpu.memory_space<vmem>> -> memref<128xi32, #tpu.memory_space<vmem>>
    %dma_start3A_213 = arith.constant 0 : i32
    %dma_start3A_214 = arith.constant 0 : i32
    %dma_start3A_215 = tpu.memref_slice %arg5[%dma_start3A_213, %dma_start3A_214] : memref<10000x32xf32, #tpu.memory_space<vmem_shared>> -> memref<10000x32xf32, #tpu.memory_space<vmem_shared>>
    tpu.enqueue_indirect_dma source(%dma_start3A_210 : memref<128x32xf32, #tpu.memory_space<vmem>>) target(%dma_start3A_215 : memref<10000x32xf32, #tpu.memory_space<vmem_shared>>) offsets(%dma_start3A_212 : memref<128xi32, #tpu.memory_space<vmem>>) semaphore(%arg14 : memref<!tpu.dma_semaphore, #tpu.memory_space<semaphore_mem>>) {add = true}
    %dma_wait3A_216 = arith.constant 3 : i32
    %dma_wait3A_217 = arith.constant 0 : i32
    %dma_wait3A_218 = arith.constant 0 : i32
    %dma_wait3A_219 = tpu.memref_slice %arg11[%dma_wait3A_216, %dma_wait3A_217, %dma_wait3A_218] : memref<13x128x32xf32, #tpu.memory_space<vmem>> -> memref<1x128x32xf32, #tpu.memory_space<vmem>>
    %dma_wait3A_220 = tpu.memref_squeeze %dma_wait3A_219 : memref<1x128x32xf32, #tpu.memory_space<vmem>> -> memref<128x32xf32, #tpu.memory_space<vmem>>
    %dma_wait3A_221 = arith.constant 0 : i32
    %dma_wait3A_222 = tpu.memref_slice %arg7[%dma_wait3A_221] : memref<9984xi32, #tpu.memory_space<vmem>> -> memref<128xi32, #tpu.memory_space<vmem>>
    %dma_wait3A_223 = arith.constant 0 : i32
    %dma_wait3A_224 = arith.constant 0 : i32
    %dma_wait3A_225 = tpu.memref_slice %arg6[%dma_wait3A_223, %dma_wait3A_224] : memref<10000x32xf32, #tpu.memory_space<vmem_shared>> -> memref<10000x32xf32, #tpu.memory_space<vmem_shared>>
    tpu.wait_indirect_dma semaphore(%arg13 : memref<!tpu.dma_semaphore, #tpu.memory_space<semaphore_mem>>) src(%dma_wait3A_225 : memref<10000x32xf32, #tpu.memory_space<vmem_shared>>) dst(%dma_wait3A_220 : memref<128x32xf32, #tpu.memory_space<vmem>>)
    %dma_start3A_226 = arith.constant 3 : i32
    %dma_start3A_227 = arith.constant 0 : i32
    %dma_start3A_228 = arith.constant 0 : i32
    %dma_start3A_229 = tpu.memref_slice %arg11[%dma_start3A_226, %dma_start3A_227, %dma_start3A_228] : memref<13x128x32xf32, #tpu.memory_space<vmem>> -> memref<1x128x32xf32, #tpu.memory_space<vmem>>
    %dma_start3A_230 = tpu.memref_squeeze %dma_start3A_229 : memref<1x128x32xf32, #tpu.memory_space<vmem>> -> memref<128x32xf32, #tpu.memory_space<vmem>>
    %dma_start3A_231 = arith.constant 8704 : i32
    %dma_start3A_232 = tpu.memref_slice %arg8[%dma_start3A_231] : memref<9984xi32, #tpu.memory_space<vmem>> -> memref<128xi32, #tpu.memory_space<vmem>>
    %dma_start3A_233 = arith.constant 0 : i32
    %dma_start3A_234 = arith.constant 0 : i32
    %dma_start3A_235 = tpu.memref_slice %arg5[%dma_start3A_233, %dma_start3A_234] : memref<10000x32xf32, #tpu.memory_space<vmem_shared>> -> memref<10000x32xf32, #tpu.memory_space<vmem_shared>>
    tpu.enqueue_indirect_dma source(%dma_start3A_230 : memref<128x32xf32, #tpu.memory_space<vmem>>) target(%dma_start3A_235 : memref<10000x32xf32, #tpu.memory_space<vmem_shared>>) offsets(%dma_start3A_232 : memref<128xi32, #tpu.memory_space<vmem>>) semaphore(%arg14 : memref<!tpu.dma_semaphore, #tpu.memory_space<semaphore_mem>>) {add = true}
    %dma_wait3A_236 = arith.constant 4 : i32
    %dma_wait3A_237 = arith.constant 0 : i32
    %dma_wait3A_238 = arith.constant 0 : i32
    %dma_wait3A_239 = tpu.memref_slice %arg11[%dma_wait3A_236, %dma_wait3A_237, %dma_wait3A_238] : memref<13x128x32xf32, #tpu.memory_space<vmem>> -> memref<1x128x32xf32, #tpu.memory_space<vmem>>
    %dma_wait3A_240 = tpu.memref_squeeze %dma_wait3A_239 : memref<1x128x32xf32, #tpu.memory_space<vmem>> -> memref<128x32xf32, #tpu.memory_space<vmem>>
    %dma_wait3A_241 = arith.constant 0 : i32
    %dma_wait3A_242 = tpu.memref_slice %arg7[%dma_wait3A_241] : memref<9984xi32, #tpu.memory_space<vmem>> -> memref<128xi32, #tpu.memory_space<vmem>>
    %dma_wait3A_243 = arith.constant 0 : i32
    %dma_wait3A_244 = arith.constant 0 : i32
    %dma_wait3A_245 = tpu.memref_slice %arg6[%dma_wait3A_243, %dma_wait3A_244] : memref<10000x32xf32, #tpu.memory_space<vmem_shared>> -> memref<10000x32xf32, #tpu.memory_space<vmem_shared>>
    tpu.wait_indirect_dma semaphore(%arg13 : memref<!tpu.dma_semaphore, #tpu.memory_space<semaphore_mem>>) src(%dma_wait3A_245 : memref<10000x32xf32, #tpu.memory_space<vmem_shared>>) dst(%dma_wait3A_240 : memref<128x32xf32, #tpu.memory_space<vmem>>)
    %dma_start3A_246 = arith.constant 4 : i32
    %dma_start3A_247 = arith.constant 0 : i32
    %dma_start3A_248 = arith.constant 0 : i32
    %dma_start3A_249 = tpu.memref_slice %arg11[%dma_start3A_246, %dma_start3A_247, %dma_start3A_248] : memref<13x128x32xf32, #tpu.memory_space<vmem>> -> memref<1x128x32xf32, #tpu.memory_space<vmem>>
    %dma_start3A_250 = tpu.memref_squeeze %dma_start3A_249 : memref<1x128x32xf32, #tpu.memory_space<vmem>> -> memref<128x32xf32, #tpu.memory_space<vmem>>
    %dma_start3A_251 = arith.constant 8832 : i32
    %dma_start3A_252 = tpu.memref_slice %arg8[%dma_start3A_251] : memref<9984xi32, #tpu.memory_space<vmem>> -> memref<128xi32, #tpu.memory_space<vmem>>
    %dma_start3A_253 = arith.constant 0 : i32
    %dma_start3A_254 = arith.constant 0 : i32
    %dma_start3A_255 = tpu.memref_slice %arg5[%dma_start3A_253, %dma_start3A_254] : memref<10000x32xf32, #tpu.memory_space<vmem_shared>> -> memref<10000x32xf32, #tpu.memory_space<vmem_shared>>
    tpu.enqueue_indirect_dma source(%dma_start3A_250 : memref<128x32xf32, #tpu.memory_space<vmem>>) target(%dma_start3A_255 : memref<10000x32xf32, #tpu.memory_space<vmem_shared>>) offsets(%dma_start3A_252 : memref<128xi32, #tpu.memory_space<vmem>>) semaphore(%arg14 : memref<!tpu.dma_semaphore, #tpu.memory_space<semaphore_mem>>) {add = true}
    %dma_wait3A_256 = arith.constant 5 : i32
    %dma_wait3A_257 = arith.constant 0 : i32
    %dma_wait3A_258 = arith.constant 0 : i32
    %dma_wait3A_259 = tpu.memref_slice %arg11[%dma_wait3A_256, %dma_wait3A_257, %dma_wait3A_258] : memref<13x128x32xf32, #tpu.memory_space<vmem>> -> memref<1x128x32xf32, #tpu.memory_space<vmem>>
    %dma_wait3A_260 = tpu.memref_squeeze %dma_wait3A_259 : memref<1x128x32xf32, #tpu.memory_space<vmem>> -> memref<128x32xf32, #tpu.memory_space<vmem>>
    %dma_wait3A_261 = arith.constant 0 : i32
    %dma_wait3A_262 = tpu.memref_slice %arg7[%dma_wait3A_261] : memref<9984xi32, #tpu.memory_space<vmem>> -> memref<128xi32, #tpu.memory_space<vmem>>
    %dma_wait3A_263 = arith.constant 0 : i32
    %dma_wait3A_264 = arith.constant 0 : i32
    %dma_wait3A_265 = tpu.memref_slice %arg6[%dma_wait3A_263, %dma_wait3A_264] : memref<10000x32xf32, #tpu.memory_space<vmem_shared>> -> memref<10000x32xf32, #tpu.memory_space<vmem_shared>>
    tpu.wait_indirect_dma semaphore(%arg13 : memref<!tpu.dma_semaphore, #tpu.memory_space<semaphore_mem>>) src(%dma_wait3A_265 : memref<10000x32xf32, #tpu.memory_space<vmem_shared>>) dst(%dma_wait3A_260 : memref<128x32xf32, #tpu.memory_space<vmem>>)
    %dma_start3A_266 = arith.constant 5 : i32
    %dma_start3A_267 = arith.constant 0 : i32
    %dma_start3A_268 = arith.constant 0 : i32
    %dma_start3A_269 = tpu.memref_slice %arg11[%dma_start3A_266, %dma_start3A_267, %dma_start3A_268] : memref<13x128x32xf32, #tpu.memory_space<vmem>> -> memref<1x128x32xf32, #tpu.memory_space<vmem>>
    %dma_start3A_270 = tpu.memref_squeeze %dma_start3A_269 : memref<1x128x32xf32, #tpu.memory_space<vmem>> -> memref<128x32xf32, #tpu.memory_space<vmem>>
    %dma_start3A_271 = arith.constant 8960 : i32
    %dma_start3A_272 = tpu.memref_slice %arg8[%dma_start3A_271] : memref<9984xi32, #tpu.memory_space<vmem>> -> memref<128xi32, #tpu.memory_space<vmem>>
    %dma_start3A_273 = arith.constant 0 : i32
    %dma_start3A_274 = arith.constant 0 : i32
    %dma_start3A_275 = tpu.memref_slice %arg5[%dma_start3A_273, %dma_start3A_274] : memref<10000x32xf32, #tpu.memory_space<vmem_shared>> -> memref<10000x32xf32, #tpu.memory_space<vmem_shared>>
    tpu.enqueue_indirect_dma source(%dma_start3A_270 : memref<128x32xf32, #tpu.memory_space<vmem>>) target(%dma_start3A_275 : memref<10000x32xf32, #tpu.memory_space<vmem_shared>>) offsets(%dma_start3A_272 : memref<128xi32, #tpu.memory_space<vmem>>) semaphore(%arg14 : memref<!tpu.dma_semaphore, #tpu.memory_space<semaphore_mem>>) {add = true}
    %dma_wait3A_276 = arith.constant 6 : i32
    %dma_wait3A_277 = arith.constant 0 : i32
    %dma_wait3A_278 = arith.constant 0 : i32
    %dma_wait3A_279 = tpu.memref_slice %arg11[%dma_wait3A_276, %dma_wait3A_277, %dma_wait3A_278] : memref<13x128x32xf32, #tpu.memory_space<vmem>> -> memref<1x128x32xf32, #tpu.memory_space<vmem>>
    %dma_wait3A_280 = tpu.memref_squeeze %dma_wait3A_279 : memref<1x128x32xf32, #tpu.memory_space<vmem>> -> memref<128x32xf32, #tpu.memory_space<vmem>>
    %dma_wait3A_281 = arith.constant 0 : i32
    %dma_wait3A_282 = tpu.memref_slice %arg7[%dma_wait3A_281] : memref<9984xi32, #tpu.memory_space<vmem>> -> memref<128xi32, #tpu.memory_space<vmem>>
    %dma_wait3A_283 = arith.constant 0 : i32
    %dma_wait3A_284 = arith.constant 0 : i32
    %dma_wait3A_285 = tpu.memref_slice %arg6[%dma_wait3A_283, %dma_wait3A_284] : memref<10000x32xf32, #tpu.memory_space<vmem_shared>> -> memref<10000x32xf32, #tpu.memory_space<vmem_shared>>
    tpu.wait_indirect_dma semaphore(%arg13 : memref<!tpu.dma_semaphore, #tpu.memory_space<semaphore_mem>>) src(%dma_wait3A_285 : memref<10000x32xf32, #tpu.memory_space<vmem_shared>>) dst(%dma_wait3A_280 : memref<128x32xf32, #tpu.memory_space<vmem>>)
    %dma_start3A_286 = arith.constant 6 : i32
    %dma_start3A_287 = arith.constant 0 : i32
    %dma_start3A_288 = arith.constant 0 : i32
    %dma_start3A_289 = tpu.memref_slice %arg11[%dma_start3A_286, %dma_start3A_287, %dma_start3A_288] : memref<13x128x32xf32, #tpu.memory_space<vmem>> -> memref<1x128x32xf32, #tpu.memory_space<vmem>>
    %dma_start3A_290 = tpu.memref_squeeze %dma_start3A_289 : memref<1x128x32xf32, #tpu.memory_space<vmem>> -> memref<128x32xf32, #tpu.memory_space<vmem>>
    %dma_start3A_291 = arith.constant 9088 : i32
    %dma_start3A_292 = tpu.memref_slice %arg8[%dma_start3A_291] : memref<9984xi32, #tpu.memory_space<vmem>> -> memref<128xi32, #tpu.memory_space<vmem>>
    %dma_start3A_293 = arith.constant 0 : i32
    %dma_start3A_294 = arith.constant 0 : i32
    %dma_start3A_295 = tpu.memref_slice %arg5[%dma_start3A_293, %dma_start3A_294] : memref<10000x32xf32, #tpu.memory_space<vmem_shared>> -> memref<10000x32xf32, #tpu.memory_space<vmem_shared>>
    tpu.enqueue_indirect_dma source(%dma_start3A_290 : memref<128x32xf32, #tpu.memory_space<vmem>>) target(%dma_start3A_295 : memref<10000x32xf32, #tpu.memory_space<vmem_shared>>) offsets(%dma_start3A_292 : memref<128xi32, #tpu.memory_space<vmem>>) semaphore(%arg14 : memref<!tpu.dma_semaphore, #tpu.memory_space<semaphore_mem>>) {add = true}
    %dma_wait3A_296 = arith.constant 7 : i32
    %dma_wait3A_297 = arith.constant 0 : i32
    %dma_wait3A_298 = arith.constant 0 : i32
    %dma_wait3A_299 = tpu.memref_slice %arg11[%dma_wait3A_296, %dma_wait3A_297, %dma_wait3A_298] : memref<13x128x32xf32, #tpu.memory_space<vmem>> -> memref<1x128x32xf32, #tpu.memory_space<vmem>>
    %dma_wait3A_300 = tpu.memref_squeeze %dma_wait3A_299 : memref<1x128x32xf32, #tpu.memory_space<vmem>> -> memref<128x32xf32, #tpu.memory_space<vmem>>
    %dma_wait3A_301 = arith.constant 0 : i32
    %dma_wait3A_302 = tpu.memref_slice %arg7[%dma_wait3A_301] : memref<9984xi32, #tpu.memory_space<vmem>> -> memref<128xi32, #tpu.memory_space<vmem>>
    %dma_wait3A_303 = arith.constant 0 : i32
    %dma_wait3A_304 = arith.constant 0 : i32
    %dma_wait3A_305 = tpu.memref_slice %arg6[%dma_wait3A_303, %dma_wait3A_304] : memref<10000x32xf32, #tpu.memory_space<vmem_shared>> -> memref<10000x32xf32, #tpu.memory_space<vmem_shared>>
    tpu.wait_indirect_dma semaphore(%arg13 : memref<!tpu.dma_semaphore, #tpu.memory_space<semaphore_mem>>) src(%dma_wait3A_305 : memref<10000x32xf32, #tpu.memory_space<vmem_shared>>) dst(%dma_wait3A_300 : memref<128x32xf32, #tpu.memory_space<vmem>>)
    %dma_start3A_306 = arith.constant 7 : i32
    %dma_start3A_307 = arith.constant 0 : i32
    %dma_start3A_308 = arith.constant 0 : i32
    %dma_start3A_309 = tpu.memref_slice %arg11[%dma_start3A_306, %dma_start3A_307, %dma_start3A_308] : memref<13x128x32xf32, #tpu.memory_space<vmem>> -> memref<1x128x32xf32, #tpu.memory_space<vmem>>
    %dma_start3A_310 = tpu.memref_squeeze %dma_start3A_309 : memref<1x128x32xf32, #tpu.memory_space<vmem>> -> memref<128x32xf32, #tpu.memory_space<vmem>>
    %dma_start3A_311 = arith.constant 9216 : i32
    %dma_start3A_312 = tpu.memref_slice %arg8[%dma_start3A_311] : memref<9984xi32, #tpu.memory_space<vmem>> -> memref<128xi32, #tpu.memory_space<vmem>>
    %dma_start3A_313 = arith.constant 0 : i32
    %dma_start3A_314 = arith.constant 0 : i32
    %dma_start3A_315 = tpu.memref_slice %arg5[%dma_start3A_313, %dma_start3A_314] : memref<10000x32xf32, #tpu.memory_space<vmem_shared>> -> memref<10000x32xf32, #tpu.memory_space<vmem_shared>>
    tpu.enqueue_indirect_dma source(%dma_start3A_310 : memref<128x32xf32, #tpu.memory_space<vmem>>) target(%dma_start3A_315 : memref<10000x32xf32, #tpu.memory_space<vmem_shared>>) offsets(%dma_start3A_312 : memref<128xi32, #tpu.memory_space<vmem>>) semaphore(%arg14 : memref<!tpu.dma_semaphore, #tpu.memory_space<semaphore_mem>>) {add = true}
    %dma_wait3A_316 = arith.constant 8 : i32
    %dma_wait3A_317 = arith.constant 0 : i32
    %dma_wait3A_318 = arith.constant 0 : i32
    %dma_wait3A_319 = tpu.memref_slice %arg11[%dma_wait3A_316, %dma_wait3A_317, %dma_wait3A_318] : memref<13x128x32xf32, #tpu.memory_space<vmem>> -> memref<1x128x32xf32, #tpu.memory_space<vmem>>
    %dma_wait3A_320 = tpu.memref_squeeze %dma_wait3A_319 : memref<1x128x32xf32, #tpu.memory_space<vmem>> -> memref<128x32xf32, #tpu.memory_space<vmem>>
    %dma_wait3A_321 = arith.constant 0 : i32
    %dma_wait3A_322 = tpu.memref_slice %arg7[%dma_wait3A_321] : memref<9984xi32, #tpu.memory_space<vmem>> -> memref<128xi32, #tpu.memory_space<vmem>>
    %dma_wait3A_323 = arith.constant 0 : i32
    %dma_wait3A_324 = arith.constant 0 : i32
    %dma_wait3A_325 = tpu.memref_slice %arg6[%dma_wait3A_323, %dma_wait3A_324] : memref<10000x32xf32, #tpu.memory_space<vmem_shared>> -> memref<10000x32xf32, #tpu.memory_space<vmem_shared>>
    tpu.wait_indirect_dma semaphore(%arg13 : memref<!tpu.dma_semaphore, #tpu.memory_space<semaphore_mem>>) src(%dma_wait3A_325 : memref<10000x32xf32, #tpu.memory_space<vmem_shared>>) dst(%dma_wait3A_320 : memref<128x32xf32, #tpu.memory_space<vmem>>)
    %dma_start3A_326 = arith.constant 8 : i32
    %dma_start3A_327 = arith.constant 0 : i32
    %dma_start3A_328 = arith.constant 0 : i32
    %dma_start3A_329 = tpu.memref_slice %arg11[%dma_start3A_326, %dma_start3A_327, %dma_start3A_328] : memref<13x128x32xf32, #tpu.memory_space<vmem>> -> memref<1x128x32xf32, #tpu.memory_space<vmem>>
    %dma_start3A_330 = tpu.memref_squeeze %dma_start3A_329 : memref<1x128x32xf32, #tpu.memory_space<vmem>> -> memref<128x32xf32, #tpu.memory_space<vmem>>
    %dma_start3A_331 = arith.constant 9344 : i32
    %dma_start3A_332 = tpu.memref_slice %arg8[%dma_start3A_331] : memref<9984xi32, #tpu.memory_space<vmem>> -> memref<128xi32, #tpu.memory_space<vmem>>
    %dma_start3A_333 = arith.constant 0 : i32
    %dma_start3A_334 = arith.constant 0 : i32
    %dma_start3A_335 = tpu.memref_slice %arg5[%dma_start3A_333, %dma_start3A_334] : memref<10000x32xf32, #tpu.memory_space<vmem_shared>> -> memref<10000x32xf32, #tpu.memory_space<vmem_shared>>
    tpu.enqueue_indirect_dma source(%dma_start3A_330 : memref<128x32xf32, #tpu.memory_space<vmem>>) target(%dma_start3A_335 : memref<10000x32xf32, #tpu.memory_space<vmem_shared>>) offsets(%dma_start3A_332 : memref<128xi32, #tpu.memory_space<vmem>>) semaphore(%arg14 : memref<!tpu.dma_semaphore, #tpu.memory_space<semaphore_mem>>) {add = true}
    %dma_wait3A_336 = arith.constant 9 : i32
    %dma_wait3A_337 = arith.constant 0 : i32
    %dma_wait3A_338 = arith.constant 0 : i32
    %dma_wait3A_339 = tpu.memref_slice %arg11[%dma_wait3A_336, %dma_wait3A_337, %dma_wait3A_338] : memref<13x128x32xf32, #tpu.memory_space<vmem>> -> memref<1x128x32xf32, #tpu.memory_space<vmem>>
    %dma_wait3A_340 = tpu.memref_squeeze %dma_wait3A_339 : memref<1x128x32xf32, #tpu.memory_space<vmem>> -> memref<128x32xf32, #tpu.memory_space<vmem>>
    %dma_wait3A_341 = arith.constant 0 : i32
    %dma_wait3A_342 = tpu.memref_slice %arg7[%dma_wait3A_341] : memref<9984xi32, #tpu.memory_space<vmem>> -> memref<128xi32, #tpu.memory_space<vmem>>
    %dma_wait3A_343 = arith.constant 0 : i32
    %dma_wait3A_344 = arith.constant 0 : i32
    %dma_wait3A_345 = tpu.memref_slice %arg6[%dma_wait3A_343, %dma_wait3A_344] : memref<10000x32xf32, #tpu.memory_space<vmem_shared>> -> memref<10000x32xf32, #tpu.memory_space<vmem_shared>>
    tpu.wait_indirect_dma semaphore(%arg13 : memref<!tpu.dma_semaphore, #tpu.memory_space<semaphore_mem>>) src(%dma_wait3A_345 : memref<10000x32xf32, #tpu.memory_space<vmem_shared>>) dst(%dma_wait3A_340 : memref<128x32xf32, #tpu.memory_space<vmem>>)
    %dma_start3A_346 = arith.constant 9 : i32
    %dma_start3A_347 = arith.constant 0 : i32
    %dma_start3A_348 = arith.constant 0 : i32
    %dma_start3A_349 = tpu.memref_slice %arg11[%dma_start3A_346, %dma_start3A_347, %dma_start3A_348] : memref<13x128x32xf32, #tpu.memory_space<vmem>> -> memref<1x128x32xf32, #tpu.memory_space<vmem>>
    %dma_start3A_350 = tpu.memref_squeeze %dma_start3A_349 : memref<1x128x32xf32, #tpu.memory_space<vmem>> -> memref<128x32xf32, #tpu.memory_space<vmem>>
    %dma_start3A_351 = arith.constant 9472 : i32
    %dma_start3A_352 = tpu.memref_slice %arg8[%dma_start3A_351] : memref<9984xi32, #tpu.memory_space<vmem>> -> memref<128xi32, #tpu.memory_space<vmem>>
    %dma_start3A_353 = arith.constant 0 : i32
    %dma_start3A_354 = arith.constant 0 : i32
    %dma_start3A_355 = tpu.memref_slice %arg5[%dma_start3A_353, %dma_start3A_354] : memref<10000x32xf32, #tpu.memory_space<vmem_shared>> -> memref<10000x32xf32, #tpu.memory_space<vmem_shared>>
    tpu.enqueue_indirect_dma source(%dma_start3A_350 : memref<128x32xf32, #tpu.memory_space<vmem>>) target(%dma_start3A_355 : memref<10000x32xf32, #tpu.memory_space<vmem_shared>>) offsets(%dma_start3A_352 : memref<128xi32, #tpu.memory_space<vmem>>) semaphore(%arg14 : memref<!tpu.dma_semaphore, #tpu.memory_space<semaphore_mem>>) {add = true}
    %dma_wait3A_356 = arith.constant 10 : i32
    %dma_wait3A_357 = arith.constant 0 : i32
    %dma_wait3A_358 = arith.constant 0 : i32
    %dma_wait3A_359 = tpu.memref_slice %arg11[%dma_wait3A_356, %dma_wait3A_357, %dma_wait3A_358] : memref<13x128x32xf32, #tpu.memory_space<vmem>> -> memref<1x128x32xf32, #tpu.memory_space<vmem>>
    %dma_wait3A_360 = tpu.memref_squeeze %dma_wait3A_359 : memref<1x128x32xf32, #tpu.memory_space<vmem>> -> memref<128x32xf32, #tpu.memory_space<vmem>>
    %dma_wait3A_361 = arith.constant 0 : i32
    %dma_wait3A_362 = tpu.memref_slice %arg7[%dma_wait3A_361] : memref<9984xi32, #tpu.memory_space<vmem>> -> memref<128xi32, #tpu.memory_space<vmem>>
    %dma_wait3A_363 = arith.constant 0 : i32
    %dma_wait3A_364 = arith.constant 0 : i32
    %dma_wait3A_365 = tpu.memref_slice %arg6[%dma_wait3A_363, %dma_wait3A_364] : memref<10000x32xf32, #tpu.memory_space<vmem_shared>> -> memref<10000x32xf32, #tpu.memory_space<vmem_shared>>
    tpu.wait_indirect_dma semaphore(%arg13 : memref<!tpu.dma_semaphore, #tpu.memory_space<semaphore_mem>>) src(%dma_wait3A_365 : memref<10000x32xf32, #tpu.memory_space<vmem_shared>>) dst(%dma_wait3A_360 : memref<128x32xf32, #tpu.memory_space<vmem>>)
    %dma_start3A_366 = arith.constant 10 : i32
    %dma_start3A_367 = arith.constant 0 : i32
    %dma_start3A_368 = arith.constant 0 : i32
    %dma_start3A_369 = tpu.memref_slice %arg11[%dma_start3A_366, %dma_start3A_367, %dma_start3A_368] : memref<13x128x32xf32, #tpu.memory_space<vmem>> -> memref<1x128x32xf32, #tpu.memory_space<vmem>>
    %dma_start3A_370 = tpu.memref_squeeze %dma_start3A_369 : memref<1x128x32xf32, #tpu.memory_space<vmem>> -> memref<128x32xf32, #tpu.memory_space<vmem>>
    %dma_start3A_371 = arith.constant 9600 : i32
    %dma_start3A_372 = tpu.memref_slice %arg8[%dma_start3A_371] : memref<9984xi32, #tpu.memory_space<vmem>> -> memref<128xi32, #tpu.memory_space<vmem>>
    %dma_start3A_373 = arith.constant 0 : i32
    %dma_start3A_374 = arith.constant 0 : i32
    %dma_start3A_375 = tpu.memref_slice %arg5[%dma_start3A_373, %dma_start3A_374] : memref<10000x32xf32, #tpu.memory_space<vmem_shared>> -> memref<10000x32xf32, #tpu.memory_space<vmem_shared>>
    tpu.enqueue_indirect_dma source(%dma_start3A_370 : memref<128x32xf32, #tpu.memory_space<vmem>>) target(%dma_start3A_375 : memref<10000x32xf32, #tpu.memory_space<vmem_shared>>) offsets(%dma_start3A_372 : memref<128xi32, #tpu.memory_space<vmem>>) semaphore(%arg14 : memref<!tpu.dma_semaphore, #tpu.memory_space<semaphore_mem>>) {add = true}
    %dma_wait3A_376 = arith.constant 11 : i32
    %dma_wait3A_377 = arith.constant 0 : i32
    %dma_wait3A_378 = arith.constant 0 : i32
    %dma_wait3A_379 = tpu.memref_slice %arg11[%dma_wait3A_376, %dma_wait3A_377, %dma_wait3A_378] : memref<13x128x32xf32, #tpu.memory_space<vmem>> -> memref<1x128x32xf32, #tpu.memory_space<vmem>>
    %dma_wait3A_380 = tpu.memref_squeeze %dma_wait3A_379 : memref<1x128x32xf32, #tpu.memory_space<vmem>> -> memref<128x32xf32, #tpu.memory_space<vmem>>
    %dma_wait3A_381 = arith.constant 0 : i32
    %dma_wait3A_382 = tpu.memref_slice %arg7[%dma_wait3A_381] : memref<9984xi32, #tpu.memory_space<vmem>> -> memref<128xi32, #tpu.memory_space<vmem>>
    %dma_wait3A_383 = arith.constant 0 : i32
    %dma_wait3A_384 = arith.constant 0 : i32
    %dma_wait3A_385 = tpu.memref_slice %arg6[%dma_wait3A_383, %dma_wait3A_384] : memref<10000x32xf32, #tpu.memory_space<vmem_shared>> -> memref<10000x32xf32, #tpu.memory_space<vmem_shared>>
    tpu.wait_indirect_dma semaphore(%arg13 : memref<!tpu.dma_semaphore, #tpu.memory_space<semaphore_mem>>) src(%dma_wait3A_385 : memref<10000x32xf32, #tpu.memory_space<vmem_shared>>) dst(%dma_wait3A_380 : memref<128x32xf32, #tpu.memory_space<vmem>>)
    %dma_start3A_386 = arith.constant 11 : i32
    %dma_start3A_387 = arith.constant 0 : i32
    %dma_start3A_388 = arith.constant 0 : i32
    %dma_start3A_389 = tpu.memref_slice %arg11[%dma_start3A_386, %dma_start3A_387, %dma_start3A_388] : memref<13x128x32xf32, #tpu.memory_space<vmem>> -> memref<1x128x32xf32, #tpu.memory_space<vmem>>
    %dma_start3A_390 = tpu.memref_squeeze %dma_start3A_389 : memref<1x128x32xf32, #tpu.memory_space<vmem>> -> memref<128x32xf32, #tpu.memory_space<vmem>>
    %dma_start3A_391 = arith.constant 9728 : i32
    %dma_start3A_392 = tpu.memref_slice %arg8[%dma_start3A_391] : memref<9984xi32, #tpu.memory_space<vmem>> -> memref<128xi32, #tpu.memory_space<vmem>>
    %dma_start3A_393 = arith.constant 0 : i32
    %dma_start3A_394 = arith.constant 0 : i32
    %dma_start3A_395 = tpu.memref_slice %arg5[%dma_start3A_393, %dma_start3A_394] : memref<10000x32xf32, #tpu.memory_space<vmem_shared>> -> memref<10000x32xf32, #tpu.memory_space<vmem_shared>>
    tpu.enqueue_indirect_dma source(%dma_start3A_390 : memref<128x32xf32, #tpu.memory_space<vmem>>) target(%dma_start3A_395 : memref<10000x32xf32, #tpu.memory_space<vmem_shared>>) offsets(%dma_start3A_392 : memref<128xi32, #tpu.memory_space<vmem>>) semaphore(%arg14 : memref<!tpu.dma_semaphore, #tpu.memory_space<semaphore_mem>>) {add = true}
    %dma_wait3A_396 = arith.constant 12 : i32
    %dma_wait3A_397 = arith.constant 0 : i32
    %dma_wait3A_398 = arith.constant 0 : i32
    %dma_wait3A_399 = tpu.memref_slice %arg11[%dma_wait3A_396, %dma_wait3A_397, %dma_wait3A_398] : memref<13x128x32xf32, #tpu.memory_space<vmem>> -> memref<1x128x32xf32, #tpu.memory_space<vmem>>
    %dma_wait3A_400 = tpu.memref_squeeze %dma_wait3A_399 : memref<1x128x32xf32, #tpu.memory_space<vmem>> -> memref<128x32xf32, #tpu.memory_space<vmem>>
    %dma_wait3A_401 = arith.constant 0 : i32
    %dma_wait3A_402 = tpu.memref_slice %arg7[%dma_wait3A_401] : memref<9984xi32, #tpu.memory_space<vmem>> -> memref<128xi32, #tpu.memory_space<vmem>>
    %dma_wait3A_403 = arith.constant 0 : i32
    %dma_wait3A_404 = arith.constant 0 : i32
    %dma_wait3A_405 = tpu.memref_slice %arg6[%dma_wait3A_403, %dma_wait3A_404] : memref<10000x32xf32, #tpu.memory_space<vmem_shared>> -> memref<10000x32xf32, #tpu.memory_space<vmem_shared>>
    tpu.wait_indirect_dma semaphore(%arg13 : memref<!tpu.dma_semaphore, #tpu.memory_space<semaphore_mem>>) src(%dma_wait3A_405 : memref<10000x32xf32, #tpu.memory_space<vmem_shared>>) dst(%dma_wait3A_400 : memref<128x32xf32, #tpu.memory_space<vmem>>)
    %dma_start3A_406 = arith.constant 12 : i32
    %dma_start3A_407 = arith.constant 0 : i32
    %dma_start3A_408 = arith.constant 0 : i32
    %dma_start3A_409 = tpu.memref_slice %arg11[%dma_start3A_406, %dma_start3A_407, %dma_start3A_408] : memref<13x128x32xf32, #tpu.memory_space<vmem>> -> memref<1x128x32xf32, #tpu.memory_space<vmem>>
    %dma_start3A_410 = tpu.memref_squeeze %dma_start3A_409 : memref<1x128x32xf32, #tpu.memory_space<vmem>> -> memref<128x32xf32, #tpu.memory_space<vmem>>
    %dma_start3A_411 = arith.constant 9856 : i32
    %dma_start3A_412 = tpu.memref_slice %arg8[%dma_start3A_411] : memref<9984xi32, #tpu.memory_space<vmem>> -> memref<128xi32, #tpu.memory_space<vmem>>
    %dma_start3A_413 = arith.constant 0 : i32
    %dma_start3A_414 = arith.constant 0 : i32
    %dma_start3A_415 = tpu.memref_slice %arg5[%dma_start3A_413, %dma_start3A_414] : memref<10000x32xf32, #tpu.memory_space<vmem_shared>> -> memref<10000x32xf32, #tpu.memory_space<vmem_shared>>
    tpu.enqueue_indirect_dma source(%dma_start3A_410 : memref<128x32xf32, #tpu.memory_space<vmem>>) target(%dma_start3A_415 : memref<10000x32xf32, #tpu.memory_space<vmem_shared>>) offsets(%dma_start3A_412 : memref<128xi32, #tpu.memory_space<vmem>>) semaphore(%arg14 : memref<!tpu.dma_semaphore, #tpu.memory_space<semaphore_mem>>) {add = true}
    %dma_wait3A_416 = arith.constant 0 : i32
    %dma_wait3A_417 = arith.constant 0 : i32
    %dma_wait3A_418 = arith.constant 0 : i32
    %dma_wait3A_419 = tpu.memref_slice %arg11[%dma_wait3A_416, %dma_wait3A_417, %dma_wait3A_418] : memref<13x128x32xf32, #tpu.memory_space<vmem>> -> memref<1x128x32xf32, #tpu.memory_space<vmem>>
    %dma_wait3A_420 = tpu.memref_squeeze %dma_wait3A_419 : memref<1x128x32xf32, #tpu.memory_space<vmem>> -> memref<128x32xf32, #tpu.memory_space<vmem>>
    %dma_wait3A_421 = arith.constant 0 : i32
    %dma_wait3A_422 = tpu.memref_slice %arg8[%dma_wait3A_421] : memref<9984xi32, #tpu.memory_space<vmem>> -> memref<128xi32, #tpu.memory_space<vmem>>
    %dma_wait3A_423 = arith.constant 0 : i32
    %dma_wait3A_424 = arith.constant 0 : i32
    %dma_wait3A_425 = tpu.memref_slice %arg5[%dma_wait3A_423, %dma_wait3A_424] : memref<10000x32xf32, #tpu.memory_space<vmem_shared>> -> memref<10000x32xf32, #tpu.memory_space<vmem_shared>>
    tpu.wait_indirect_dma semaphore(%arg14 : memref<!tpu.dma_semaphore, #tpu.memory_space<semaphore_mem>>) src(%dma_wait3A_420 : memref<128x32xf32, #tpu.memory_space<vmem>>) dst(%dma_wait3A_425 : memref<10000x32xf32, #tpu.memory_space<vmem_shared>>)
    %dma_wait3A_426 = arith.constant 1 : i32
    %dma_wait3A_427 = arith.constant 0 : i32
    %dma_wait3A_428 = arith.constant 0 : i32
    %dma_wait3A_429 = tpu.memref_slice %arg11[%dma_wait3A_426, %dma_wait3A_427, %dma_wait3A_428] : memref<13x128x32xf32, #tpu.memory_space<vmem>> -> memref<1x128x32xf32, #tpu.memory_space<vmem>>
    %dma_wait3A_430 = tpu.memref_squeeze %dma_wait3A_429 : memref<1x128x32xf32, #tpu.memory_space<vmem>> -> memref<128x32xf32, #tpu.memory_space<vmem>>
    %dma_wait3A_431 = arith.constant 0 : i32
    %dma_wait3A_432 = tpu.memref_slice %arg8[%dma_wait3A_431] : memref<9984xi32, #tpu.memory_space<vmem>> -> memref<128xi32, #tpu.memory_space<vmem>>
    %dma_wait3A_433 = arith.constant 0 : i32
    %dma_wait3A_434 = arith.constant 0 : i32
    %dma_wait3A_435 = tpu.memref_slice %arg5[%dma_wait3A_433, %dma_wait3A_434] : memref<10000x32xf32, #tpu.memory_space<vmem_shared>> -> memref<10000x32xf32, #tpu.memory_space<vmem_shared>>
    tpu.wait_indirect_dma semaphore(%arg14 : memref<!tpu.dma_semaphore, #tpu.memory_space<semaphore_mem>>) src(%dma_wait3A_430 : memref<128x32xf32, #tpu.memory_space<vmem>>) dst(%dma_wait3A_435 : memref<10000x32xf32, #tpu.memory_space<vmem_shared>>)
    %dma_wait3A_436 = arith.constant 2 : i32
    %dma_wait3A_437 = arith.constant 0 : i32
    %dma_wait3A_438 = arith.constant 0 : i32
    %dma_wait3A_439 = tpu.memref_slice %arg11[%dma_wait3A_436, %dma_wait3A_437, %dma_wait3A_438] : memref<13x128x32xf32, #tpu.memory_space<vmem>> -> memref<1x128x32xf32, #tpu.memory_space<vmem>>
    %dma_wait3A_440 = tpu.memref_squeeze %dma_wait3A_439 : memref<1x128x32xf32, #tpu.memory_space<vmem>> -> memref<128x32xf32, #tpu.memory_space<vmem>>
    %dma_wait3A_441 = arith.constant 0 : i32
    %dma_wait3A_442 = tpu.memref_slice %arg8[%dma_wait3A_441] : memref<9984xi32, #tpu.memory_space<vmem>> -> memref<128xi32, #tpu.memory_space<vmem>>
    %dma_wait3A_443 = arith.constant 0 : i32
    %dma_wait3A_444 = arith.constant 0 : i32
    %dma_wait3A_445 = tpu.memref_slice %arg5[%dma_wait3A_443, %dma_wait3A_444] : memref<10000x32xf32, #tpu.memory_space<vmem_shared>> -> memref<10000x32xf32, #tpu.memory_space<vmem_shared>>
    tpu.wait_indirect_dma semaphore(%arg14 : memref<!tpu.dma_semaphore, #tpu.memory_space<semaphore_mem>>) src(%dma_wait3A_440 : memref<128x32xf32, #tpu.memory_space<vmem>>) dst(%dma_wait3A_445 : memref<10000x32xf32, #tpu.memory_space<vmem_shared>>)
    %dma_wait3A_446 = arith.constant 3 : i32
    %dma_wait3A_447 = arith.constant 0 : i32
    %dma_wait3A_448 = arith.constant 0 : i32
    %dma_wait3A_449 = tpu.memref_slice %arg11[%dma_wait3A_446, %dma_wait3A_447, %dma_wait3A_448] : memref<13x128x32xf32, #tpu.memory_space<vmem>> -> memref<1x128x32xf32, #tpu.memory_space<vmem>>
    %dma_wait3A_450 = tpu.memref_squeeze %dma_wait3A_449 : memref<1x128x32xf32, #tpu.memory_space<vmem>> -> memref<128x32xf32, #tpu.memory_space<vmem>>
    %dma_wait3A_451 = arith.constant 0 : i32
    %dma_wait3A_452 = tpu.memref_slice %arg8[%dma_wait3A_451] : memref<9984xi32, #tpu.memory_space<vmem>> -> memref<128xi32, #tpu.memory_space<vmem>>
    %dma_wait3A_453 = arith.constant 0 : i32
    %dma_wait3A_454 = arith.constant 0 : i32
    %dma_wait3A_455 = tpu.memref_slice %arg5[%dma_wait3A_453, %dma_wait3A_454] : memref<10000x32xf32, #tpu.memory_space<vmem_shared>> -> memref<10000x32xf32, #tpu.memory_space<vmem_shared>>
    tpu.wait_indirect_dma semaphore(%arg14 : memref<!tpu.dma_semaphore, #tpu.memory_space<semaphore_mem>>) src(%dma_wait3A_450 : memref<128x32xf32, #tpu.memory_space<vmem>>) dst(%dma_wait3A_455 : memref<10000x32xf32, #tpu.memory_space<vmem_shared>>)
    %dma_wait3A_456 = arith.constant 4 : i32
    %dma_wait3A_457 = arith.constant 0 : i32
    %dma_wait3A_458 = arith.constant 0 : i32
    %dma_wait3A_459 = tpu.memref_slice %arg11[%dma_wait3A_456, %dma_wait3A_457, %dma_wait3A_458] : memref<13x128x32xf32, #tpu.memory_space<vmem>> -> memref<1x128x32xf32, #tpu.memory_space<vmem>>
    %dma_wait3A_460 = tpu.memref_squeeze %dma_wait3A_459 : memref<1x128x32xf32, #tpu.memory_space<vmem>> -> memref<128x32xf32, #tpu.memory_space<vmem>>
    %dma_wait3A_461 = arith.constant 0 : i32
    %dma_wait3A_462 = tpu.memref_slice %arg8[%dma_wait3A_461] : memref<9984xi32, #tpu.memory_space<vmem>> -> memref<128xi32, #tpu.memory_space<vmem>>
    %dma_wait3A_463 = arith.constant 0 : i32
    %dma_wait3A_464 = arith.constant 0 : i32
    %dma_wait3A_465 = tpu.memref_slice %arg5[%dma_wait3A_463, %dma_wait3A_464] : memref<10000x32xf32, #tpu.memory_space<vmem_shared>> -> memref<10000x32xf32, #tpu.memory_space<vmem_shared>>
    tpu.wait_indirect_dma semaphore(%arg14 : memref<!tpu.dma_semaphore, #tpu.memory_space<semaphore_mem>>) src(%dma_wait3A_460 : memref<128x32xf32, #tpu.memory_space<vmem>>) dst(%dma_wait3A_465 : memref<10000x32xf32, #tpu.memory_space<vmem_shared>>)
    %dma_wait3A_466 = arith.constant 5 : i32
    %dma_wait3A_467 = arith.constant 0 : i32
    %dma_wait3A_468 = arith.constant 0 : i32
    %dma_wait3A_469 = tpu.memref_slice %arg11[%dma_wait3A_466, %dma_wait3A_467, %dma_wait3A_468] : memref<13x128x32xf32, #tpu.memory_space<vmem>> -> memref<1x128x32xf32, #tpu.memory_space<vmem>>
    %dma_wait3A_470 = tpu.memref_squeeze %dma_wait3A_469 : memref<1x128x32xf32, #tpu.memory_space<vmem>> -> memref<128x32xf32, #tpu.memory_space<vmem>>
    %dma_wait3A_471 = arith.constant 0 : i32
    %dma_wait3A_472 = tpu.memref_slice %arg8[%dma_wait3A_471] : memref<9984xi32, #tpu.memory_space<vmem>> -> memref<128xi32, #tpu.memory_space<vmem>>
    %dma_wait3A_473 = arith.constant 0 : i32
    %dma_wait3A_474 = arith.constant 0 : i32
    %dma_wait3A_475 = tpu.memref_slice %arg5[%dma_wait3A_473, %dma_wait3A_474] : memref<10000x32xf32, #tpu.memory_space<vmem_shared>> -> memref<10000x32xf32, #tpu.memory_space<vmem_shared>>
    tpu.wait_indirect_dma semaphore(%arg14 : memref<!tpu.dma_semaphore, #tpu.memory_space<semaphore_mem>>) src(%dma_wait3A_470 : memref<128x32xf32, #tpu.memory_space<vmem>>) dst(%dma_wait3A_475 : memref<10000x32xf32, #tpu.memory_space<vmem_shared>>)
    %dma_wait3A_476 = arith.constant 6 : i32
    %dma_wait3A_477 = arith.constant 0 : i32
    %dma_wait3A_478 = arith.constant 0 : i32
    %dma_wait3A_479 = tpu.memref_slice %arg11[%dma_wait3A_476, %dma_wait3A_477, %dma_wait3A_478] : memref<13x128x32xf32, #tpu.memory_space<vmem>> -> memref<1x128x32xf32, #tpu.memory_space<vmem>>
    %dma_wait3A_480 = tpu.memref_squeeze %dma_wait3A_479 : memref<1x128x32xf32, #tpu.memory_space<vmem>> -> memref<128x32xf32, #tpu.memory_space<vmem>>
    %dma_wait3A_481 = arith.constant 0 : i32
    %dma_wait3A_482 = tpu.memref_slice %arg8[%dma_wait3A_481] : memref<9984xi32, #tpu.memory_space<vmem>> -> memref<128xi32, #tpu.memory_space<vmem>>
    %dma_wait3A_483 = arith.constant 0 : i32
    %dma_wait3A_484 = arith.constant 0 : i32
    %dma_wait3A_485 = tpu.memref_slice %arg5[%dma_wait3A_483, %dma_wait3A_484] : memref<10000x32xf32, #tpu.memory_space<vmem_shared>> -> memref<10000x32xf32, #tpu.memory_space<vmem_shared>>
    tpu.wait_indirect_dma semaphore(%arg14 : memref<!tpu.dma_semaphore, #tpu.memory_space<semaphore_mem>>) src(%dma_wait3A_480 : memref<128x32xf32, #tpu.memory_space<vmem>>) dst(%dma_wait3A_485 : memref<10000x32xf32, #tpu.memory_space<vmem_shared>>)
    %dma_wait3A_486 = arith.constant 7 : i32
    %dma_wait3A_487 = arith.constant 0 : i32
    %dma_wait3A_488 = arith.constant 0 : i32
    %dma_wait3A_489 = tpu.memref_slice %arg11[%dma_wait3A_486, %dma_wait3A_487, %dma_wait3A_488] : memref<13x128x32xf32, #tpu.memory_space<vmem>> -> memref<1x128x32xf32, #tpu.memory_space<vmem>>
    %dma_wait3A_490 = tpu.memref_squeeze %dma_wait3A_489 : memref<1x128x32xf32, #tpu.memory_space<vmem>> -> memref<128x32xf32, #tpu.memory_space<vmem>>
    %dma_wait3A_491 = arith.constant 0 : i32
    %dma_wait3A_492 = tpu.memref_slice %arg8[%dma_wait3A_491] : memref<9984xi32, #tpu.memory_space<vmem>> -> memref<128xi32, #tpu.memory_space<vmem>>
    %dma_wait3A_493 = arith.constant 0 : i32
    %dma_wait3A_494 = arith.constant 0 : i32
    %dma_wait3A_495 = tpu.memref_slice %arg5[%dma_wait3A_493, %dma_wait3A_494] : memref<10000x32xf32, #tpu.memory_space<vmem_shared>> -> memref<10000x32xf32, #tpu.memory_space<vmem_shared>>
    tpu.wait_indirect_dma semaphore(%arg14 : memref<!tpu.dma_semaphore, #tpu.memory_space<semaphore_mem>>) src(%dma_wait3A_490 : memref<128x32xf32, #tpu.memory_space<vmem>>) dst(%dma_wait3A_495 : memref<10000x32xf32, #tpu.memory_space<vmem_shared>>)
    %dma_wait3A_496 = arith.constant 8 : i32
    %dma_wait3A_497 = arith.constant 0 : i32
    %dma_wait3A_498 = arith.constant 0 : i32
    %dma_wait3A_499 = tpu.memref_slice %arg11[%dma_wait3A_496, %dma_wait3A_497, %dma_wait3A_498] : memref<13x128x32xf32, #tpu.memory_space<vmem>> -> memref<1x128x32xf32, #tpu.memory_space<vmem>>
    %dma_wait3A_500 = tpu.memref_squeeze %dma_wait3A_499 : memref<1x128x32xf32, #tpu.memory_space<vmem>> -> memref<128x32xf32, #tpu.memory_space<vmem>>
    %dma_wait3A_501 = arith.constant 0 : i32
    %dma_wait3A_502 = tpu.memref_slice %arg8[%dma_wait3A_501] : memref<9984xi32, #tpu.memory_space<vmem>> -> memref<128xi32, #tpu.memory_space<vmem>>
    %dma_wait3A_503 = arith.constant 0 : i32
    %dma_wait3A_504 = arith.constant 0 : i32
    %dma_wait3A_505 = tpu.memref_slice %arg5[%dma_wait3A_503, %dma_wait3A_504] : memref<10000x32xf32, #tpu.memory_space<vmem_shared>> -> memref<10000x32xf32, #tpu.memory_space<vmem_shared>>
    tpu.wait_indirect_dma semaphore(%arg14 : memref<!tpu.dma_semaphore, #tpu.memory_space<semaphore_mem>>) src(%dma_wait3A_500 : memref<128x32xf32, #tpu.memory_space<vmem>>) dst(%dma_wait3A_505 : memref<10000x32xf32, #tpu.memory_space<vmem_shared>>)
    %dma_wait3A_506 = arith.constant 9 : i32
    %dma_wait3A_507 = arith.constant 0 : i32
    %dma_wait3A_508 = arith.constant 0 : i32
    %dma_wait3A_509 = tpu.memref_slice %arg11[%dma_wait3A_506, %dma_wait3A_507, %dma_wait3A_508] : memref<13x128x32xf32, #tpu.memory_space<vmem>> -> memref<1x128x32xf32, #tpu.memory_space<vmem>>
    %dma_wait3A_510 = tpu.memref_squeeze %dma_wait3A_509 : memref<1x128x32xf32, #tpu.memory_space<vmem>> -> memref<128x32xf32, #tpu.memory_space<vmem>>
    %dma_wait3A_511 = arith.constant 0 : i32
    %dma_wait3A_512 = tpu.memref_slice %arg8[%dma_wait3A_511] : memref<9984xi32, #tpu.memory_space<vmem>> -> memref<128xi32, #tpu.memory_space<vmem>>
    %dma_wait3A_513 = arith.constant 0 : i32
    %dma_wait3A_514 = arith.constant 0 : i32
    %dma_wait3A_515 = tpu.memref_slice %arg5[%dma_wait3A_513, %dma_wait3A_514] : memref<10000x32xf32, #tpu.memory_space<vmem_shared>> -> memref<10000x32xf32, #tpu.memory_space<vmem_shared>>
    tpu.wait_indirect_dma semaphore(%arg14 : memref<!tpu.dma_semaphore, #tpu.memory_space<semaphore_mem>>) src(%dma_wait3A_510 : memref<128x32xf32, #tpu.memory_space<vmem>>) dst(%dma_wait3A_515 : memref<10000x32xf32, #tpu.memory_space<vmem_shared>>)
    %dma_wait3A_516 = arith.constant 10 : i32
    %dma_wait3A_517 = arith.constant 0 : i32
    %dma_wait3A_518 = arith.constant 0 : i32
    %dma_wait3A_519 = tpu.memref_slice %arg11[%dma_wait3A_516, %dma_wait3A_517, %dma_wait3A_518] : memref<13x128x32xf32, #tpu.memory_space<vmem>> -> memref<1x128x32xf32, #tpu.memory_space<vmem>>
    %dma_wait3A_520 = tpu.memref_squeeze %dma_wait3A_519 : memref<1x128x32xf32, #tpu.memory_space<vmem>> -> memref<128x32xf32, #tpu.memory_space<vmem>>
    %dma_wait3A_521 = arith.constant 0 : i32
    %dma_wait3A_522 = tpu.memref_slice %arg8[%dma_wait3A_521] : memref<9984xi32, #tpu.memory_space<vmem>> -> memref<128xi32, #tpu.memory_space<vmem>>
    %dma_wait3A_523 = arith.constant 0 : i32
    %dma_wait3A_524 = arith.constant 0 : i32
    %dma_wait3A_525 = tpu.memref_slice %arg5[%dma_wait3A_523, %dma_wait3A_524] : memref<10000x32xf32, #tpu.memory_space<vmem_shared>> -> memref<10000x32xf32, #tpu.memory_space<vmem_shared>>
    tpu.wait_indirect_dma semaphore(%arg14 : memref<!tpu.dma_semaphore, #tpu.memory_space<semaphore_mem>>) src(%dma_wait3A_520 : memref<128x32xf32, #tpu.memory_space<vmem>>) dst(%dma_wait3A_525 : memref<10000x32xf32, #tpu.memory_space<vmem_shared>>)
    %dma_wait3A_526 = arith.constant 11 : i32
    %dma_wait3A_527 = arith.constant 0 : i32
    %dma_wait3A_528 = arith.constant 0 : i32
    %dma_wait3A_529 = tpu.memref_slice %arg11[%dma_wait3A_526, %dma_wait3A_527, %dma_wait3A_528] : memref<13x128x32xf32, #tpu.memory_space<vmem>> -> memref<1x128x32xf32, #tpu.memory_space<vmem>>
    %dma_wait3A_530 = tpu.memref_squeeze %dma_wait3A_529 : memref<1x128x32xf32, #tpu.memory_space<vmem>> -> memref<128x32xf32, #tpu.memory_space<vmem>>
    %dma_wait3A_531 = arith.constant 0 : i32
    %dma_wait3A_532 = tpu.memref_slice %arg8[%dma_wait3A_531] : memref<9984xi32, #tpu.memory_space<vmem>> -> memref<128xi32, #tpu.memory_space<vmem>>
    %dma_wait3A_533 = arith.constant 0 : i32
    %dma_wait3A_534 = arith.constant 0 : i32
    %dma_wait3A_535 = tpu.memref_slice %arg5[%dma_wait3A_533, %dma_wait3A_534] : memref<10000x32xf32, #tpu.memory_space<vmem_shared>> -> memref<10000x32xf32, #tpu.memory_space<vmem_shared>>
    tpu.wait_indirect_dma semaphore(%arg14 : memref<!tpu.dma_semaphore, #tpu.memory_space<semaphore_mem>>) src(%dma_wait3A_530 : memref<128x32xf32, #tpu.memory_space<vmem>>) dst(%dma_wait3A_535 : memref<10000x32xf32, #tpu.memory_space<vmem_shared>>)
    %dma_wait3A_536 = arith.constant 12 : i32
    %dma_wait3A_537 = arith.constant 0 : i32
    %dma_wait3A_538 = arith.constant 0 : i32
    %dma_wait3A_539 = tpu.memref_slice %arg11[%dma_wait3A_536, %dma_wait3A_537, %dma_wait3A_538] : memref<13x128x32xf32, #tpu.memory_space<vmem>> -> memref<1x128x32xf32, #tpu.memory_space<vmem>>
    %dma_wait3A_540 = tpu.memref_squeeze %dma_wait3A_539 : memref<1x128x32xf32, #tpu.memory_space<vmem>> -> memref<128x32xf32, #tpu.memory_space<vmem>>
    %dma_wait3A_541 = arith.constant 0 : i32
    %dma_wait3A_542 = tpu.memref_slice %arg8[%dma_wait3A_541] : memref<9984xi32, #tpu.memory_space<vmem>> -> memref<128xi32, #tpu.memory_space<vmem>>
    %dma_wait3A_543 = arith.constant 0 : i32
    %dma_wait3A_544 = arith.constant 0 : i32
    %dma_wait3A_545 = tpu.memref_slice %arg5[%dma_wait3A_543, %dma_wait3A_544] : memref<10000x32xf32, #tpu.memory_space<vmem_shared>> -> memref<10000x32xf32, #tpu.memory_space<vmem_shared>>
    tpu.wait_indirect_dma semaphore(%arg14 : memref<!tpu.dma_semaphore, #tpu.memory_space<semaphore_mem>>) src(%dma_wait3A_540 : memref<128x32xf32, #tpu.memory_space<vmem>>) dst(%dma_wait3A_545 : memref<10000x32xf32, #tpu.memory_space<vmem_shared>>)
    %barrier3A_546 = arith.constant 0 : index
    tpu.barrier barrier_id(%barrier3A_546)
    "tpu.region"() ({
      %run_scoped3A_547 = tpu.sem_alloc : memref<!tpu.dma_semaphore, #tpu.memory_space<semaphore_mem>>
      %dma_start3A_548 = arith.constant 0 : i32
      %dma_start3A_549 = tpu.memref_slice %arg4[%arg0, %mul3A_2, %dma_start3A_548] : memref<2x10000x32xf32, #tpu.memory_space<hbm>> -> memref<1x625x32xf32, #tpu.memory_space<hbm>>
      %dma_start3A_550 = tpu.memref_squeeze %dma_start3A_549 : memref<1x625x32xf32, #tpu.memory_space<hbm>> -> memref<625x32xf32, #tpu.memory_space<hbm>>
      %dma_start3A_551 = arith.constant 0 : i32
      %dma_start3A_552 = tpu.memref_slice %arg5[%mul3A_2, %dma_start3A_551] : memref<10000x32xf32, #tpu.memory_space<vmem_shared>> -> memref<625x32xf32, #tpu.memory_space<vmem_shared>>
      tpu.enqueue_dma source(%dma_start3A_552 : memref<625x32xf32, #tpu.memory_space<vmem_shared>>) target(%dma_start3A_550 : memref<625x32xf32, #tpu.memory_space<hbm>>) target_semaphore(%run_scoped3A_547 : memref<!tpu.dma_semaphore, #tpu.memory_space<semaphore_mem>>)
      %dma_wait3A_553 = arith.constant 0 : i32
      %dma_wait3A_554 = tpu.memref_slice %arg4[%arg0, %mul3A_2, %dma_wait3A_553] : memref<2x10000x32xf32, #tpu.memory_space<hbm>> -> memref<1x625x32xf32, #tpu.memory_space<hbm>>
      %dma_wait3A_555 = tpu.memref_squeeze %dma_wait3A_554 : memref<1x625x32xf32, #tpu.memory_space<hbm>> -> memref<625x32xf32, #tpu.memory_space<hbm>>
      %dma_wait3A_556 = arith.constant 0 : i32
      %dma_wait3A_557 = tpu.memref_slice %arg5[%mul3A_2, %dma_wait3A_556] : memref<10000x32xf32, #tpu.memory_space<vmem_shared>> -> memref<625x32xf32, #tpu.memory_space<vmem_shared>>
      tpu.wait_dma2 semaphore(%run_scoped3A_547 : memref<!tpu.dma_semaphore, #tpu.memory_space<semaphore_mem>>) src(%dma_wait3A_557 : memref<625x32xf32, #tpu.memory_space<vmem_shared>>) dst(%dma_wait3A_555 : memref<625x32xf32, #tpu.memory_space<hbm>>)
      tpu.yield
    }) : () -> ()
    return
  }
}

module attributes {stable_mosaic.version = 14 : i64} {
  func.func @_mm_body(%arg0: i32, %arg1: memref<2000x128xf32, #tpu.memory_space<vmem>>, %arg2: memref<128x32xf32, #tpu.memory_space<vmem>>, %arg3: memref<2000x32xf32, #tpu.memory_space<vmem>>) attributes {dimension_semantics = [#tpu.dimension_semantics<arbitrary>], iteration_bounds = array<i64: 5>, scalar_prefetch = 0 : i64, scratch_operands = 0 : i64, tpu.core_type = #tpu.core_type<tc>, window_params = [{transform_indices = @transform_0, window_bounds = array<i64: 2000, 128>}, {pipeline_mode = #tpu.pipeline_mode<synchronous>, transform_indices = @transform_1, window_bounds = array<i64: 128, 32>}, {transform_indices = @transform_2, window_bounds = array<i64: 2000, 32>}]} {
    %get3A = arith.constant 0 : index
    %get3A_0 = arith.constant 0 : index
    %get3A_1 = vector.load %arg1[%get3A, %get3A_0] : memref<2000x128xf32, #tpu.memory_space<vmem>>, vector<2000x128xf32>
    %get3A_2 = arith.constant 0 : index
    %get3A_3 = arith.constant 0 : index
    %get3A_4 = vector.load %arg2[%get3A_2, %get3A_3] : memref<128x32xf32, #tpu.memory_space<vmem>>, vector<128x32xf32>
    %dot_general3A = arith.constant dense<0.000000e+00> : vector<2000x32xf32>
    %dot_general3A_5 = tpu.matmul %get3A_1, %get3A_4, %dot_general3A {dimension_numbers = #tpu.dot_dimension_numbers<[1], [0], [0], [1], [0, 0, 1, 1], [], []>, transpose_lhs_hint = false} : vector<2000x128xf32>, vector<128x32xf32>, vector<2000x32xf32> -> vector<2000x32xf32>
    %swap3A = arith.constant 0 : index
    %swap3A_6 = arith.constant 0 : index
    %swap3A_7 = vector.load %arg3[%swap3A, %swap3A_6] : memref<2000x32xf32, #tpu.memory_space<vmem>>, vector<2000x32xf32>
    tpu.vector_store %arg3[%swap3A, %swap3A_6], %dot_general3A_5 {strides = array<i32>} : memref<2000x32xf32, #tpu.memory_space<vmem>>, vector<2000x32xf32>,
    return
  }
  func.func @transform_0(%arg0: i32) -> (i32, i32) {
    %c0_i32 = arith.constant 0 : i32
    %c0_i32_0 = arith.constant 0 : i32
    return %arg0, %c0_i32 : i32, i32
  }
  func.func @transform_1(%arg0: i32) -> (i32, i32) {
    %c0_i32 = arith.constant 0 : i32
    %c0_i32_0 = arith.constant 0 : i32
    %c0_i32_1 = arith.constant 0 : i32
    return %c0_i32, %c0_i32_0 : i32, i32
  }
  func.func @transform_2(%arg0: i32) -> (i32, i32) {
    %c0_i32 = arith.constant 0 : i32
    %c0_i32_0 = arith.constant 0 : i32
    return %arg0, %c0_i32 : i32, i32
  }
}

module attributes {stable_mosaic.version = 14 : i64} {
  func.func @_mlp_body(%arg0: memref<2x2500x128xf32, #tpu.memory_space<vmem>>, %arg1: memref<1x128xf32, #tpu.memory_space<vmem>>, %arg2: memref<1x128xf32, #tpu.memory_space<vmem>>, %arg3: memref<1x128xf32, #tpu.memory_space<vmem>>, %arg4: memref<128x128xf32, #tpu.memory_space<vmem>>, %arg5: memref<1x128xf32, #tpu.memory_space<vmem>>, %arg6: memref<128x384xf32, #tpu.memory_space<vmem>>, %arg7: memref<1x384xf32, #tpu.memory_space<vmem>>, %arg8: memref<384x4xf32, #tpu.memory_space<vmem>>, %arg9: memref<1x1xf32, #tpu.memory_space<vmem>>, %arg10: memref<2500x4xf32, #tpu.memory_space<vmem>>) attributes {dimension_semantics = [], scalar_prefetch = 0 : i64, scratch_operands = 0 : i64, tpu.core_type = #tpu.core_type<tc>} {
    %get3A = arith.constant 0 : index
    %get3A_0 = arith.constant 0 : index
    %get3A_1 = arith.constant 0 : index
    %get3A_2 = vector.load %arg0[%get3A, %get3A_0, %get3A_1] : memref<2x2500x128xf32, #tpu.memory_space<vmem>>, vector<2x2500x128xf32>
    %slice3A = vector.extract_strided_slice %get3A_2 {offsets = [0, 0, 0], sizes = [1, 2500, 128], strides = [1, 1, 1]} : vector<2x2500x128xf32> to vector<1x2500x128xf32>
    %squeeze3A = vector.shape_cast %slice3A : vector<1x2500x128xf32> to vector<2500x128xf32>
    %slice3A_3 = vector.extract_strided_slice %get3A_2 {offsets = [1, 0, 0], sizes = [1, 2500, 128], strides = [1, 1, 1]} : vector<2x2500x128xf32> to vector<1x2500x128xf32>
    %squeeze3A_4 = vector.shape_cast %slice3A_3 : vector<1x2500x128xf32> to vector<2500x128xf32>
    %add3A = arith.addf %squeeze3A, %squeeze3A_4 : vector<2500x128xf32>
    %get3A_5 = arith.constant 0 : index
    %get3A_6 = arith.constant 0 : index
    %get3A_7 = vector.load %arg1[%get3A_5, %get3A_6] : memref<1x128xf32, #tpu.memory_space<vmem>>, vector<1x128xf32>
    %add3A_8 = vector.broadcast %get3A_7 : vector<1x128xf32> to vector<2500x128xf32>
    %add3A_9 = arith.addf %add3A, %add3A_8 : vector<2500x128xf32>
    %reduce_sum3A = arith.constant dense<0.000000e+00> : vector<128xf32>
    %reduce_sum3A_10 = vector.multi_reduction <add>, %add3A_9, %reduce_sum3A [0] : vector<2500x128xf32> to vector<128xf32>
    %broadcast_in_dim3A = vector.shape_cast %reduce_sum3A_10 : vector<128xf32> to vector<1x128xf32>
    %slice3A_11 = vector.extract_strided_slice %broadcast_in_dim3A {offsets = [0, 0], sizes = [1, 32], strides = [1, 1]} : vector<1x128xf32> to vector<1x32xf32>
    %slice3A_12 = vector.extract_strided_slice %broadcast_in_dim3A {offsets = [0, 32], sizes = [1, 32], strides = [1, 1]} : vector<1x128xf32> to vector<1x32xf32>
    %add3A_13 = arith.addf %slice3A_11, %slice3A_12 : vector<1x32xf32>
    %slice3A_14 = vector.extract_strided_slice %broadcast_in_dim3A {offsets = [0, 64], sizes = [1, 32], strides = [1, 1]} : vector<1x128xf32> to vector<1x32xf32>
    %add3A_15 = arith.addf %add3A_13, %slice3A_14 : vector<1x32xf32>
    %slice3A_16 = vector.extract_strided_slice %broadcast_in_dim3A {offsets = [0, 96], sizes = [1, 32], strides = [1, 1]} : vector<1x128xf32> to vector<1x32xf32>
    %add3A_17 = arith.addf %add3A_15, %slice3A_16 : vector<1x32xf32>
    %div3A = arith.constant 1.000000e+04 : f32
    %div3A_18 = vector.broadcast %div3A : f32 to vector<1x32xf32>
    %div3A_19 = arith.divf %add3A_17, %div3A_18 : vector<1x32xf32>
    %concatenate3A = tpu.concatenate %div3A_19, %div3A_19, %div3A_19, %div3A_19 in 1 : vector<1x32xf32>, vector<1x32xf32>, vector<1x32xf32>, vector<1x32xf32> -> vector<1x128xf32>
    %sub3A = vector.broadcast %concatenate3A : vector<1x128xf32> to vector<2500x128xf32>
    %sub3A_20 = arith.subf %add3A_9, %sub3A : vector<2500x128xf32>
    %mul3A = arith.mulf %sub3A_20, %sub3A_20 : vector<2500x128xf32>
    %reduce_sum3A_21 = arith.constant dense<0.000000e+00> : vector<128xf32>
    %reduce_sum3A_22 = vector.multi_reduction <add>, %mul3A, %reduce_sum3A_21 [0] : vector<2500x128xf32> to vector<128xf32>
    %broadcast_in_dim3A_23 = vector.shape_cast %reduce_sum3A_22 : vector<128xf32> to vector<1x128xf32>
    %slice3A_24 = vector.extract_strided_slice %broadcast_in_dim3A_23 {offsets = [0, 0], sizes = [1, 32], strides = [1, 1]} : vector<1x128xf32> to vector<1x32xf32>
    %slice3A_25 = vector.extract_strided_slice %broadcast_in_dim3A_23 {offsets = [0, 32], sizes = [1, 32], strides = [1, 1]} : vector<1x128xf32> to vector<1x32xf32>
    %add3A_26 = arith.addf %slice3A_24, %slice3A_25 : vector<1x32xf32>
    %slice3A_27 = vector.extract_strided_slice %broadcast_in_dim3A_23 {offsets = [0, 64], sizes = [1, 32], strides = [1, 1]} : vector<1x128xf32> to vector<1x32xf32>
    %add3A_28 = arith.addf %add3A_26, %slice3A_27 : vector<1x32xf32>
    %slice3A_29 = vector.extract_strided_slice %broadcast_in_dim3A_23 {offsets = [0, 96], sizes = [1, 32], strides = [1, 1]} : vector<1x128xf32> to vector<1x32xf32>
    %add3A_30 = arith.addf %add3A_28, %slice3A_29 : vector<1x32xf32>
    %div3A_31 = arith.constant 1.000000e+04 : f32
    %div3A_32 = vector.broadcast %div3A_31 : f32 to vector<1x32xf32>
    %div3A_33 = arith.divf %add3A_30, %div3A_32 : vector<1x32xf32>
    %concatenate3A_34 = tpu.concatenate %div3A_33, %div3A_33, %div3A_33, %div3A_33 in 1 : vector<1x32xf32>, vector<1x32xf32>, vector<1x32xf32>, vector<1x32xf32> -> vector<1x128xf32>
    %add3A_35 = arith.constant 9.99999974E-6 : f32
    %add3A_36 = vector.broadcast %add3A_35 : f32 to vector<1x128xf32>
    %add3A_37 = arith.addf %concatenate3A_34, %add3A_36 : vector<1x128xf32>
    %rsqrt3A = math.rsqrt %add3A_37 : vector<1x128xf32>
    %mul3A_38 = vector.broadcast %rsqrt3A : vector<1x128xf32> to vector<2500x128xf32>
    %mul3A_39 = arith.mulf %sub3A_20, %mul3A_38 : vector<2500x128xf32>
    %get3A_40 = arith.constant 0 : index
    %get3A_41 = arith.constant 0 : index
    %get3A_42 = vector.load %arg2[%get3A_40, %get3A_41] : memref<1x128xf32, #tpu.memory_space<vmem>>, vector<1x128xf32>
    %mul3A_43 = vector.broadcast %get3A_42 : vector<1x128xf32> to vector<2500x128xf32>
    %mul3A_44 = arith.mulf %mul3A_39, %mul3A_43 : vector<2500x128xf32>
    %get3A_45 = arith.constant 0 : index
    %get3A_46 = arith.constant 0 : index
    %get3A_47 = vector.load %arg3[%get3A_45, %get3A_46] : memref<1x128xf32, #tpu.memory_space<vmem>>, vector<1x128xf32>
    %add3A_48 = vector.broadcast %get3A_47 : vector<1x128xf32> to vector<2500x128xf32>
    %add3A_49 = arith.addf %mul3A_44, %add3A_48 : vector<2500x128xf32>
    %max3A = arith.constant 0.000000e+00 : f32
    %max3A_50 = vector.broadcast %max3A : f32 to vector<2500x128xf32>
    %max3A_51 = arith.maximumf %add3A_49, %max3A_50 : vector<2500x128xf32>
    %get3A_52 = arith.constant 0 : index
    %get3A_53 = arith.constant 0 : index
    %get3A_54 = vector.load %arg4[%get3A_52, %get3A_53] : memref<128x128xf32, #tpu.memory_space<vmem>>, vector<128x128xf32>
    %dot_general3A = arith.constant dense<0.000000e+00> : vector<2500x128xf32>
    %dot_general3A_55 = tpu.matmul %max3A_51, %get3A_54, %dot_general3A {dimension_numbers = #tpu.dot_dimension_numbers<[1], [0], [0], [1], [0, 0, 1, 1], [], []>, transpose_lhs_hint = false} : vector<2500x128xf32>, vector<128x128xf32>, vector<2500x128xf32> -> vector<2500x128xf32>
    %get3A_56 = arith.constant 0 : index
    %get3A_57 = arith.constant 0 : index
    %get3A_58 = vector.load %arg5[%get3A_56, %get3A_57] : memref<1x128xf32, #tpu.memory_space<vmem>>, vector<1x128xf32>
    %add3A_59 = vector.broadcast %get3A_58 : vector<1x128xf32> to vector<2500x128xf32>
    %add3A_60 = arith.addf %dot_general3A_55, %add3A_59 : vector<2500x128xf32>
    %max3A_61 = arith.constant 0.000000e+00 : f32
    %max3A_62 = vector.broadcast %max3A_61 : f32 to vector<2500x128xf32>
    %max3A_63 = arith.maximumf %add3A_60, %max3A_62 : vector<2500x128xf32>
    %get3A_64 = arith.constant 0 : index
    %get3A_65 = arith.constant 0 : index
    %get3A_66 = vector.load %arg6[%get3A_64, %get3A_65] : memref<128x384xf32, #tpu.memory_space<vmem>>, vector<128x384xf32>
    %dot_general3A_67 = arith.constant dense<0.000000e+00> : vector<2500x384xf32>
    %dot_general3A_68 = tpu.matmul %max3A_63, %get3A_66, %dot_general3A_67 {dimension_numbers = #tpu.dot_dimension_numbers<[1], [0], [0], [1], [0, 0, 1, 1], [], []>, transpose_lhs_hint = false} : vector<2500x128xf32>, vector<128x384xf32>, vector<2500x384xf32> -> vector<2500x384xf32>
    %get3A_69 = arith.constant 0 : index
    %get3A_70 = arith.constant 0 : index
    %get3A_71 = vector.load %arg7[%get3A_69, %get3A_70] : memref<1x384xf32, #tpu.memory_space<vmem>>, vector<1x384xf32>
    %add3A_72 = vector.broadcast %get3A_71 : vector<1x384xf32> to vector<2500x384xf32>
    %add3A_73 = arith.addf %dot_general3A_68, %add3A_72 : vector<2500x384xf32>
    %max3A_74 = arith.constant 0.000000e+00 : f32
    %max3A_75 = vector.broadcast %max3A_74 : f32 to vector<2500x384xf32>
    %max3A_76 = arith.maximumf %add3A_73, %max3A_75 : vector<2500x384xf32>
    %get3A_77 = arith.constant 0 : index
    %get3A_78 = arith.constant 0 : index
    %get3A_79 = vector.load %arg8[%get3A_77, %get3A_78] : memref<384x4xf32, #tpu.memory_space<vmem>>, vector<384x4xf32>
    %dot_general3A_80 = arith.constant dense<0.000000e+00> : vector<2500x4xf32>
    %dot_general3A_81 = tpu.matmul %max3A_76, %get3A_79, %dot_general3A_80 {dimension_numbers = #tpu.dot_dimension_numbers<[1], [0], [0], [1], [0, 0, 1, 1], [], []>, transpose_lhs_hint = false} : vector<2500x384xf32>, vector<384x4xf32>, vector<2500x4xf32> -> vector<2500x4xf32>
    %get3A_82 = arith.constant 0 : index
    %get3A_83 = arith.constant 0 : index
    %get3A_84 = vector.load %arg9[%get3A_82, %get3A_83] : memref<1x1xf32, #tpu.memory_space<vmem>>, vector<1x1xf32>
    %add3A_85 = vector.broadcast %get3A_84 : vector<1x1xf32> to vector<2500x4xf32>
    %add3A_86 = arith.addf %dot_general3A_81, %add3A_85 : vector<2500x4xf32>
    %swap3A = arith.constant 0 : index
    %swap3A_87 = arith.constant 0 : index
    %swap3A_88 = vector.load %arg10[%swap3A, %swap3A_87] : memref<2500x4xf32, #tpu.memory_space<vmem>>, vector<2500x4xf32>
    tpu.vector_store %arg10[%swap3A, %swap3A_87], %add3A_86 {strides = array<i32>} : memref<2500x4xf32, #tpu.memory_space<vmem>>, vector<2500x4xf32>,
    return
  }
}

</mosaic_0001>

<sc_bundles>
// kernel: kernel.5.cloned.1.call-start
scs
__scs_entry_jumppad:
0x0: {  	(pc) =	sbr.rel $0x88, $3  }
0x1: {  	(tag) =	ssettag $0x0;
	lr =	simm.s32 $0x1  }
0x2: {  	[smem:$0x3F95] =	sst lr;
	_ =	strace $0xD0000000  }
0x3: {  	_ = 	snop  }
0x4: {  	_ = 	snop  }
0x5: {  	_ = 	snop  }
0x6: {  	_ = 	snop  }
0x7: {  	_ = 	snop  }
__scs_overlays_trampoline_lowered:
0x8: {  	[smem:$0x3FA4] =	sst s0  }
0x9: {  	[smem:$0x3FA5] =	sst s1  }
0xa: {  	[smem:$0x3FA6] =	sst s2  }
0xb: {  	[smem:$0x3FA7] =	sst s3  }
0xc: {  	[smem:$0x3FA8] =	sst s4  }
0xd: {  	[smem:$0x3FA9] =	sst s5  }
0xe: {  	[smem:$0x3FAA] =	sst s6  }
0xf: {  	[smem:$0x3FAB] =	sst s7  }
0x10: {  	[smem:$0x3FAC] =	sst s8  }
0x11: {  	[smem:$0x3FAD] =	sst s9;
	s0 =	simm.s32 @!p0 $0x0  }
0x12: {  	s1 =	sld [smem:$0x3F93];
	s0 =	simm.s32 @p0 $0x1  }
0x13: {  	[smem:$0x3FAE] =	sst s0;
	s0 =	simm.s32 @!p1 $0x0  }
0x14: {  	s2 =	sld [smem:$0x3F92];
	s0 =	simm.s32 @p1 $0x1  }
0x15: {  	[smem:$0x3FAF] =	sst s0;
	s0 =	simm.s32 @!p2 $0x0  }
0x16: {  	s3 =	sld [smem:$0x3FDB];
	s0 =	simm.s32 @p2 $0x1  }
0x17: {  	s4 =	simm.s32 $0x1BF5;
	[smem:$0x3FB1] =	sst s0  }
0x18: {  	s0 =	sld [smem:$0x3F94];
	_ =	swait.ge [sflag:s4], $0x0  }
0x19: {  	s7 =	sld [smem:$0x3F95]  }
0x1a: {  	s8 =	sadd.s32 $0xFFFFE003, lr  }
0x1b: {  	s9 =	sadd.s32 $0xFFFFFEF7, lr;
	s5 =	simm.s32 $0xFFFFFFFF;
	p2 =	slt.u32 s8, $0xFFFFF086  }
0x1c: {  	p1 =	slt.u32 s9, $0xF7A;
	s5 =	simm.s32 @!p2 $0x0  }
0x1d: {  	s5 =	simm.s32 @p1 $0x1;
	p0 =	seq.s32 s7, s2  }
0x1e: {  	s7 =	smul.u32 @!p0 $0xF7A, s2;
	p2 =	seq.s32 @!p0 s5, $0x0  }
0x1f: {  	s9 =	smul.u32 $0xF7A, s1;
	s8 =	simm.s32 @!p0 $0x1BF5;
	p2 =	por !p2, p0  }
0x20: {  	[sflag:s8] =	ssyncset.s32 @!p0 $0xFFFFF086;
	s6 =	sadd.s32 @!p0 s3, s7;
	s7 =	simm.s32 @!p0 $0x108  }
0x21: {  	s3 =	sadd.s32 s3, s9;
	s6 =	sadd.s32 @!p0 $0x88, s6;
	s7 =	simm.s32 @p2 $0x1082  }
0x22: {  	[simem:s7], [sflag:s8] =	dma.local @!p0 [hbm:s6], $0xF7A  }
0x23: {  	s9 =	sor.u32 $0xD0000000, s2;
	s6 =	simm.s32 $0x108;
	_ =	swait.ge @!p0 [sflag:s8], $0x0  }
0x24: {  	s3 =	sadd.s32 $0x88, s3;
	s6 =	simm.s32 @!p1 $0x1082;
	[sflag:s4] =	ssyncset.s32 $0xFFFFF086  }
0x25: {  	[simem:s6], [sflag:s4] =	dma.local [hbm:s3], $0xF7A  }
0x26: {  	[smem:$0x3F95] =	sst s1;
	(tag) =	ssettag s2;
	_ =	strace s9  }
0x27: {  	s1 =	sld [smem:$0x3FA5]  }
0x28: {  	s2 =	sld [smem:$0x3FA6]  }
0x29: {  	s4 =	sld [smem:$0x3FA8]  }
0x2a: {  	p0 =	seq.s32 s5, $0x0;
	s5 =	sld [smem:$0x3FA9]  }
0x2b: {  	s6 =	sld [smem:$0x3FAA]  }
0x2c: {  	s7 =	sld [smem:$0x3FAB]  }
0x2d: {  	s3 =	simm.s32 $0x108;
	s8 =	sld [smem:$0x3FAC]  }
0x2e: {  	s3 =	simm.s32 @!p0 $0x1082;
	s9 =	sld [smem:$0x3FAD]  }
0x2f: {  	lr =	sadd.s32 s0, s3;
	s0 =	sld [smem:$0x3FA4]  }
0x30: {  	s3 =	sld [smem:$0x3FA7]  }
0x31: {  	[smem:$0x3FB0] =	sst s10  }
0x32: {  	s10 =	sld [smem:$0x3FAE];
	_ =	sdelay $0x3  }
0x33: {  	p0 =	seq.s32 s10, $0x1;
	s10 =	sld [smem:$0x3FB0];
	_ =	sdelay $0x3  }
0x34: {  	[smem:$0x3FB0] =	sst s10  }
0x35: {  	s10 =	sld [smem:$0x3FAF];
	_ =	sdelay $0x3  }
0x36: {  	p1 =	seq.s32 s10, $0x1;
	s10 =	sld [smem:$0x3FB0];
	_ =	sdelay $0x3  }
0x37: {  	[smem:$0x3FB0] =	sst s10  }
0x38: {  	s10 =	sld [smem:$0x3FB1]  }
0x39: {  	_ = 	snop;
	(pc) =	sbr.ind lr, $3  }
0x3a: {  	_ = 	snop  }
0x3b: {  	_ = 	snop  }
0x3c: {  	p2 =	seq.s32 s10, $0x1;
	s10 =	sld [smem:$0x3FB0]  }
0x3d: {  	_ =	shalt  }
0x3e: {  	_ =	shalt  }
0x3f: {  	_ =	shalt  }
0x40: {  	_ =	shalt  }
0x41: {  	_ =	shalt  }
0x42: {  	_ =	shalt  }
0x43: {  	_ =	shalt  }
0x44: {  	_ =	shalt  }
0x45: {  	_ =	shalt  }
0x46: {  	_ =	shalt  }
0x47: {  	_ =	shalt  }
0x48: {  	_ =	shalt  }
0x49: {  	_ =	shalt  }
0x4a: {  	_ =	shalt  }
0x4b: {  	_ =	shalt  }
0x4c: {  	_ =	shalt  }
0x4d: {  	_ =	shalt  }
0x4e: {  	_ =	shalt  }
0x4f: {  	_ =	shalt  }
0x50: {  	_ =	shalt  }
0x51: {  	_ =	shalt  }
0x52: {  	_ =	shalt  }
0x53: {  	_ =	shalt  }
0x54: {  	_ =	shalt  }
0x55: {  	_ =	shalt  }
0x56: {  	_ =	shalt  }
0x57: {  	_ =	shalt  }
0x58: {  	_ =	shalt  }
0x59: {  	_ =	shalt  }
0x5a: {  	_ =	shalt  }
0x5b: {  	_ =	shalt  }
0x5c: {  	_ =	shalt  }
0x5d: {  	_ =	shalt  }
0x5e: {  	_ =	shalt  }
0x5f: {  	_ =	shalt  }
0x60: {  	_ =	shalt  }
0x61: {  	_ =	shalt  }
0x62: {  	_ =	shalt  }
0x63: {  	_ =	shalt  }
0x64: {  	_ =	shalt  }
0x65: {  	_ =	shalt  }
0x66: {  	_ =	shalt  }
0x67: {  	_ =	shalt  }
0x68: {  	_ =	shalt  }
0x69: {  	_ =	shalt  }
0x6a: {  	_ =	shalt  }
0x6b: {  	_ =	shalt  }
0x6c: {  	_ =	shalt  }
0x6d: {  	_ =	shalt  }
0x6e: {  	_ =	shalt  }
0x6f: {  	_ =	shalt  }
0x70: {  	_ =	shalt  }
0x71: {  	_ =	shalt  }
0x72: {  	_ =	shalt  }
0x73: {  	_ =	shalt  }
0x74: {  	_ =	shalt  }
0x75: {  	_ =	shalt  }
0x76: {  	_ =	shalt  }
0x77: {  	_ =	shalt  }
0x78: {  	_ =	shalt  }
0x79: {  	_ =	shalt  }
0x7a: {  	_ =	shalt  }
0x7b: {  	_ =	shalt  }
0x7c: {  	_ =	shalt  }
0x7d: {  	_ =	shalt  }
0x7e: {  	_ =	shalt  }
0x7f: {  	_ =	shalt  }
0x80: {  	_ =	shalt  }
0x81: {  	_ =	shalt  }
0x82: {  	_ =	shalt  }
0x83: {  	_ =	shalt  }
0x84: {  	_ =	shalt  }
0x85: {  	_ =	shalt  }
0x86: {  	_ =	shalt  }
0x87: {  	_ =	shalt  }
.Lfunc_end0:
.L_simem_size_0:
called_computation_lowered:
.L_overlay_start_0:
0x88: {  	s2 =	sld [smem:$0x3FD9]  }
0x89: {  	s3 =	sld [smem:$0x3FFE];
	_ =	sdelay $0x1  }
0x8a: {  	s1 =	srdreg.scid  }
0x8b: {  	s0 =	sand.u32 $0x1, s1  }
0x8c: {  	s16 =	sshll.u32 s0, $0xA;
	s2 =	sadd.s32 s3, s2  }
0x8d: {  	s2 =	sadd.s32 s2, s16  }
0x8e: {  	[smem:$0x3FBC] =	sst s2  }
0x8f: {  	_ = 	snop  }
0x90: {  	(tm) =	ssettm $0x1  }
0x91: {  	s17 =	sld [smem:$0x3FFB];
	_ =	sdelay $0x3  }
0x92: {  	_ =	strace s17  }
0x93: {  	s2 =	sld [smem:$0x3FFC];
	_ =	sdelay $0x3  }
0x94: {  	_ =	strace s2  }
0x95: {  	s2 =	sld [smem:$0x3FFD];
	_ =	sdelay $0x3  }
0x96: {  	_ =	strace s2  }
0x97: {  	_ =	strace $0x8FFFFFFF  }
0x98: {  	s18 =	sld [smem:$0x3FDB];
	_ =	sdelay $0x1  }
0x99: {  	s19 =	simm.s32 $_scs_section_size  }
0x9a: {  	s4 =	simm.s32 $_size__tile_overlayer_lowered;
	s5 =	simm.s32 $_tile_overlayer_lowered  }
0x9b: {  	s22 =	simm.s32 $0x1BFF;
	s21 =	sshll.u32 s5, $0x1;
	s2 =	sadd.s32 s19, s18  }
0x9c: {  	s6 =	simm.s32 $0x0;
	s20 =	sshll.u32 s4, $0x1;
	s4 =	sadd.s32 s21, s2  }
0x9d: {  	[timem:s6], [sflag:s22] =	dma.local [hbm:s4], s20  }
0x9e: {  	_ =	swait.ge [sflag:s22], s20  }
0x9f: {  	s3 =	ssub.s32 $0x0, s20;
	[sflag:s22] =	ssyncset.done $0x0  }
0xa0: {  	[sflag:s22] =	ssyncadd.s32 s3;
	_ =	sdelay $0x1  }
0xa1: {  	s23 =	simm.s32 $0x1B8B  }
0xa2: {  	_ =	swait.ge [sflag:s23], $0x1  }
0xa3: {  	[sflag:s23] =	ssyncset.done $0x0  }
0xa4: {  	s25 =	simm.s32 $0x1B8E;
	s24 =	sld [smem:$0x3FFE];
	[sflag:s23] =	ssyncadd.s32 $0xFFFFFFFF  }
0xa5: {  	s26 =	simm.s32 $execute0_lowered;
	[smem:$0x3FD2] =	sst s25  }
0xa6: {  	s4 =	sshll.u32 s26, $0x1;
	_ =	strace $0x80000046;
	[dreg:$0x1] =	wrdreg $0xFFFFFFFF  }
0xa7: {  	s28 =	simm.s32 $_size_execute0_lowered;
	s2 =	sadd.s32 s2, s4;
	[dreg:$0x0] =	wrdreg $0x0  }
0xa8: {  	s4 =	sshll.u32 s28, $0x1;
	[dreg:$0x2] =	wrdreg s2  }
0xa9: {  	[dreg:$0x3] =	wrdreg s4  }
0xaa: {  	[dreg:$0x4] =	wrdreg $0xC0  }
0xab: {  	_ =	task [dreg:s6], $0x5FFFF  }
0xac: {  	[dreg:$0x1] =	wrdreg $0xFFFFFFFF  }
0xad: {  	[dreg:$0x0] =	wrdreg $0x60  }
0xae: {  	[dreg:$0x2] =	wrdreg s24  }
0xaf: {  	[dreg:$0x3] =	wrdreg $0x0  }
0xb0: {  	[dreg:$0x4] =	wrdreg $0x4E200  }
0xb1: {  	[dreg:$0x5] =	wrdreg $0x9  }
0xb2: {  	_ =	task.clear_ibuf [dreg:s6], $0x6FFFF;
	_ =	strace $0x90000046  }
0xb3: {  	s29 =	simm.s32 $0x9;
	_ =	strace $0x80000048  }
0xb4: {  	_ =	swait.ge [sflag:s29], $0x1  }
0xb5: {  	[sflag:s29] =	ssyncadd.s32 $0xFFFFFFFF  }
0xb6: {  	_ =	strace $0x90000048  }
0xb7: {  	_ =	sfence  }
0xb8: {  	s30 =	sld [smem:$0x0];
	_ =	sdelay $0x2  }
0xb9: {  	s31 =	sshll.u32 s1, $0xD;
	s1 =	sshrl.u32 s1, $0x2  }
0xba: {  	s3 =	sand.u32 $0x4000, s31;
	s1 =	sadd.s32 s1, s30  }
0xbb: {  	s0 =	sor.u32 s3, s0;
	s1 =	sshll.u32 s1, $0x11  }
0xbc: {  	s0 =	sor.u32 s1, s0  }
0xbd: {  	s0 =	sadd.s32 $0x8F2B, s0  }
0xbe: {  	[sflag:s0] =	ssyncadd.remote.s32 $0x1  }
0xbf: {  	_ =	sfence.sel $0xFFFF  }
0xc0: {  	[dreg:$0x0] =	wrdreg $0xFFFFFFFF;
	(pc) =	sbr.abs _section_cstart, $3  }
0xc1: {  	[dreg:$0x1] =	wrdreg $0xFFFFFFFF  }
0xc2: {  	_ =	task.clear_ibuf [dreg:s6], $0x2FFFF;
	_ =	strace $0x9FFFFFFF  }
0xc3: {  	(tm) =	ssettm $0x7FFFFFFF  }
tec
execute0_lowered:
.L_overlay_start_1:
0x0: {  	(tag) =	ssettag $0x1  }
0x1: {  	s0 =	rddreg [dreg:$0x0]  }
0x2: {  	s2 =	rddreg [dreg:$0x1]  }
0x3: {  	s3 =	rddreg [dreg:$0x2];
	s13 =	stileid.u32  }
0x4: {  	s1 =	srdreg.scid;
	s4 =	simm.s32 $0x0;
	s28 =	simm.s32 $0xFB40  }
0x5: {  	s30 =	simm.s32 $0x10B40;
	s29 =	simm.s32 $0x15B40;
	s31 =	simm.s32 $0x18B40  }
0x6: {  	s7 =	smul.u32 $0x4E20, s13;
	s1 =	sand.u32 $0x1, s1;
	[smem:$0x7FF] =	sst s4  }
0x7: {  	s8 =	sadd.s32 $0xB600, s0;
	s10 =	smul.u32 $0x13880, s13;
	s11 =	sshll.u32 s13, $0x1  }
0x8: {  	s25 =	sshll.u32 s13, $0x6;
	p2 =	sgt.u32 s13, $0x1;
	s5 =	smul.u32 $0x4E200, s1  }
0x9: {  	_ =	strace $0x80000047;
	s9 =	ssub.s32 $0x2, s1;
	s12 =	sor.u32 s1, s11  }
0xa: {  	p0 =	sne.s32 s1, $0x0;
	p1 =	seq.s32 s1, $0x0;
	s1 =	simm.s32 $0x16B40  }
0xb: {  	s6 =	sshrl.u32 s7, $0x3;
	s19 =	sshrl.u32 s9, $0x1;
	s10 =	sshrl.u32 s10, $0x2  }
0xc: {  	s11 =	smul.u32 $0x2700, s12;
	s22 =	sshll.u32 s12, $0x4;
	s12 =	simm.s32 $0x1  }
0xd: {  	s6 =	sadd.s32 s6, s0;
	s5 =	sadd.s32 s7, s5;
	s9 =	ssub.s32 s9, s19  }
0xe: {  	s10 =	sadd.s32 s10, s2;
	s19 =	sor.u32 $0x1C03, s25;
	s25 =	simm.s32 $0xEB40  }
0xf: {  	s5 =	sshrl.u32 s5, $0x3;
	s6 =	sadd.s32 $0x1800, s6;
	s14 =	sadd.s32 $0x1000, s10  }
0x10: {  	s20 =	sadd.s32 $0x2000, s10;
	s21 =	sadd.s32 $0x3000, s10;
	s11 =	sshrl.u32 s11, $0x3  }
0x11: {  	s10 =	sadd.s32 $0x4000, s10;
	s24 =	smax.u32 s9, $0x1;
	[dreg:$0x4] =	wrdreg s14  }
0x12: {  	s9 =	simm.s32 $0x13B40;
	s0 =	sadd.s32 s5, s0;
	[dreg:$0x5] =	wrdreg s20  }
0x13: {  	s5 =	sadd.s32 s7, s2;
	s7 =	sadd.s32 s7, s3;
	[dreg:$0x6] =	wrdreg s21  }
0x14: {  	[dreg:$0x7] =	wrdreg s10;
	s11 =	sadd.s32 s8, s11;
	s8 =	sadd.s32 s22, s8  }
0x15: {  	[dreg:$0xc] =	wrdreg s24;
	s21 =	simm.s32 $0x3;
	s23 =	sadd.s32 $0x9C40, s11  }
0x16: {  	s24 =	simm.s32 $0x80;
	s10 =	sadd.s32 $0x9C00, s8;
	[dreg:$0x8] =	wrdreg s23  }
0x17: {  	s14 =	simm.s32 $0x0;
	s8 =	sadd.s32 $0x13840, s8;
	[dreg:$0x9] =	wrdreg s10  }
0x18: {  	s20 =	simm.s32 $0x9C40;
	s0 =	sadd.s32 $0x1F000, s0;
	[dreg:$0xa] =	wrdreg s8  }
0x19: {  	s26 =	sshrl.u32 s7, $0x3;
	s7 =	simm.s32 $0x12B40;
	[dreg:$0xb] =	wrdreg s0  }
0x1a: {  	s8 =	sshll.u32 @!p0 s13, $0x6;
	[dreg:$0xf] =	wrdreg s26;
	s23 =	simm.s32 $0x14B40  }
0x1b: {  	s10 =	simm.s32 $0x17B40;
	s26 =	simm.s32 $0x19B40;
	s0 =	sor.u32 @!p0 $0x1C03, s8  }
0x1c: {  	s13 =	simm.s32 $0x2;
	[dreg:$0xd] =	wrdreg s0;
	s0 =	sshrl.u32 @!p0 s5, $0x3  }
0x1d: {  	v0 =	vimm.f32 $0.0e+00;
	s8 =	simm.s32 $0x1AB40;
	[dreg:$0xe] =	wrdreg s0;
	s0 =	simm.s32 $0x11B40  }
.LBB2_1:
0x1e: {  	s15 =	rddreg [dreg:$0xd]  }
0x1f: {  	s16 =	rddreg [dreg:$0xe]  }
0x20: {  	[spmem:s16], [sflag:s15] =	dma.local @!p0 [hbm:s6], $0x9C4  }
0x21: {  	s15 =	simm.s32 @!p0 $0x3  }
0x22: {  	_ =	swait.ge @!p0 [sflag:s15], $0x9C4  }
0x23: {  	[sflag:s15] =	ssyncset.done @!p0 $0x0  }
.Ltmp0:
0x24: {  	s22 =	rddreg [dreg:$0xf];
	[sflag:s15] =	ssyncadd.s32 @!p0 $0xFFFFF63C;
	(pc) =	sbr.rel @p1 .LBB2_5-.Ltmp0, $4  }
0x25: {  	[spmem:s22], [sflag:s19] =	dma.local [hbm:s6], $0x9C4  }
0x26: {  	_ =	swait.ge [sflag:s21], $0x9C4  }
0x27: {  	[sflag:s21] =	ssyncset.done $0x0  }
0x28: {  	[sflag:s21] =	ssyncadd.s32 $0xFFFFF63C  }
0x29: {  	s15 =	sand.u32 $0x3F80, s4  }
0x2a: {  	s16 =	sand.u32 $0x10, s4;
	s22 =	sshrl.u32 s15, $0x2  }
0x2b: {  	s15 =	simm.s32 $0x40;
	s16 =	sor.u32 s16, s22;
	s22 =	simm.s32 $0x0  }
.LBB2_3:
0x2c: {  	p3 =	sne.s32 s15, $0x3FC0  }
0x2d: {  	[tilespmem:s16+$0xEB40] =	vst v0;
	s22 =	sadd.s32 $0x10, s22;
	s16 =	smov.u32 s15;
	s15 =	sadd.s32 $0x40, s15  }
.Ltmp1:
0x2e: {  	(pc) =	sbr.rel @p3 .LBB2_3-.Ltmp1, $4  }
0x2f: {  	_ = 	snop  }
0x30: {  	s16 =	sand.u32 $0x3F80, s16  }
0x31: {  	s17 =	sand.u32 $0x10, s22;
	s16 =	sshrl.u32 s16, $0x2  }
0x32: {  	s16 =	sor.u32 s17, s16  }
0x33: {  	[tilespmem:s16+$0xEB40] =	vst v0  }
0x34: {  	[spmem:s5] =	stream.linear.scatter [tilespmem:s25], [sflag:$0x3], $0x1000, $0x38;
	[tilespmem:$0x1CB40] =	vst v63  }
0x35: {  	_ =	swait.ge [sflag:s21], $0x1000  }
0x36: {  	[sflag:s21] =	ssyncset.done $0x0  }
0x37: {  	s15 =	rddreg [dreg:$0x4];
	[sflag:s21] =	ssyncadd.s32 $0xFFFFF000  }
0x38: {  	[spmem:s15] =	stream.linear.scatter [tilespmem:s25], [sflag:$0x3], $0x1000, $0x38;
	[tilespmem:$0x1CB40] =	vst v63  }
0x39: {  	_ =	swait.ge [sflag:s21], $0x1000  }
0x3a: {  	[sflag:s21] =	ssyncset.done $0x0  }
0x3b: {  	s17 =	rddreg [dreg:$0x5];
	[sflag:s21] =	ssyncadd.s32 $0xFFFFF000  }
0x3c: {  	[spmem:s17] =	stream.linear.scatter [tilespmem:s25], [sflag:$0x3], $0x1000, $0x38;
	[tilespmem:$0x1CB40] =	vst v63  }
0x3d: {  	_ =	swait.ge [sflag:s21], $0x1000  }
0x3e: {  	[sflag:s21] =	ssyncset.done $0x0  }
0x3f: {  	s18 =	rddreg [dreg:$0x6];
	[sflag:s21] =	ssyncadd.s32 $0xFFFFF000  }
0x40: {  	[spmem:s18] =	stream.linear.scatter [tilespmem:s25], [sflag:$0x3], $0x1000, $0x38;
	[tilespmem:$0x1CB40] =	vst v63  }
0x41: {  	_ =	swait.ge [sflag:s21], $0x1000  }
0x42: {  	[sflag:s21] =	ssyncset.done $0x0  }
0x43: {  	s22 =	rddreg [dreg:$0x7];
	[sflag:s21] =	ssyncadd.s32 $0xFFFFF000  }
0x44: {  	[spmem:s22] =	stream.linear.scatter [tilespmem:s25], [sflag:$0x3], $0xE20, $0x38;
	[tilespmem:$0x1CB40] =	vst v63  }
0x45: {  	_ =	swait.ge [sflag:s21], $0xE20  }
0x46: {  	[sflag:s21] =	ssyncset.done $0x0  }
0x47: {  	[sflag:s21] =	ssyncadd.s32 $0xFFFFF1E0  }
.LBB2_5:
0x48: {  	[tilespmem:s20], [sflag:$0x3] =	stream.linear.gather [hbm4b:s11+s4], $0x2700, $0x38;
	[tilespmem:$0x1CB40] =	vst v63  }
0x49: {  	_ =	swait.ge [sflag:s21], $0x2700  }
0x4a: {  	[sflag:s21] =	ssyncset.done $0x0  }
0x4b: {  	s16 =	simm.s32 $0xC340;
	s15 =	rddreg [dreg:$0x8];
	[sflag:s21] =	ssyncadd.s32 $0xFFFFD900  }
0x4c: {  	[tilespmem:s16], [sflag:$0x3] =	stream.linear.gather [hbm4b:s15+s4], $0x2700, $0x38;
	[tilespmem:$0x1CB40] =	vst v63  }
0x4d: {  	_ =	swait.ge [sflag:s21], $0x2700  }
0x4e: {  	[sflag:s21] =	ssyncset.done $0x0  }
0x4f: {  	[sflag:s21] =	ssyncadd.s32 $0xFFFFD900  }
0x50: {  	[bflag:$0x0] =	sbarrier.arrive @p2 $0xFFFF  }
0x51: {  	s15 =	simm.s32 @!p2 $0x0;
	s16 =	simm.s32 @!p2 $0xEA40;
	s17 =	rddreg [dreg:$0x9]  }
0x52: {  	[tilespmem:s16], [sflag:$0x3] =	stream.linear.gather @!p2 [hbm4b:s17+s15], $0x80, $0x38;
	[tilespmem:$0x1CB40] =	vst v63  }
0x53: {  	s17 =	simm.s32 @!p2 $0x3  }
0x54: {  	_ =	swait.ge @!p2 [sflag:s17], $0x80  }
0x55: {  	[sflag:s17] =	ssyncset.done @!p2 $0x0  }
0x56: {  	s22 =	simm.s32 @!p2 $0xEAC0;
	s18 =	rddreg [dreg:$0xa];
	[sflag:s17] =	ssyncadd.s32 @!p2 $0xFFFFFF80  }
0x57: {  	[tilespmem:s22], [sflag:$0x3] =	stream.linear.gather @!p2 [hbm4b:s18+s15], $0x80, $0x38;
	[tilespmem:$0x1CB40] =	vst v63  }
0x58: {  	_ =	swait.ge @!p2 [sflag:s17], $0x80  }
0x59: {  	[sflag:s17] =	ssyncset.done @!p2 $0x0  }
0x5a: {  	[sflag:s17] =	ssyncadd.s32 @!p2 $0xFFFFFF80  }
0x5b: {  	s15 =	simm.s32 @!p2 $0x80;
	s18 =	simm.s32 @!p2 $0x1BB40;
	[bflag:$0x0] =	sbarrier.arrive @!p2 $0xFFFF  }
0x5c: {  	[tilespmem:s18], [sflag:$0x1] =	stream.indirect.gather @!p2 [spmem:s3], $0x20, s16, s15, $0xb8;
	[tilespmem:$0x1CB40] =	vst v63  }
0x5d: {  	s16 =	simm.s32 @!p2 $0x1  }
0x5e: {  	_ =	swait.ge @!p2 [sflag:s16], $0x1000  }
0x5f: {  	[sflag:s16] =	ssyncset.done @!p2 $0x0  }
0x60: {  	[sflag:s16] =	ssyncadd.s32 @!p2 $0xFFFFF000  }
0x61: {  	[spmem:s2] =	stream.indirect.scatter.add.f32 @!p2 [tilespmem:s18], [sflag:$0x3], $0x20, s22, s15, $0xb8;
	[tilespmem:$0x1CB40] =	vst v63  }
0x62: {  	_ =	swait.ge @!p2 [sflag:s17], $0x1000  }
0x63: {  	[sflag:s17] =	ssyncset.done @!p2 $0x0  }
0x64: {  	[sflag:s17] =	ssyncadd.s32 @!p2 $0xFFFFF000  }
0x65: {  	[tilespmem:s25], [sflag:$0x1] =	stream.indirect.gather [spmem:s3], $0x20, s20, s24, $0xb8;
	[tilespmem:$0x1CB40] =	vst v63  }
0x66: {  	s22 =	simm.s32 $0x9CC0  }
0x67: {  	[tilespmem:s28], [sflag:$0x1] =	stream.indirect.gather [spmem:s3], $0x20, s22, s24, $0xb8;
	[tilespmem:$0x1CB40] =	vst v63  }
0x68: {  	s16 =	simm.s32 $0x9D40  }
0x69: {  	[tilespmem:s30], [sflag:$0x1] =	stream.indirect.gather [spmem:s3], $0x20, s16, s24, $0xb8;
	[tilespmem:$0x1CB40] =	vst v63  }
0x6a: {  	s17 =	simm.s32 $0x9DC0  }
0x6b: {  	[tilespmem:s0], [sflag:$0x1] =	stream.indirect.gather [spmem:s3], $0x20, s17, s24, $0xb8;
	[tilespmem:$0x1CB40] =	vst v63  }
0x6c: {  	s18 =	simm.s32 $0x9E40  }
0x6d: {  	[tilespmem:s7], [sflag:$0x1] =	stream.indirect.gather [spmem:s3], $0x20, s18, s24, $0xb8;
	[tilespmem:$0x1CB40] =	vst v63  }
0x6e: {  	s22 =	simm.s32 $0x9EC0  }
0x6f: {  	[tilespmem:s9], [sflag:$0x1] =	stream.indirect.gather [spmem:s3], $0x20, s22, s24, $0xb8;
	[tilespmem:$0x1CB40] =	vst v63  }
0x70: {  	s16 =	simm.s32 $0x9F40  }
0x71: {  	[tilespmem:s23], [sflag:$0x1] =	stream.indirect.gather [spmem:s3], $0x20, s16, s24, $0xb8;
	[tilespmem:$0x1CB40] =	vst v63  }
0x72: {  	s17 =	simm.s32 $0x9FC0  }
0x73: {  	[tilespmem:s29], [sflag:$0x1] =	stream.indirect.gather [spmem:s3], $0x20, s17, s24, $0xb8;
	[tilespmem:$0x1CB40] =	vst v63  }
0x74: {  	s18 =	simm.s32 $0xA040  }
0x75: {  	[tilespmem:s1], [sflag:$0x1] =	stream.indirect.gather [spmem:s3], $0x20, s18, s24, $0xb8;
	[tilespmem:$0x1CB40] =	vst v63  }
0x76: {  	s22 =	simm.s32 $0xA0C0  }
0x77: {  	[tilespmem:s10], [sflag:$0x1] =	stream.indirect.gather [spmem:s3], $0x20, s22, s24, $0xb8;
	[tilespmem:$0x1CB40] =	vst v63  }
0x78: {  	s16 =	simm.s32 $0xA140  }
0x79: {  	[tilespmem:s31], [sflag:$0x1] =	stream.indirect.gather [spmem:s3], $0x20, s16, s24, $0xb8;
	[tilespmem:$0x1CB40] =	vst v63  }
0x7a: {  	s17 =	simm.s32 $0xA1C0  }
0x7b: {  	[tilespmem:s26], [sflag:$0x1] =	stream.indirect.gather [spmem:s3], $0x20, s17, s24, $0xb8;
	[tilespmem:$0x1CB40] =	vst v63  }
0x7c: {  	s18 =	simm.s32 $0xA240  }
0x7d: {  	[tilespmem:s8], [sflag:$0x1] =	stream.indirect.gather [spmem:s3], $0x20, s18, s24, $0xb8;
	[tilespmem:$0x1CB40] =	vst v63  }
0x7e: {  	_ =	swait.ge [sflag:s12], $0x1000  }
0x7f: {  	[sflag:s12] =	ssyncset.done $0x0  }
0x80: {  	s22 =	simm.s32 $0xC340;
	[sflag:s12] =	ssyncadd.s32 $0xFFFFF000  }
0x81: {  	[spmem:s2] =	stream.indirect.scatter.add.f32 [tilespmem:s25], [sflag:$0x2], $0x20, s22, s24, $0xb8;
	[tilespmem:$0x1CB40] =	vst v63  }
0x82: {  	_ =	swait.ge [sflag:s12], $0x1000  }
0x83: {  	[sflag:s12] =	ssyncset.done $0x0  }
0x84: {  	s16 =	simm.s32 $0xC3C0;
	[sflag:s12] =	ssyncadd.s32 $0xFFFFF000  }
0x85: {  	[spmem:s2] =	stream.indirect.scatter.add.f32 [tilespmem:s28], [sflag:$0x2], $0x20, s16, s24, $0xb8;
	[tilespmem:$0x1CB40] =	vst v63  }
0x86: {  	_ =	swait.ge [sflag:s12], $0x1000  }
0x87: {  	[sflag:s12] =	ssyncset.done $0x0  }
0x88: {  	s17 =	simm.s32 $0xC440;
	[sflag:s12] =	ssyncadd.s32 $0xFFFFF000  }
0x89: {  	[spmem:s2] =	stream.indirect.scatter.add.f32 [tilespmem:s30], [sflag:$0x2], $0x20, s17, s24, $0xb8;
	[tilespmem:$0x1CB40] =	vst v63  }
0x8a: {  	_ =	swait.ge [sflag:s12], $0x1000  }
0x8b: {  	[sflag:s12] =	ssyncset.done $0x0  }
0x8c: {  	s18 =	simm.s32 $0xC4C0;
	[sflag:s12] =	ssyncadd.s32 $0xFFFFF000  }
0x8d: {  	[spmem:s2] =	stream.indirect.scatter.add.f32 [tilespmem:s0], [sflag:$0x2], $0x20, s18, s24, $0xb8;
	[tilespmem:$0x1CB40] =	vst v63  }
0x8e: {  	_ =	swait.ge [sflag:s12], $0x1000  }
0x8f: {  	[sflag:s12] =	ssyncset.done $0x0  }
0x90: {  	s22 =	simm.s32 $0xC540;
	[sflag:s12] =	ssyncadd.s32 $0xFFFFF000  }
0x91: {  	[spmem:s2] =	stream.indirect.scatter.add.f32 [tilespmem:s7], [sflag:$0x2], $0x20, s22, s24, $0xb8;
	[tilespmem:$0x1CB40] =	vst v63  }
0x92: {  	_ =	swait.ge [sflag:s12], $0x1000  }
0x93: {  	[sflag:s12] =	ssyncset.done $0x0  }
0x94: {  	s16 =	simm.s32 $0xC5C0;
	[sflag:s12] =	ssyncadd.s32 $0xFFFFF000  }
0x95: {  	[spmem:s2] =	stream.indirect.scatter.add.f32 [tilespmem:s9], [sflag:$0x2], $0x20, s16, s24, $0xb8;
	[tilespmem:$0x1CB40] =	vst v63  }
0x96: {  	_ =	swait.ge [sflag:s12], $0x1000  }
0x97: {  	[sflag:s12] =	ssyncset.done $0x0  }
0x98: {  	s17 =	simm.s32 $0xC640;
	[sflag:s12] =	ssyncadd.s32 $0xFFFFF000  }
0x99: {  	[spmem:s2] =	stream.indirect.scatter.add.f32 [tilespmem:s23], [sflag:$0x2], $0x20, s17, s24, $0xb8;
	[tilespmem:$0x1CB40] =	vst v63  }
0x9a: {  	_ =	swait.ge [sflag:s12], $0x1000  }
0x9b: {  	[sflag:s12] =	ssyncset.done $0x0  }
0x9c: {  	s18 =	simm.s32 $0xC6C0;
	[sflag:s12] =	ssyncadd.s32 $0xFFFFF000  }
0x9d: {  	[spmem:s2] =	stream.indirect.scatter.add.f32 [tilespmem:s29], [sflag:$0x2], $0x20, s18, s24, $0xb8;
	[tilespmem:$0x1CB40] =	vst v63  }
0x9e: {  	_ =	swait.ge [sflag:s12], $0x1000  }
0x9f: {  	[sflag:s12] =	ssyncset.done $0x0  }
0xa0: {  	s22 =	simm.s32 $0xC740;
	[sflag:s12] =	ssyncadd.s32 $0xFFFFF000  }
0xa1: {  	[spmem:s2] =	stream.indirect.scatter.add.f32 [tilespmem:s1], [sflag:$0x2], $0x20, s22, s24, $0xb8;
	[tilespmem:$0x1CB40] =	vst v63  }
0xa2: {  	_ =	swait.ge [sflag:s12], $0x1000  }
0xa3: {  	[sflag:s12] =	ssyncset.done $0x0  }
0xa4: {  	s16 =	simm.s32 $0xC7C0;
	[sflag:s12] =	ssyncadd.s32 $0xFFFFF000  }
0xa5: {  	[spmem:s2] =	stream.indirect.scatter.add.f32 [tilespmem:s10], [sflag:$0x2], $0x20, s16, s24, $0xb8;
	[tilespmem:$0x1CB40] =	vst v63  }
0xa6: {  	_ =	swait.ge [sflag:s12], $0x1000  }
0xa7: {  	[sflag:s12] =	ssyncset.done $0x0  }
0xa8: {  	s17 =	simm.s32 $0xC840;
	[sflag:s12] =	ssyncadd.s32 $0xFFFFF000  }
0xa9: {  	[spmem:s2] =	stream.indirect.scatter.add.f32 [tilespmem:s31], [sflag:$0x2], $0x20, s17, s24, $0xb8;
	[tilespmem:$0x1CB40] =	vst v63  }
0xaa: {  	_ =	swait.ge [sflag:s12], $0x1000  }
0xab: {  	[sflag:s12] =	ssyncset.done $0x0  }
0xac: {  	s18 =	simm.s32 $0xC8C0;
	[sflag:s12] =	ssyncadd.s32 $0xFFFFF000  }
0xad: {  	[spmem:s2] =	stream.indirect.scatter.add.f32 [tilespmem:s26], [sflag:$0x2], $0x20, s18, s24, $0xb8;
	[tilespmem:$0x1CB40] =	vst v63  }
0xae: {  	_ =	swait.ge [sflag:s12], $0x1000  }
0xaf: {  	[sflag:s12] =	ssyncset.done $0x0  }
0xb0: {  	s22 =	simm.s32 $0xC940;
	[sflag:s12] =	ssyncadd.s32 $0xFFFFF000  }
0xb1: {  	[spmem:s2] =	stream.indirect.scatter.add.f32 [tilespmem:s8], [sflag:$0x2], $0x20, s22, s24, $0xb8;
	[tilespmem:$0x1CB40] =	vst v63  }
0xb2: {  	_ =	swait.ge [sflag:s13], $0x1000  }
0xb3: {  	[sflag:s13] =	ssyncset.done $0x0  }
0xb4: {  	s16 =	simm.s32 $0xA2C0;
	[sflag:s13] =	ssyncadd.s32 $0xFFFFF000  }
0xb5: {  	[tilespmem:s25], [sflag:$0x1] =	stream.indirect.gather [spmem:s3], $0x20, s16, s24, $0xb8;
	[tilespmem:$0x1CB40] =	vst v63  }
0xb6: {  	_ =	swait.ge [sflag:s13], $0x1000  }
0xb7: {  	[sflag:s13] =	ssyncset.done $0x0  }
0xb8: {  	s17 =	simm.s32 $0xA340;
	[sflag:s13] =	ssyncadd.s32 $0xFFFFF000  }
0xb9: {  	[tilespmem:s28], [sflag:$0x1] =	stream.indirect.gather [spmem:s3], $0x20, s17, s24, $0xb8;
	[tilespmem:$0x1CB40] =	vst v63  }
0xba: {  	_ =	swait.ge [sflag:s13], $0x1000  }
0xbb: {  	[sflag:s13] =	ssyncset.done $0x0  }
0xbc: {  	s18 =	simm.s32 $0xA3C0;
	[sflag:s13] =	ssyncadd.s32 $0xFFFFF000  }
0xbd: {  	[tilespmem:s30], [sflag:$0x1] =	stream.indirect.gather [spmem:s3], $0x20, s18, s24, $0xb8;
	[tilespmem:$0x1CB40] =	vst v63  }
0xbe: {  	_ =	swait.ge [sflag:s13], $0x1000  }
0xbf: {  	[sflag:s13] =	ssyncset.done $0x0  }
0xc0: {  	s22 =	simm.s32 $0xA440;
	[sflag:s13] =	ssyncadd.s32 $0xFFFFF000  }
0xc1: {  	[tilespmem:s0], [sflag:$0x1] =	stream.indirect.gather [spmem:s3], $0x20, s22, s24, $0xb8;
	[tilespmem:$0x1CB40] =	vst v63  }
0xc2: {  	_ =	swait.ge [sflag:s13], $0x1000  }
0xc3: {  	[sflag:s13] =	ssyncset.done $0x0  }
0xc4: {  	s16 =	simm.s32 $0xA4C0;
	[sflag:s13] =	ssyncadd.s32 $0xFFFFF000  }
0xc5: {  	[tilespmem:s7], [sflag:$0x1] =	stream.indirect.gather [spmem:s3], $0x20, s16, s24, $0xb8;
	[tilespmem:$0x1CB40] =	vst v63  }
0xc6: {  	_ =	swait.ge [sflag:s13], $0x1000  }
0xc7: {  	[sflag:s13] =	ssyncset.done $0x0  }
0xc8: {  	s17 =	simm.s32 $0xA540;
	[sflag:s13] =	ssyncadd.s32 $0xFFFFF000  }
0xc9: {  	[tilespmem:s9], [sflag:$0x1] =	stream.indirect.gather [spmem:s3], $0x20, s17, s24, $0xb8;
	[tilespmem:$0x1CB40] =	vst v63  }
0xca: {  	_ =	swait.ge [sflag:s13], $0x1000  }
0xcb: {  	[sflag:s13] =	ssyncset.done $0x0  }
0xcc: {  	s18 =	simm.s32 $0xA5C0;
	[sflag:s13] =	ssyncadd.s32 $0xFFFFF000  }
0xcd: {  	[tilespmem:s23], [sflag:$0x1] =	stream.indirect.gather [spmem:s3], $0x20, s18, s24, $0xb8;
	[tilespmem:$0x1CB40] =	vst v63  }
0xce: {  	_ =	swait.ge [sflag:s13], $0x1000  }
0xcf: {  	[sflag:s13] =	ssyncset.done $0x0  }
0xd0: {  	s22 =	simm.s32 $0xA640;
	[sflag:s13] =	ssyncadd.s32 $0xFFFFF000  }
0xd1: {  	[tilespmem:s29], [sflag:$0x1] =	stream.indirect.gather [spmem:s3], $0x20, s22, s24, $0xb8;
	[tilespmem:$0x1CB40] =	vst v63  }
0xd2: {  	_ =	swait.ge [sflag:s13], $0x1000  }
0xd3: {  	[sflag:s13] =	ssyncset.done $0x0  }
0xd4: {  	s16 =	simm.s32 $0xA6C0;
	[sflag:s13] =	ssyncadd.s32 $0xFFFFF000  }
0xd5: {  	[tilespmem:s1], [sflag:$0x1] =	stream.indirect.gather [spmem:s3], $0x20, s16, s24, $0xb8;
	[tilespmem:$0x1CB40] =	vst v63  }
0xd6: {  	_ =	swait.ge [sflag:s13], $0x1000  }
0xd7: {  	[sflag:s13] =	ssyncset.done $0x0  }
0xd8: {  	s17 =	simm.s32 $0xA740;
	[sflag:s13] =	ssyncadd.s32 $0xFFFFF000  }
0xd9: {  	[tilespmem:s10], [sflag:$0x1] =	stream.indirect.gather [spmem:s3], $0x20, s17, s24, $0xb8;
	[tilespmem:$0x1CB40] =	vst v63  }
0xda: {  	_ =	swait.ge [sflag:s13], $0x1000  }
0xdb: {  	[sflag:s13] =	ssyncset.done $0x0  }
0xdc: {  	s18 =	simm.s32 $0xA7C0;
	[sflag:s13] =	ssyncadd.s32 $0xFFFFF000  }
0xdd: {  	[tilespmem:s31], [sflag:$0x1] =	stream.indirect.gather [spmem:s3], $0x20, s18, s24, $0xb8;
	[tilespmem:$0x1CB40] =	vst v63  }
0xde: {  	_ =	swait.ge [sflag:s13], $0x1000  }
0xdf: {  	[sflag:s13] =	ssyncset.done $0x0  }
0xe0: {  	s22 =	simm.s32 $0xA840;
	[sflag:s13] =	ssyncadd.s32 $0xFFFFF000  }
0xe1: {  	[tilespmem:s26], [sflag:$0x1] =	stream.indirect.gather [spmem:s3], $0x20, s22, s24, $0xb8;
	[tilespmem:$0x1CB40] =	vst v63  }
0xe2: {  	_ =	swait.ge [sflag:s13], $0x1000  }
0xe3: {  	[sflag:s13] =	ssyncset.done $0x0  }
0xe4: {  	s15 =	simm.s32 $0x1A00;
	s16 =	simm.s32 $0xA8C0;
	[sflag:s13] =	ssyncadd.s32 $0xFFFFF000  }
.LBB2_6:
0xe5: {  	[tilespmem:s8], [sflag:$0x1] =	stream.indirect.gather [spmem:s3], $0x20, s16, s24, $0xb8;
	[tilespmem:$0x1CB40] =	vst v63  }
0xe6: {  	s16 =	smov.u32 s15  }
0xe7: {  	p3 =	sne.s32 s15, $0x6800;
	s15 =	sadd.s32 $0x1A00, s15;
	_ =	swait.ge [sflag:s12], $0x1000  }
0xe8: {  	s22 =	sshra.s32 s16, $0x2;
	[sflag:s12] =	ssyncset.done $0x0  }
0xe9: {  	s16 =	sadd.s32 $0xC340, s22;
	[sflag:s12] =	ssyncadd.s32 $0xFFFFF000  }
0xea: {  	[spmem:s2] =	stream.indirect.scatter.add.f32 [tilespmem:s25], [sflag:$0x2], $0x20, s16, s24, $0xb8;
	[tilespmem:$0x1CB40] =	vst v63  }
0xeb: {  	_ =	swait.ge [sflag:s12], $0x1000  }
0xec: {  	[sflag:s12] =	ssyncset.done $0x0  }
0xed: {  	s16 =	sadd.s32 $0xC3C0, s22;
	[sflag:s12] =	ssyncadd.s32 $0xFFFFF000  }
0xee: {  	[spmem:s2] =	stream.indirect.scatter.add.f32 [tilespmem:s28], [sflag:$0x2], $0x20, s16, s24, $0xb8;
	[tilespmem:$0x1CB40] =	vst v63  }
0xef: {  	_ =	swait.ge [sflag:s12], $0x1000  }
0xf0: {  	[sflag:s12] =	ssyncset.done $0x0  }
0xf1: {  	s16 =	sadd.s32 $0xC440, s22;
	[sflag:s12] =	ssyncadd.s32 $0xFFFFF000  }
0xf2: {  	[spmem:s2] =	stream.indirect.scatter.add.f32 [tilespmem:s30], [sflag:$0x2], $0x20, s16, s24, $0xb8;
	[tilespmem:$0x1CB40] =	vst v63  }
0xf3: {  	_ =	swait.ge [sflag:s12], $0x1000  }
0xf4: {  	[sflag:s12] =	ssyncset.done $0x0  }
0xf5: {  	s16 =	sadd.s32 $0xC4C0, s22;
	[sflag:s12] =	ssyncadd.s32 $0xFFFFF000  }
0xf6: {  	[spmem:s2] =	stream.indirect.scatter.add.f32 [tilespmem:s0], [sflag:$0x2], $0x20, s16, s24, $0xb8;
	[tilespmem:$0x1CB40] =	vst v63  }
0xf7: {  	_ =	swait.ge [sflag:s12], $0x1000  }
0xf8: {  	[sflag:s12] =	ssyncset.done $0x0  }
0xf9: {  	s16 =	sadd.s32 $0xC540, s22;
	[sflag:s12] =	ssyncadd.s32 $0xFFFFF000  }
0xfa: {  	[spmem:s2] =	stream.indirect.scatter.add.f32 [tilespmem:s7], [sflag:$0x2], $0x20, s16, s24, $0xb8;
	[tilespmem:$0x1CB40] =	vst v63  }
0xfb: {  	_ =	swait.ge [sflag:s12], $0x1000  }
0xfc: {  	[sflag:s12] =	ssyncset.done $0x0  }
0xfd: {  	s16 =	sadd.s32 $0xC5C0, s22;
	[sflag:s12] =	ssyncadd.s32 $0xFFFFF000  }
0xfe: {  	[spmem:s2] =	stream.indirect.scatter.add.f32 [tilespmem:s9], [sflag:$0x2], $0x20, s16, s24, $0xb8;
	[tilespmem:$0x1CB40] =	vst v63  }
0xff: {  	_ =	swait.ge [sflag:s12], $0x1000  }
0x100: {  	[sflag:s12] =	ssyncset.done $0x0  }
0x101: {  	s16 =	sadd.s32 $0xC640, s22;
	[sflag:s12] =	ssyncadd.s32 $0xFFFFF000  }
0x102: {  	[spmem:s2] =	stream.indirect.scatter.add.f32 [tilespmem:s23], [sflag:$0x2], $0x20, s16, s24, $0xb8;
	[tilespmem:$0x1CB40] =	vst v63  }
0x103: {  	_ =	swait.ge [sflag:s12], $0x1000  }
0x104: {  	[sflag:s12] =	ssyncset.done $0x0  }
0x105: {  	s16 =	sadd.s32 $0xC6C0, s22;
	[sflag:s12] =	ssyncadd.s32 $0xFFFFF000  }
0x106: {  	[spmem:s2] =	stream.indirect.scatter.add.f32 [tilespmem:s29], [sflag:$0x2], $0x20, s16, s24, $0xb8;
	[tilespmem:$0x1CB40] =	vst v63  }
0x107: {  	_ =	swait.ge [sflag:s12], $0x1000  }
0x108: {  	[sflag:s12] =	ssyncset.done $0x0  }
0x109: {  	s16 =	sadd.s32 $0xC740, s22;
	[sflag:s12] =	ssyncadd.s32 $0xFFFFF000  }
0x10a: {  	[spmem:s2] =	stream.indirect.scatter.add.f32 [tilespmem:s1], [sflag:$0x2], $0x20, s16, s24, $0xb8;
	[tilespmem:$0x1CB40] =	vst v63  }
0x10b: {  	_ =	swait.ge [sflag:s12], $0x1000  }
0x10c: {  	[sflag:s12] =	ssyncset.done $0x0  }
0x10d: {  	s16 =	sadd.s32 $0xC7C0, s22;
	[sflag:s12] =	ssyncadd.s32 $0xFFFFF000  }
0x10e: {  	[spmem:s2] =	stream.indirect.scatter.add.f32 [tilespmem:s10], [sflag:$0x2], $0x20, s16, s24, $0xb8;
	[tilespmem:$0x1CB40] =	vst v63  }
0x10f: {  	_ =	swait.ge [sflag:s12], $0x1000  }
0x110: {  	[sflag:s12] =	ssyncset.done $0x0  }
0x111: {  	s16 =	sadd.s32 $0xC840, s22;
	[sflag:s12] =	ssyncadd.s32 $0xFFFFF000  }
0x112: {  	[spmem:s2] =	stream.indirect.scatter.add.f32 [tilespmem:s31], [sflag:$0x2], $0x20, s16, s24, $0xb8;
	[tilespmem:$0x1CB40] =	vst v63  }
0x113: {  	_ =	swait.ge [sflag:s12], $0x1000  }
0x114: {  	[sflag:s12] =	ssyncset.done $0x0  }
0x115: {  	s16 =	sadd.s32 $0xC8C0, s22;
	[sflag:s12] =	ssyncadd.s32 $0xFFFFF000  }
0x116: {  	[spmem:s2] =	stream.indirect.scatter.add.f32 [tilespmem:s26], [sflag:$0x2], $0x20, s16, s24, $0xb8;
	[tilespmem:$0x1CB40] =	vst v63  }
0x117: {  	_ =	swait.ge [sflag:s12], $0x1000  }
0x118: {  	[sflag:s12] =	ssyncset.done $0x0  }
0x119: {  	s16 =	sadd.s32 $0xC940, s22;
	[sflag:s12] =	ssyncadd.s32 $0xFFFFF000  }
0x11a: {  	[spmem:s2] =	stream.indirect.scatter.add.f32 [tilespmem:s8], [sflag:$0x2], $0x20, s16, s24, $0xb8;
	[tilespmem:$0x1CB40] =	vst v63  }
0x11b: {  	_ =	swait.ge [sflag:s13], $0x1000  }
0x11c: {  	[sflag:s13] =	ssyncset.done $0x0  }
0x11d: {  	s16 =	sadd.s32 $0xA2C0, s22;
	[sflag:s13] =	ssyncadd.s32 $0xFFFFF000  }
0x11e: {  	[tilespmem:s25], [sflag:$0x1] =	stream.indirect.gather [spmem:s3], $0x20, s16, s24, $0xb8;
	[tilespmem:$0x1CB40] =	vst v63  }
0x11f: {  	_ =	swait.ge [sflag:s13], $0x1000  }
0x120: {  	[sflag:s13] =	ssyncset.done $0x0  }
0x121: {  	s16 =	sadd.s32 $0xA340, s22;
	[sflag:s13] =	ssyncadd.s32 $0xFFFFF000  }
0x122: {  	[tilespmem:s28], [sflag:$0x1] =	stream.indirect.gather [spmem:s3], $0x20, s16, s24, $0xb8;
	[tilespmem:$0x1CB40] =	vst v63  }
0x123: {  	_ =	swait.ge [sflag:s13], $0x1000  }
0x124: {  	[sflag:s13] =	ssyncset.done $0x0  }
0x125: {  	s16 =	sadd.s32 $0xA3C0, s22;
	[sflag:s13] =	ssyncadd.s32 $0xFFFFF000  }
0x126: {  	[tilespmem:s30], [sflag:$0x1] =	stream.indirect.gather [spmem:s3], $0x20, s16, s24, $0xb8;
	[tilespmem:$0x1CB40] =	vst v63  }
0x127: {  	_ =	swait.ge [sflag:s13], $0x1000  }
0x128: {  	[sflag:s13] =	ssyncset.done $0x0  }
0x129: {  	s16 =	sadd.s32 $0xA440, s22;
	[sflag:s13] =	ssyncadd.s32 $0xFFFFF000  }
0x12a: {  	[tilespmem:s0], [sflag:$0x1] =	stream.indirect.gather [spmem:s3], $0x20, s16, s24, $0xb8;
	[tilespmem:$0x1CB40] =	vst v63  }
0x12b: {  	_ =	swait.ge [sflag:s13], $0x1000  }
0x12c: {  	[sflag:s13] =	ssyncset.done $0x0  }
0x12d: {  	s16 =	sadd.s32 $0xA4C0, s22;
	[sflag:s13] =	ssyncadd.s32 $0xFFFFF000  }
0x12e: {  	[tilespmem:s7], [sflag:$0x1] =	stream.indirect.gather [spmem:s3], $0x20, s16, s24, $0xb8;
	[tilespmem:$0x1CB40] =	vst v63  }
0x12f: {  	_ =	swait.ge [sflag:s13], $0x1000  }
0x130: {  	[sflag:s13] =	ssyncset.done $0x0  }
0x131: {  	s16 =	sadd.s32 $0xA540, s22;
	[sflag:s13] =	ssyncadd.s32 $0xFFFFF000  }
0x132: {  	[tilespmem:s9], [sflag:$0x1] =	stream.indirect.gather [spmem:s3], $0x20, s16, s24, $0xb8;
	[tilespmem:$0x1CB40] =	vst v63  }
0x133: {  	_ =	swait.ge [sflag:s13], $0x1000  }
0x134: {  	[sflag:s13] =	ssyncset.done $0x0  }
0x135: {  	s16 =	sadd.s32 $0xA5C0, s22;
	[sflag:s13] =	ssyncadd.s32 $0xFFFFF000  }
0x136: {  	[tilespmem:s23], [sflag:$0x1] =	stream.indirect.gather [spmem:s3], $0x20, s16, s24, $0xb8;
	[tilespmem:$0x1CB40] =	vst v63  }
0x137: {  	_ =	swait.ge [sflag:s13], $0x1000  }
0x138: {  	[sflag:s13] =	ssyncset.done $0x0  }
0x139: {  	s16 =	sadd.s32 $0xA640, s22;
	[sflag:s13] =	ssyncadd.s32 $0xFFFFF000  }
0x13a: {  	[tilespmem:s29], [sflag:$0x1] =	stream.indirect.gather [spmem:s3], $0x20, s16, s24, $0xb8;
	[tilespmem:$0x1CB40] =	vst v63  }
0x13b: {  	_ =	swait.ge [sflag:s13], $0x1000  }
0x13c: {  	[sflag:s13] =	ssyncset.done $0x0  }
0x13d: {  	s16 =	sadd.s32 $0xA6C0, s22;
	[sflag:s13] =	ssyncadd.s32 $0xFFFFF000  }
0x13e: {  	[tilespmem:s1], [sflag:$0x1] =	stream.indirect.gather [spmem:s3], $0x20, s16, s24, $0xb8;
	[tilespmem:$0x1CB40] =	vst v63  }
0x13f: {  	_ =	swait.ge [sflag:s13], $0x1000  }
0x140: {  	[sflag:s13] =	ssyncset.done $0x0  }
0x141: {  	s16 =	sadd.s32 $0xA740, s22;
	[sflag:s13] =	ssyncadd.s32 $0xFFFFF000  }
0x142: {  	[tilespmem:s10], [sflag:$0x1] =	stream.indirect.gather [spmem:s3], $0x20, s16, s24, $0xb8;
	[tilespmem:$0x1CB40] =	vst v63  }
0x143: {  	_ =	swait.ge [sflag:s13], $0x1000  }
0x144: {  	[sflag:s13] =	ssyncset.done $0x0  }
0x145: {  	s16 =	sadd.s32 $0xA7C0, s22;
	[sflag:s13] =	ssyncadd.s32 $0xFFFFF000  }
0x146: {  	[tilespmem:s31], [sflag:$0x1] =	stream.indirect.gather [spmem:s3], $0x20, s16, s24, $0xb8;
	[tilespmem:$0x1CB40] =	vst v63  }
0x147: {  	_ =	swait.ge [sflag:s13], $0x1000  }
0x148: {  	[sflag:s13] =	ssyncset.done $0x0  }
.Ltmp2:
0x149: {  	s16 =	sadd.s32 $0xA840, s22;
	[sflag:s13] =	ssyncadd.s32 $0xFFFFF000;
	(pc) =	sbr.rel @p3 .LBB2_6-.Ltmp2, $4  }
0x14a: {  	[tilespmem:s26], [sflag:$0x1] =	stream.indirect.gather [spmem:s3], $0x20, s16, s24, $0xb8;
	[tilespmem:$0x1CB40] =	vst v63  }
0x14b: {  	_ =	swait.ge [sflag:s13], $0x1000  }
0x14c: {  	[sflag:s13] =	ssyncset.done $0x0  }
0x14d: {  	s16 =	sadd.s32 $0xA8C0, s22;
	[sflag:s13] =	ssyncadd.s32 $0xFFFFF000  }
0x14e: {  	[tilespmem:s8], [sflag:$0x1] =	stream.indirect.gather [spmem:s3], $0x20, s16, s24, $0xb8;
	[tilespmem:$0x1CB40] =	vst v63  }
0x14f: {  	_ =	swait.ge [sflag:s12], $0x1000  }
0x150: {  	[sflag:s12] =	ssyncset.done $0x0  }
0x151: {  	s15 =	simm.s32 $0xE3C0;
	[sflag:s12] =	ssyncadd.s32 $0xFFFFF000  }
0x152: {  	[spmem:s2] =	stream.indirect.scatter.add.f32 [tilespmem:s25], [sflag:$0x2], $0x20, s15, s24, $0xb8;
	[tilespmem:$0x1CB40] =	vst v63  }
0x153: {  	_ =	swait.ge [sflag:s12], $0x1000  }
0x154: {  	[sflag:s12] =	ssyncset.done $0x0  }
0x155: {  	s17 =	simm.s32 $0xE440;
	[sflag:s12] =	ssyncadd.s32 $0xFFFFF000  }
0x156: {  	[spmem:s2] =	stream.indirect.scatter.add.f32 [tilespmem:s28], [sflag:$0x2], $0x20, s17, s24, $0xb8;
	[tilespmem:$0x1CB40] =	vst v63  }
0x157: {  	_ =	swait.ge [sflag:s12], $0x1000  }
0x158: {  	[sflag:s12] =	ssyncset.done $0x0  }
0x159: {  	s18 =	simm.s32 $0xE4C0;
	[sflag:s12] =	ssyncadd.s32 $0xFFFFF000  }
0x15a: {  	[spmem:s2] =	stream.indirect.scatter.add.f32 [tilespmem:s30], [sflag:$0x2], $0x20, s18, s24, $0xb8;
	[tilespmem:$0x1CB40] =	vst v63  }
0x15b: {  	_ =	swait.ge [sflag:s12], $0x1000  }
0x15c: {  	[sflag:s12] =	ssyncset.done $0x0  }
0x15d: {  	s22 =	simm.s32 $0xE540;
	[sflag:s12] =	ssyncadd.s32 $0xFFFFF000  }
0x15e: {  	[spmem:s2] =	stream.indirect.scatter.add.f32 [tilespmem:s0], [sflag:$0x2], $0x20, s22, s24, $0xb8;
	[tilespmem:$0x1CB40] =	vst v63  }
0x15f: {  	_ =	swait.ge [sflag:s12], $0x1000  }
0x160: {  	[sflag:s12] =	ssyncset.done $0x0  }
0x161: {  	s16 =	simm.s32 $0xE5C0;
	[sflag:s12] =	ssyncadd.s32 $0xFFFFF000  }
0x162: {  	[spmem:s2] =	stream.indirect.scatter.add.f32 [tilespmem:s7], [sflag:$0x2], $0x20, s16, s24, $0xb8;
	[tilespmem:$0x1CB40] =	vst v63  }
0x163: {  	_ =	swait.ge [sflag:s12], $0x1000  }
0x164: {  	[sflag:s12] =	ssyncset.done $0x0  }
0x165: {  	s17 =	simm.s32 $0xE640;
	[sflag:s12] =	ssyncadd.s32 $0xFFFFF000  }
0x166: {  	[spmem:s2] =	stream.indirect.scatter.add.f32 [tilespmem:s9], [sflag:$0x2], $0x20, s17, s24, $0xb8;
	[tilespmem:$0x1CB40] =	vst v63  }
0x167: {  	_ =	swait.ge [sflag:s12], $0x1000  }
0x168: {  	[sflag:s12] =	ssyncset.done $0x0  }
0x169: {  	s18 =	simm.s32 $0xE6C0;
	[sflag:s12] =	ssyncadd.s32 $0xFFFFF000  }
0x16a: {  	[spmem:s2] =	stream.indirect.scatter.add.f32 [tilespmem:s23], [sflag:$0x2], $0x20, s18, s24, $0xb8;
	[tilespmem:$0x1CB40] =	vst v63  }
0x16b: {  	_ =	swait.ge [sflag:s12], $0x1000  }
0x16c: {  	[sflag:s12] =	ssyncset.done $0x0  }
0x16d: {  	s22 =	simm.s32 $0xE740;
	[sflag:s12] =	ssyncadd.s32 $0xFFFFF000  }
0x16e: {  	[spmem:s2] =	stream.indirect.scatter.add.f32 [tilespmem:s29], [sflag:$0x2], $0x20, s22, s24, $0xb8;
	[tilespmem:$0x1CB40] =	vst v63  }
0x16f: {  	_ =	swait.ge [sflag:s12], $0x1000  }
0x170: {  	[sflag:s12] =	ssyncset.done $0x0  }
0x171: {  	s16 =	simm.s32 $0xE7C0;
	[sflag:s12] =	ssyncadd.s32 $0xFFFFF000  }
0x172: {  	[spmem:s2] =	stream.indirect.scatter.add.f32 [tilespmem:s1], [sflag:$0x2], $0x20, s16, s24, $0xb8;
	[tilespmem:$0x1CB40] =	vst v63  }
0x173: {  	_ =	swait.ge [sflag:s12], $0x1000  }
0x174: {  	[sflag:s12] =	ssyncset.done $0x0  }
0x175: {  	s17 =	simm.s32 $0xE840;
	[sflag:s12] =	ssyncadd.s32 $0xFFFFF000  }
0x176: {  	[spmem:s2] =	stream.indirect.scatter.add.f32 [tilespmem:s10], [sflag:$0x2], $0x20, s17, s24, $0xb8;
	[tilespmem:$0x1CB40] =	vst v63  }
0x177: {  	_ =	swait.ge [sflag:s12], $0x1000  }
0x178: {  	[sflag:s12] =	ssyncset.done $0x0  }
0x179: {  	s18 =	simm.s32 $0xE8C0;
	[sflag:s12] =	ssyncadd.s32 $0xFFFFF000  }
0x17a: {  	[spmem:s2] =	stream.indirect.scatter.add.f32 [tilespmem:s31], [sflag:$0x2], $0x20, s18, s24, $0xb8;
	[tilespmem:$0x1CB40] =	vst v63  }
0x17b: {  	_ =	swait.ge [sflag:s12], $0x1000  }
0x17c: {  	[sflag:s12] =	ssyncset.done $0x0  }
0x17d: {  	s22 =	simm.s32 $0xE940;
	[sflag:s12] =	ssyncadd.s32 $0xFFFFF000  }
0x17e: {  	[spmem:s2] =	stream.indirect.scatter.add.f32 [tilespmem:s26], [sflag:$0x2], $0x20, s22, s24, $0xb8;
	[tilespmem:$0x1CB40] =	vst v63  }
0x17f: {  	_ =	swait.ge [sflag:s12], $0x1000  }
0x180: {  	[sflag:s12] =	ssyncset.done $0x0  }
0x181: {  	s16 =	simm.s32 $0xE9C0;
	[sflag:s12] =	ssyncadd.s32 $0xFFFFF000  }
0x182: {  	[spmem:s2] =	stream.indirect.scatter.add.f32 [tilespmem:s8], [sflag:$0x2], $0x20, s16, s24, $0xb8;
	[tilespmem:$0x1CB40] =	vst v63  }
0x183: {  	_ =	swait.ge [sflag:s13], $0x1000  }
0x184: {  	[sflag:s13] =	ssyncset.done $0x0  }
0x185: {  	[sflag:s13] =	ssyncadd.s32 $0xFFFFF000  }
0x186: {  	_ =	swait.ge [sflag:s13], $0x1000  }
0x187: {  	[sflag:s13] =	ssyncset.done $0x0  }
0x188: {  	[sflag:s13] =	ssyncadd.s32 $0xFFFFF000  }
0x189: {  	_ =	swait.ge [sflag:s13], $0x1000  }
0x18a: {  	[sflag:s13] =	ssyncset.done $0x0  }
0x18b: {  	[sflag:s13] =	ssyncadd.s32 $0xFFFFF000  }
0x18c: {  	_ =	swait.ge [sflag:s13], $0x1000  }
0x18d: {  	[sflag:s13] =	ssyncset.done $0x0  }
0x18e: {  	[sflag:s13] =	ssyncadd.s32 $0xFFFFF000  }
0x18f: {  	_ =	swait.ge [sflag:s13], $0x1000  }
0x190: {  	[sflag:s13] =	ssyncset.done $0x0  }
0x191: {  	[sflag:s13] =	ssyncadd.s32 $0xFFFFF000  }
0x192: {  	_ =	swait.ge [sflag:s13], $0x1000  }
0x193: {  	[sflag:s13] =	ssyncset.done $0x0  }
0x194: {  	[sflag:s13] =	ssyncadd.s32 $0xFFFFF000  }
0x195: {  	_ =	swait.ge [sflag:s13], $0x1000  }
0x196: {  	[sflag:s13] =	ssyncset.done $0x0  }
0x197: {  	[sflag:s13] =	ssyncadd.s32 $0xFFFFF000  }
0x198: {  	_ =	swait.ge [sflag:s13], $0x1000  }
0x199: {  	[sflag:s13] =	ssyncset.done $0x0  }
0x19a: {  	[sflag:s13] =	ssyncadd.s32 $0xFFFFF000  }
0x19b: {  	_ =	swait.ge [sflag:s13], $0x1000  }
0x19c: {  	[sflag:s13] =	ssyncset.done $0x0  }
0x19d: {  	[sflag:s13] =	ssyncadd.s32 $0xFFFFF000  }
0x19e: {  	_ =	swait.ge [sflag:s13], $0x1000  }
0x19f: {  	[sflag:s13] =	ssyncset.done $0x0  }
0x1a0: {  	[sflag:s13] =	ssyncadd.s32 $0xFFFFF000  }
0x1a1: {  	_ =	swait.ge [sflag:s13], $0x1000  }
0x1a2: {  	[sflag:s13] =	ssyncset.done $0x0  }
0x1a3: {  	[sflag:s13] =	ssyncadd.s32 $0xFFFFF000  }
0x1a4: {  	_ =	swait.ge [sflag:s13], $0x1000  }
0x1a5: {  	[sflag:s13] =	ssyncset.done $0x0  }
0x1a6: {  	[sflag:s13] =	ssyncadd.s32 $0xFFFFF000  }
0x1a7: {  	_ =	swait.ge [sflag:s13], $0x1000  }
0x1a8: {  	[sflag:s13] =	ssyncset.done $0x0  }
0x1a9: {  	[sflag:s13] =	ssyncadd.s32 $0xFFFFF000  }
0x1aa: {  	[bflag:$0x0] =	sbarrier.arrive $0xFFFF  }
0x1ab: {  	s17 =	sshrl.u32 s5, $0x3;
	s18 =	rddreg [dreg:$0xb]  }
0x1ac: {  	[hbm:s18], [sflag:s19] =	dma.local [spmem:s17], $0x9C4  }
0x1ad: {  	_ =	swait.ge [sflag:s21], $0x9C4  }
0x1ae: {  	s14 =	sadd.s32 $0x1, s14;
	s22 =	rddreg [dreg:$0xc]  }
0x1af: {  	p3 =	sne.s32 s14, s22  }
.Ltmp3:
0x1b0: {  	_ = 	snop;
	(pc) =	sbr.rel @p3 .LBB2_1-.Ltmp3, $3  }
0x1b1: {  	_ =	sdelay $0x1  }
0x1b2: {  	[sflag:s21] =	ssyncset.done $0x0  }
0x1b3: {  	[sflag:s21] =	ssyncadd.s32 $0xFFFFF63C  }
0x1b4: {  	_ =	sfence.sel $0x180000  }
0x1b5: {  	[bflag:$0x0] =	sbarrier.arrive $0xFFFF  }
0x1b6: {  	_ =	strace $0x90000047  }
0x1b7: {  	s0 =	stileid.u32;
	[bflag:$0x2] =	sbarrier.arrive $0xFFFF  }
0x1b8: {  	p0 =	sne.s32 s0, $0x0;
	s0 =	rddreg [dreg:$0x3]  }
0x1b9: {  	s0 =	sadd.s32 @!p0 $0x100000, s0  }
0x1ba: {  	[sflag:s0] =	ssyncadd.tile.s32 @!p0 $0x1;
	_ =	shalt  }
.Lfunc_end2:
_tile_overlayer_lowered:
.L_overlay_start_2:
0x1bb: {  	(tag) =	ssettag $0x2  }
0x1bc: {  	s0 =	rddreg [dreg:$0x0];
	s2 =	stileid.u32  }
0x1bd: {  	s1 =	rddreg [dreg:$0x1];
	p0 =	sne.s32 s2, $0x0  }
0x1be: {  	s3 =	rddreg [dreg:$0x2];
	[bflag:$0x3] =	sbarrier.arrive $0xFFFF;
	s2 =	simm.s32 @!p0 $0x1C03  }
0x1bf: {  	[timem:s3], [sflag:s2] =	dma.local @!p0 [hbm:s0], s1  }
0x1c0: {  	s0 =	simm.s32 @!p0 $0x3  }
0x1c1: {  	_ =	swait.ge @!p0 [sflag:s0], s1  }
0x1c2: {  	s1 =	ssub.s32 @!p0 $0x0, s1;
	[sflag:s0] =	ssyncset.done @!p0 $0x0  }
0x1c3: {  	[sflag:s0] =	ssyncadd.s32 @!p0 s1  }
0x1c4: {  	[bflag:$0x3] =	sbarrier.arrive $0xFFFF  }
0x1c5: {  	_ =	shalt  }

</sc_bundles>
